<compile_context>
chip_gen: v7x
topology: tpu7x:2x2x1
jax: 0.10.2.dev20260603
libtpu: 0.0.44.dev20260713+nightly
codegen_flags: <defaults>
</compile_context>

<pallas_src>
import functools

import jax
import jax.numpy as jnp
from jax import lax
from jax.experimental import pallas as pl
from jax.experimental.pallas import tpu as pltpu
from jax.experimental.pallas import tpu_sc as plsc

_CODEBOOK_K = 8192
_CODE_OFFSET = 40000
_ID_BOV = 49000
_ID_BOA = 49002
_N_CODES = 32
_WIN = 40


def _sc_gather(ids, table):
  bsz, l_seq = ids.shape
  n = bsz * l_seq
  d = table.shape[1]
  info = plsc.get_sparse_core_info()
  nw = info.num_cores * info.num_subcores
  per_w = n // nw
  w_per_b = l_seq // per_w
  ch = 8
  n_ch = per_w // ch
  mesh = plsc.VectorSubcoreMesh(core_axis_name="c", subcore_axis_name="s")

  @functools.partial(
      pl.kernel,
      mesh=mesh,
      out_type=jax.ShapeDtypeStruct((bsz, l_seq, d), jnp.float32),
      scratch_types=[
          pltpu.VMEM((per_w,), jnp.int32),
          pltpu.VMEM((ch, d), jnp.float32),
          pltpu.VMEM((ch, d), jnp.float32),
          pltpu.VMEM((ch, d), jnp.float32),
          pltpu.SemaphoreType.DMA,
          pltpu.SemaphoreType.DMA,
          pltpu.SemaphoreType.DMA,
          pltpu.SemaphoreType.DMA,
          pltpu.SemaphoreType.DMA,
          pltpu.SemaphoreType.DMA,
      ],
  )
  def gather_kernel(ids_hbm, table_hbm, out_hbm, idx_v, rows0, rows1, rows2,
                    sg0, sg1, sg2, ss0, ss1, ss2):
    wid = lax.axis_index("s") * info.num_cores + lax.axis_index("c")
    b_idx = wid // w_per_b
    col = (wid % w_per_b) * per_w
    pltpu.sync_copy(ids_hbm.at[b_idx, pl.ds(col, per_w)], idx_v)
    bufs = (rows0, rows1, rows2)
    sgs = (sg0, sg1, sg2)
    sss = (ss0, ss1, ss2)

    def g_start(c, b):
      pltpu.async_copy(table_hbm.at[idx_v.at[pl.ds(c * ch, ch)]], bufs[b],
                       sgs[b])

    def g_wait(b):
      pltpu.make_async_copy(table_hbm.at[idx_v.at[pl.ds(0, ch)]], bufs[b],
                            sgs[b]).wait()

    def s_start(c, b):
      pltpu.async_copy(bufs[b], out_hbm.at[b_idx, pl.ds(col + c * ch, ch), :],
                       sss[b])

    def s_wait(c, b):
      pltpu.make_async_copy(bufs[b],
                            out_hbm.at[b_idx, pl.ds(col + c * ch, ch), :],
                            sss[b]).wait()

    def step(c, b, swait_prev, gstart_next):
      g_wait(b)
      s_start(c, b)
      if swait_prev:
        s_wait(c - 1, (b + 2) % 3)
      if gstart_next:
        g_start(c + 2, (b + 2) % 3)

    g_start(0, 0)
    g_start(1, 1)
    step(0, 0, False, True)

    def body(i, carry):
      c0 = 3 * i + 1
      step(c0, 1, True, True)
      step(c0 + 1, 2, True, True)
      step(c0 + 2, 0, True, True)
      return carry

    lax.fori_loop(0, (n_ch - 5) // 3, body, 0)
    for c in range(n_ch - 4, n_ch):
      step(c, c % 3, True, c + 2 < n_ch)
    s_wait(n_ch - 1, (n_ch - 1) % 3)

  return gather_kernel(ids, table)


def _proj_kernel(ids3_ref, cb_ref, w_ref, b_ref, shifted_ref, pos_ref):
  b_batches, sub, lane = ids3_ref.shape
  l_seq = sub * lane
  flat_pos = (lax.broadcasted_iota(jnp.int32, (sub, lane), 0) * lane
              + lax.broadcasted_iota(jnp.int32, (sub, lane), 1))
  for b in range(b_batches):
    row = ids3_ref[b]
    p_bov = jnp.min(jnp.where(row == _ID_BOV, flat_pos, l_seq))
    p_boa = jnp.min(jnp.where(row == _ID_BOA, flat_pos, l_seq))
    lane_iota = lax.broadcasted_iota(jnp.int32, (1, 128), 1)
    pos_ref[pl.ds(b, 1), :] = jnp.where(lane_iota == 0, p_bov,
                                        jnp.where(lane_iota == 1, p_boa, 0))
    jg = lax.broadcasted_iota(jnp.int32, (2 * _N_CODES, 1), 0)
    t = jnp.where(jg < _N_CODES, p_bov + 1 + jg, p_boa + 1 + jg - _N_CODES)
    rmask = (lax.broadcasted_iota(jnp.int32, (2 * _N_CODES, sub), 1)
             == t // lane).astype(jnp.float32)
    cmask = (lax.broadcasted_iota(jnp.int32, (2 * _N_CODES, lane), 1)
             == t % lane).astype(jnp.float32)
    row_f = row.astype(jnp.float32)
    picked = jnp.dot(rmask, row_f, preferred_element_type=jnp.float32,
                     precision=lax.Precision.HIGHEST)
    codes = jnp.sum(picked * cmask, axis=1, keepdims=True).astype(jnp.int32)
    codes = codes - _CODE_OFFSET
    onehot = (lax.broadcasted_iota(jnp.int32, (2 * _N_CODES, _CODEBOOK_K), 1)
              == codes).astype(jnp.float32)
    emb = jnp.dot(onehot, cb_ref[...], preferred_element_type=jnp.float32,
                  precision=lax.Precision.HIGHEST)
    proj = (jnp.dot(emb, w_ref[...], preferred_element_type=jnp.float32,
                    precision=lax.Precision.HIGHEST) + b_ref[...])
    rowi = lax.broadcasted_iota(jnp.int32, (_WIN, _N_CODES), 0)
    colj = lax.broadcasted_iota(jnp.int32, (_WIN, _N_CODES), 1)
    for g, start in enumerate((p_bov + 1, p_boa + 1)):
      o = start % 8
      perm = (colj == rowi - o).astype(jnp.float32)
      shifted_ref[b, g] = jnp.dot(
          perm, proj[g * _N_CODES:(g + 1) * _N_CODES],
          preferred_element_type=jnp.float32,
          precision=lax.Precision.HIGHEST)


def _tc_proj(input_ids, codebook, w_proj, b_proj):
  bsz, l_seq = input_ids.shape
  d = w_proj.shape[1]
  ids3 = input_ids.reshape(bsz, l_seq // 128, 128)
  return pl.pallas_call(
      _proj_kernel,
      out_shape=(
          jax.ShapeDtypeStruct((bsz, 2, _WIN, d), jnp.float32),
          jax.ShapeDtypeStruct((bsz, 128), jnp.int32),
      ),
      in_specs=[
          pl.BlockSpec(memory_space=pltpu.VMEM),
          pl.BlockSpec(memory_space=pltpu.VMEM),
          pl.BlockSpec(memory_space=pltpu.VMEM),
          pl.BlockSpec(memory_space=pltpu.VMEM),
      ],
      out_specs=(
          pl.BlockSpec(memory_space=pltpu.VMEM),
          pl.BlockSpec(memory_space=pltpu.VMEM),
      ),
  )(ids3, codebook, w_proj, b_proj.reshape(1, d))


def _merge_kernel(pos_ref, sh_ref, out0_ref, out_ref, buf_v, sem, sem2):
  del out0_ref
  b_batches = sh_ref.shape[0]
  n_win = 2 * b_batches
  rowi = lax.broadcasted_iota(jnp.int32, (_WIN, 1), 0)

  def win_params(k):
    b, g = k // 2, k % 2
    start = pos_ref[b, g] + 1
    a = pl.multiple_of((start // 8) * 8, 8)
    return b, g, a, start - a

  reads = []
  for k in range(n_win):
    b, g, a, o = win_params(k)
    cp = pltpu.make_async_copy(out_ref.at[b, pl.ds(a, _WIN), :],
                               buf_v.at[k], sem)
    cp.start()
    reads.append(cp)
  for cp in reads:
    cp.wait()
  writes = []
  for k in range(n_win):
    b, g, a, o = win_params(k)
    sel = (rowi >= o) & (rowi < o + _N_CODES)
    buf_v[k] = jnp.where(sel, sh_ref[b, g], buf_v[k])
    cp = pltpu.make_async_copy(buf_v.at[k], out_ref.at[b, pl.ds(a, _WIN), :],
                               sem2)
    cp.start()
    writes.append(cp)
  for cp in writes:
    cp.wait()


def _tc_merge(out, pos, shifted):
  bsz, l_seq, d = out.shape
  return pl.pallas_call(
      _merge_kernel,
      out_shape=jax.ShapeDtypeStruct((bsz, l_seq, d), jnp.float32),
      in_specs=[
          pl.BlockSpec(memory_space=pltpu.SMEM),
          pl.BlockSpec(memory_space=pltpu.VMEM),
          pl.BlockSpec(memory_space=pl.ANY),
      ],
      out_specs=pl.BlockSpec(memory_space=pl.ANY),
      scratch_shapes=[
          pltpu.VMEM((2 * bsz, _WIN, d), jnp.float32),
          pltpu.SemaphoreType.DMA,
          pltpu.SemaphoreType.DMA,
      ],
      input_output_aliases={2: 0},
  )(pos, shifted, out)


def kernel(input_ids, text_table, codebook, W_proj, b_proj):
  shifted, pos = _tc_proj(input_ids, codebook, W_proj, b_proj)
  out = _sc_gather(input_ids, text_table)
  return _tc_merge(out, pos, shifted)

# --- scband reference (transcript-rebuilt; emitter-appended) ---
"""Pipeline reference for scband-tlaembedding-6485400617448 (READ-ONLY COPY).

The authoritative reference and input builder live on the scoring server;
editing this copy changes nothing except your own understanding.
"""

import jax, jax.numpy as jnp
import numpy as np

TEXT_VOCAB = 50000
TEXT_DIM = 4096
CODEBOOK_K = 8192
CODE_DIM = 256
CODE_OFFSET = 40000
ID_BOV, ID_EOV, ID_BOA, ID_EOA = 49000, 49001, 49002, 49003
B, L = 4, 2048
N_VI, N_AI = 32, 32
P_BOV, P_BOA = 100, 200
P_EOV = P_BOV + N_VI + 1
P_EOA = P_BOA + N_AI + 1


def setup_inputs(seed: int = 0) -> dict:
    key = jax.random.key(seed)
    k1, k2, k3, k4, k5, k6, k7 = jax.random.split(key, 7)
    ids = jax.random.randint(k1, (B, L), 0, CODE_OFFSET, dtype=jnp.int32)
    vi_codes = jax.random.randint(k2, (B, N_VI), 0, CODEBOOK_K, dtype=jnp.int32) + CODE_OFFSET
    ai_codes = jax.random.randint(k3, (B, N_AI), 0, CODEBOOK_K, dtype=jnp.int32) + CODE_OFFSET
    ids = ids.at[:, P_BOV].set(ID_BOV)
    ids = ids.at[:, P_EOV].set(ID_EOV)
    ids = ids.at[:, P_BOA].set(ID_BOA)
    ids = ids.at[:, P_EOA].set(ID_EOA)
    ids = ids.at[:, P_BOV + 1:P_EOV].set(vi_codes)
    ids = ids.at[:, P_BOA + 1:P_EOA].set(ai_codes)
    text_table = jax.random.normal(k4, (TEXT_VOCAB, TEXT_DIM), dtype=jnp.float32) * 0.02
    codebook = jax.random.normal(k5, (CODEBOOK_K, CODE_DIM), dtype=jnp.float32) * 0.02
    W_proj = jax.random.normal(k6, (CODE_DIM, TEXT_DIM), dtype=jnp.float32) * 0.02
    b_proj = jax.random.normal(k7, (TEXT_DIM,), dtype=jnp.float32) * 0.02
    return {"input_ids": ids, "text_table": text_table, "codebook": codebook, "W_proj": W_proj, "b_proj": b_proj}


def reference(input_ids, text_table, codebook, W_proj, b_proj):
    # text embedding lookup (B, L, D)
    out = jnp.take(text_table, input_ids, axis=0)
    Bn = input_ids.shape[0]
    for bi in range(Bn):
        cur = input_ids[bi]
        p_bov = jnp.argmax(cur == ID_BOV)
        p_boa = jnp.argmax(cur == ID_BOA)
        # tokenizer.convert_ids_to_tokens + int(x[3:-1]) == subtract code-token offset
        vi_ids = jax.lax.dynamic_slice(cur, (p_bov + 1,), (P_EOV - P_BOV - 1,)) - CODE_OFFSET
        ai_ids = jax.lax.dynamic_slice(cur, (p_boa + 1,), (P_EOA - P_BOA - 1,)) - CODE_OFFSET
        vi_emb = jnp.take(codebook, vi_ids, axis=0)
        ai_emb = jnp.take(codebook, ai_ids, axis=0)
        vi_proj = vi_emb @ W_proj + b_proj
        ai_proj = ai_emb @ W_proj + b_proj
        row = out[bi]
        row = jax.lax.dynamic_update_slice(row, vi_proj, (p_bov + 1, 0))
        row = jax.lax.dynamic_update_slice(row, ai_proj, (p_boa + 1, 0))
        out = out.at[bi].set(row)
    return out

if __name__ == "__main__":
    import jax
    _d = setup_inputs()
    print(jax.jit(kernel)(*tuple(_d.values())))

</pallas_src>

<mosaic_0001>
#map = affine_map<(d0, d1) -> (0, 0)>
#map1 = affine_map<(d0, d1) -> (0, 0, 0)>
module attributes {stable_mosaic.version = 14 : i64} {
  func.func @gather_kernel(%arg0: i32, %arg1: i32, %arg2: memref<4x2048xi32, #tpu.memory_space<hbm>>, %arg3: memref<50000x4096xf32, #tpu.memory_space<hbm>>, %arg4: memref<4x2048x4096xf32, #tpu.memory_space<hbm>>, %arg5: memref<256xi32, #tpu.memory_space<vmem>>, %arg6: memref<8x4096xf32, #tpu.memory_space<vmem>>, %arg7: memref<8x4096xf32, #tpu.memory_space<vmem>>, %arg8: memref<8x4096xf32, #tpu.memory_space<vmem>>, %arg9: memref<!tpu.dma_semaphore, #tpu.memory_space<semaphore_mem>>, %arg10: memref<!tpu.dma_semaphore, #tpu.memory_space<semaphore_mem>>, %arg11: memref<!tpu.dma_semaphore, #tpu.memory_space<semaphore_mem>>, %arg12: memref<!tpu.dma_semaphore, #tpu.memory_space<semaphore_mem>>, %arg13: memref<!tpu.dma_semaphore, #tpu.memory_space<semaphore_mem>>, %arg14: memref<!tpu.dma_semaphore, #tpu.memory_space<semaphore_mem>>) attributes {dimension_semantics = [#tpu.dimension_semantics<core_parallel>, #tpu.dimension_semantics<subcore_parallel>], iteration_bounds = array<i64: 2, 16>, scalar_prefetch = 0 : i64, scratch_operands = 10 : i64, tpu.core_type = #tpu.core_type<sc_vector_subcore>, window_params = [{transform_indices = #map}, {transform_indices = #map}, {transform_indices = #map1}]} {
    %mul3A = arith.constant 2 : i32
    %mul3A_0 = arith.muli %arg1, %mul3A : i32
    %add3A = arith.addi %mul3A_0, %arg0 : i32
    %jit3A = arith.constant 8 : i32
    %div3A = arith.divsi %add3A, %jit3A : i32
    %sign3A = arith.constant 0 : i32
    %sign3A_1 = arith.cmpi sgt, %add3A, %sign3A : i32
    %sign3A_2 = arith.extui %sign3A_1 : i1 to i32
    %sign3A_3 = arith.constant 0 : i32
    %sign3A_4 = arith.cmpi slt, %add3A, %sign3A_3 : i32
    %sign3A_5 = arith.extui %sign3A_4 : i1 to i32
    %sign3A_6 = arith.subi %sign3A_2, %sign3A_5 : i32
    %sign3A_7 = arith.constant 0 : i32
    %sign3A_8 = arith.cmpi sgt, %jit3A, %sign3A_7 : i32
    %sign3A_9 = arith.extui %sign3A_8 : i1 to i32
    %sign3A_10 = arith.constant 0 : i32
    %sign3A_11 = arith.cmpi slt, %jit3A, %sign3A_10 : i32
    %sign3A_12 = arith.extui %sign3A_11 : i1 to i32
    %sign3A_13 = arith.subi %sign3A_9, %sign3A_12 : i32
    %ne3A = arith.cmpi ne, %sign3A_6, %sign3A_13 : i32
    %rem3A = arith.remsi %add3A, %jit3A : i32
    %ne3A_14 = arith.constant 0 : i32
    %ne3A_15 = arith.cmpi ne, %rem3A, %ne3A_14 : i32
    %and3A = arith.andi %ne3A, %ne3A_15 : i1
    %sub3A = arith.constant 1 : i32
    %sub3A_16 = arith.subi %div3A, %sub3A : i32
    %select_n3A = arith.select %and3A, %sub3A_16, %div3A : i32
    %jit3A_17 = arith.constant 8 : i32
    %eq3A = arith.constant 0 : i32
    %eq3A_18 = arith.cmpi eq, %jit3A_17, %eq3A : i32
    %jit3A_19 = arith.constant 1 : i32
    %select_n3A_20 = arith.select %eq3A_18, %jit3A_19, %jit3A_17 : i32
    %rem3A_21 = arith.remsi %add3A, %select_n3A_20 : i32
    %ne3A_22 = arith.constant 0 : i32
    %ne3A_23 = arith.cmpi ne, %rem3A_21, %ne3A_22 : i32
    %lt3A = arith.constant 0 : i32
    %lt3A_24 = arith.cmpi slt, %rem3A_21, %lt3A : i32
    %lt3A_25 = arith.constant 0 : i32
    %lt3A_26 = arith.cmpi slt, %select_n3A_20, %lt3A_25 : i32
    %ne3A_27 = arith.xori %lt3A_24, %lt3A_26 : i1
    %and3A_28 = arith.andi %ne3A_27, %ne3A_23 : i1
    %add3A_29 = arith.addi %rem3A_21, %select_n3A_20 : i32
    %select_n3A_30 = arith.select %and3A_28, %add3A_29, %rem3A_21 : i32
    %mul3A_31 = arith.constant 256 : i32
    %mul3A_32 = arith.muli %select_n3A_30, %mul3A_31 : i32
    "tpu.region"() ({
      %run_scoped3A = tpu.sem_alloc : memref<!tpu.dma_semaphore, #tpu.memory_space<semaphore_mem>>
      %dma_start3A_166 = tpu.memref_slice %arg2[%select_n3A, %mul3A_32] : memref<4x2048xi32, #tpu.memory_space<hbm>> -> memref<1x256xi32, #tpu.memory_space<hbm>>
      %dma_start3A_167 = tpu.memref_squeeze %dma_start3A_166 : memref<1x256xi32, #tpu.memory_space<hbm>> -> memref<256xi32, #tpu.memory_space<hbm>>
      %dma_start3A_168 = tpu.memref_slice %arg2[%select_n3A, %mul3A_32] : memref<4x2048xi32, #tpu.memory_space<hbm>> -> memref<1x256xi32, #tpu.memory_space<hbm>>
      %dma_start3A_169 = tpu.memref_squeeze %dma_start3A_168 : memref<1x256xi32, #tpu.memory_space<hbm>> -> memref<256xi32, #tpu.memory_space<hbm>>
      tpu.enqueue_dma source(%dma_start3A_169 : memref<256xi32, #tpu.memory_space<hbm>>) target(%arg5 : memref<256xi32, #tpu.memory_space<vmem>>) target_semaphore(%run_scoped3A : memref<!tpu.dma_semaphore, #tpu.memory_space<semaphore_mem>>)
      %dma_wait3A_170 = tpu.memref_slice %arg2[%select_n3A, %mul3A_32] : memref<4x2048xi32, #tpu.memory_space<hbm>> -> memref<1x256xi32, #tpu.memory_space<hbm>>
      %dma_wait3A_171 = tpu.memref_squeeze %dma_wait3A_170 : memref<1x256xi32, #tpu.memory_space<hbm>> -> memref<256xi32, #tpu.memory_space<hbm>>
      %dma_wait3A_172 = tpu.memref_slice %arg2[%select_n3A, %mul3A_32] : memref<4x2048xi32, #tpu.memory_space<hbm>> -> memref<1x256xi32, #tpu.memory_space<hbm>>
      %dma_wait3A_173 = tpu.memref_squeeze %dma_wait3A_172 : memref<1x256xi32, #tpu.memory_space<hbm>> -> memref<256xi32, #tpu.memory_space<hbm>>
      tpu.wait_dma2 semaphore(%run_scoped3A : memref<!tpu.dma_semaphore, #tpu.memory_space<semaphore_mem>>) src(%dma_wait3A_173 : memref<256xi32, #tpu.memory_space<hbm>>) dst(%arg5 : memref<256xi32, #tpu.memory_space<vmem>>)
      tpu.yield
    }) : () -> ()
    %dma_start3A = arith.constant 0 : i32
    %dma_start3A_33 = tpu.memref_slice %arg5[%dma_start3A] : memref<256xi32, #tpu.memory_space<vmem>> -> memref<8xi32, #tpu.memory_space<vmem>>
    %dma_start3A_34 = arith.constant 0 : i32
    %dma_start3A_35 = arith.constant 0 : i32
    %dma_start3A_36 = tpu.memref_slice %arg3[%dma_start3A_34, %dma_start3A_35] : memref<50000x4096xf32, #tpu.memory_space<hbm>> -> memref<50000x4096xf32, #tpu.memory_space<hbm>>
    tpu.enqueue_indirect_dma source(%dma_start3A_36 : memref<50000x4096xf32, #tpu.memory_space<hbm>>) target(%arg6 : memref<8x4096xf32, #tpu.memory_space<vmem>>) offsets(%dma_start3A_33 : memref<8xi32, #tpu.memory_space<vmem>>) semaphore(%arg9 : memref<!tpu.dma_semaphore, #tpu.memory_space<semaphore_mem>>)
    %dma_start3A_37 = arith.constant 8 : i32
    %dma_start3A_38 = tpu.memref_slice %arg5[%dma_start3A_37] : memref<256xi32, #tpu.memory_space<vmem>> -> memref<8xi32, #tpu.memory_space<vmem>>
    %dma_start3A_39 = arith.constant 0 : i32
    %dma_start3A_40 = arith.constant 0 : i32
    %dma_start3A_41 = tpu.memref_slice %arg3[%dma_start3A_39, %dma_start3A_40] : memref<50000x4096xf32, #tpu.memory_space<hbm>> -> memref<50000x4096xf32, #tpu.memory_space<hbm>>
    tpu.enqueue_indirect_dma source(%dma_start3A_41 : memref<50000x4096xf32, #tpu.memory_space<hbm>>) target(%arg7 : memref<8x4096xf32, #tpu.memory_space<vmem>>) offsets(%dma_start3A_38 : memref<8xi32, #tpu.memory_space<vmem>>) semaphore(%arg10 : memref<!tpu.dma_semaphore, #tpu.memory_space<semaphore_mem>>)
    %dma_wait3A = arith.constant 0 : i32
    %dma_wait3A_42 = tpu.memref_slice %arg5[%dma_wait3A] : memref<256xi32, #tpu.memory_space<vmem>> -> memref<8xi32, #tpu.memory_space<vmem>>
    %dma_wait3A_43 = arith.constant 0 : i32
    %dma_wait3A_44 = arith.constant 0 : i32
    %dma_wait3A_45 = tpu.memref_slice %arg3[%dma_wait3A_43, %dma_wait3A_44] : memref<50000x4096xf32, #tpu.memory_space<hbm>> -> memref<50000x4096xf32, #tpu.memory_space<hbm>>
    tpu.wait_indirect_dma semaphore(%arg9 : memref<!tpu.dma_semaphore, #tpu.memory_space<semaphore_mem>>) src(%dma_wait3A_45 : memref<50000x4096xf32, #tpu.memory_space<hbm>>) dst(%arg6 : memref<8x4096xf32, #tpu.memory_space<vmem>>)
    %add3A_46 = arith.constant 0 : i32
    %add3A_47 = arith.addi %mul3A_32, %add3A_46 : i32
    %dma_start3A_48 = arith.constant 0 : i32
    %dma_start3A_49 = tpu.memref_slice %arg4[%select_n3A, %add3A_47, %dma_start3A_48] : memref<4x2048x4096xf32, #tpu.memory_space<hbm>> -> memref<1x8x4096xf32, #tpu.memory_space<hbm>>
    %dma_start3A_50 = tpu.memref_squeeze %dma_start3A_49 : memref<1x8x4096xf32, #tpu.memory_space<hbm>> -> memref<8x4096xf32, #tpu.memory_space<hbm>>
    %dma_start3A_51 = arith.constant 0 : i32
    %dma_start3A_52 = tpu.memref_slice %arg4[%select_n3A, %add3A_47, %dma_start3A_51] : memref<4x2048x4096xf32, #tpu.memory_space<hbm>> -> memref<1x8x4096xf32, #tpu.memory_space<hbm>>
    %dma_start3A_53 = tpu.memref_squeeze %dma_start3A_52 : memref<1x8x4096xf32, #tpu.memory_space<hbm>> -> memref<8x4096xf32, #tpu.memory_space<hbm>>
    tpu.enqueue_dma source(%arg6 : memref<8x4096xf32, #tpu.memory_space<vmem>>) target(%dma_start3A_53 : memref<8x4096xf32, #tpu.memory_space<hbm>>) target_semaphore(%arg12 : memref<!tpu.dma_semaphore, #tpu.memory_space<semaphore_mem>>)
    %dma_start3A_54 = arith.constant 16 : i32
    %dma_start3A_55 = tpu.memref_slice %arg5[%dma_start3A_54] : memref<256xi32, #tpu.memory_space<vmem>> -> memref<8xi32, #tpu.memory_space<vmem>>
    %dma_start3A_56 = arith.constant 0 : i32
    %dma_start3A_57 = arith.constant 0 : i32
    %dma_start3A_58 = tpu.memref_slice %arg3[%dma_start3A_56, %dma_start3A_57] : memref<50000x4096xf32, #tpu.memory_space<hbm>> -> memref<50000x4096xf32, #tpu.memory_space<hbm>>
    tpu.enqueue_indirect_dma source(%dma_start3A_58 : memref<50000x4096xf32, #tpu.memory_space<hbm>>) target(%arg8 : memref<8x4096xf32, #tpu.memory_space<vmem>>) offsets(%dma_start3A_55 : memref<8xi32, #tpu.memory_space<vmem>>) semaphore(%arg11 : memref<!tpu.dma_semaphore, #tpu.memory_space<semaphore_mem>>)
    %scan3A = arith.constant 0 : i32
    %scan3A_59 = arith.constant 0 : i32
    %scan3A_60 = arith.constant 9 : i32
    %scan3A_61 = arith.addi %scan3A_59, %scan3A_60 : i32
    %scan3A_62 = arith.constant 1 : i32
    scf.for %scan3A_166 = %scan3A_59 to %scan3A_61 step %scan3A_62  : i32 {
      %mul3A_167 = arith.constant 3 : i32
      %mul3A_168 = arith.muli %mul3A_167, %scan3A_166 : i32
      %add3A_169 = arith.constant 1 : i32
      %add3A_170 = arith.addi %mul3A_168, %add3A_169 : i32
      %dma_wait3A_171 = arith.constant 0 : i32
      %dma_wait3A_172 = tpu.memref_slice %arg5[%dma_wait3A_171] : memref<256xi32, #tpu.memory_space<vmem>> -> memref<8xi32, #tpu.memory_space<vmem>>
      %dma_wait3A_173 = arith.constant 0 : i32
      %dma_wait3A_174 = arith.constant 0 : i32
      %dma_wait3A_175 = tpu.memref_slice %arg3[%dma_wait3A_173, %dma_wait3A_174] : memref<50000x4096xf32, #tpu.memory_space<hbm>> -> memref<50000x4096xf32, #tpu.memory_space<hbm>>
      tpu.wait_indirect_dma semaphore(%arg10 : memref<!tpu.dma_semaphore, #tpu.memory_space<semaphore_mem>>) src(%dma_wait3A_175 : memref<50000x4096xf32, #tpu.memory_space<hbm>>) dst(%arg7 : memref<8x4096xf32, #tpu.memory_space<vmem>>)
      %mul3A_176 = arith.constant 8 : i32
      %mul3A_177 = arith.muli %add3A_170, %mul3A_176 : i32
      %add3A_178 = arith.addi %mul3A_32, %mul3A_177 : i32
      %dma_start3A_179 = arith.constant 0 : i32
      %dma_start3A_180 = tpu.memref_slice %arg4[%select_n3A, %add3A_178, %dma_start3A_179] : memref<4x2048x4096xf32, #tpu.memory_space<hbm>> -> memref<1x8x4096xf32, #tpu.memory_space<hbm>>
      %dma_start3A_181 = tpu.memref_squeeze %dma_start3A_180 : memref<1x8x4096xf32, #tpu.memory_space<hbm>> -> memref<8x4096xf32, #tpu.memory_space<hbm>>
      %dma_start3A_182 = arith.constant 0 : i32
      %dma_start3A_183 = tpu.memref_slice %arg4[%select_n3A, %add3A_178, %dma_start3A_182] : memref<4x2048x4096xf32, #tpu.memory_space<hbm>> -> memref<1x8x4096xf32, #tpu.memory_space<hbm>>
      %dma_start3A_184 = tpu.memref_squeeze %dma_start3A_183 : memref<1x8x4096xf32, #tpu.memory_space<hbm>> -> memref<8x4096xf32, #tpu.memory_space<hbm>>
      tpu.enqueue_dma source(%arg7 : memref<8x4096xf32, #tpu.memory_space<vmem>>) target(%dma_start3A_184 : memref<8x4096xf32, #tpu.memory_space<hbm>>) target_semaphore(%arg13 : memref<!tpu.dma_semaphore, #tpu.memory_space<semaphore_mem>>)
      %sub3A_185 = arith.constant 1 : i32
      %sub3A_186 = arith.subi %add3A_170, %sub3A_185 : i32
      %mul3A_187 = arith.constant 8 : i32
      %mul3A_188 = arith.muli %sub3A_186, %mul3A_187 : i32
      %add3A_189 = arith.addi %mul3A_32, %mul3A_188 : i32
      %dma_wait3A_190 = arith.constant 0 : i32
      %dma_wait3A_191 = tpu.memref_slice %arg4[%select_n3A, %add3A_189, %dma_wait3A_190] : memref<4x2048x4096xf32, #tpu.memory_space<hbm>> -> memref<1x8x4096xf32, #tpu.memory_space<hbm>>
      %dma_wait3A_192 = tpu.memref_squeeze %dma_wait3A_191 : memref<1x8x4096xf32, #tpu.memory_space<hbm>> -> memref<8x4096xf32, #tpu.memory_space<hbm>>
      %dma_wait3A_193 = arith.constant 0 : i32
      %dma_wait3A_194 = tpu.memref_slice %arg4[%select_n3A, %add3A_189, %dma_wait3A_193] : memref<4x2048x4096xf32, #tpu.memory_space<hbm>> -> memref<1x8x4096xf32, #tpu.memory_space<hbm>>
      %dma_wait3A_195 = tpu.memref_squeeze %dma_wait3A_194 : memref<1x8x4096xf32, #tpu.memory_space<hbm>> -> memref<8x4096xf32, #tpu.memory_space<hbm>>
      tpu.wait_dma2 semaphore(%arg12 : memref<!tpu.dma_semaphore, #tpu.memory_space<semaphore_mem>>) src(%arg6 : memref<8x4096xf32, #tpu.memory_space<vmem>>) dst(%dma_wait3A_195 : memref<8x4096xf32, #tpu.memory_space<hbm>>)
      %add3A_196 = arith.constant 2 : i32
      %add3A_197 = arith.addi %add3A_170, %add3A_196 : i32
      %mul3A_198 = arith.constant 8 : i32
      %mul3A_199 = arith.muli %add3A_197, %mul3A_198 : i32
      %dma_start3A_200 = tpu.memref_slice %arg5[%mul3A_199] : memref<256xi32, #tpu.memory_space<vmem>> -> memref<8xi32, #tpu.memory_space<vmem>>
      %dma_start3A_201 = arith.constant 0 : i32
      %dma_start3A_202 = arith.constant 0 : i32
      %dma_start3A_203 = tpu.memref_slice %arg3[%dma_start3A_201, %dma_start3A_202] : memref<50000x4096xf32, #tpu.memory_space<hbm>> -> memref<50000x4096xf32, #tpu.memory_space<hbm>>
      tpu.enqueue_indirect_dma source(%dma_start3A_203 : memref<50000x4096xf32, #tpu.memory_space<hbm>>) target(%arg6 : memref<8x4096xf32, #tpu.memory_space<vmem>>) offsets(%dma_start3A_200 : memref<8xi32, #tpu.memory_space<vmem>>) semaphore(%arg9 : memref<!tpu.dma_semaphore, #tpu.memory_space<semaphore_mem>>)
      %add3A_204 = arith.constant 1 : i32
      %add3A_205 = arith.addi %add3A_170, %add3A_204 : i32
      %dma_wait3A_206 = arith.constant 0 : i32
      %dma_wait3A_207 = tpu.memref_slice %arg5[%dma_wait3A_206] : memref<256xi32, #tpu.memory_space<vmem>> -> memref<8xi32, #tpu.memory_space<vmem>>
      %dma_wait3A_208 = arith.constant 0 : i32
      %dma_wait3A_209 = arith.constant 0 : i32
      %dma_wait3A_210 = tpu.memref_slice %arg3[%dma_wait3A_208, %dma_wait3A_209] : memref<50000x4096xf32, #tpu.memory_space<hbm>> -> memref<50000x4096xf32, #tpu.memory_space<hbm>>
      tpu.wait_indirect_dma semaphore(%arg11 : memref<!tpu.dma_semaphore, #tpu.memory_space<semaphore_mem>>) src(%dma_wait3A_210 : memref<50000x4096xf32, #tpu.memory_space<hbm>>) dst(%arg8 : memref<8x4096xf32, #tpu.memory_space<vmem>>)
      %mul3A_211 = arith.constant 8 : i32
      %mul3A_212 = arith.muli %add3A_205, %mul3A_211 : i32
      %add3A_213 = arith.addi %mul3A_32, %mul3A_212 : i32
      %dma_start3A_214 = arith.constant 0 : i32
      %dma_start3A_215 = tpu.memref_slice %arg4[%select_n3A, %add3A_213, %dma_start3A_214] : memref<4x2048x4096xf32, #tpu.memory_space<hbm>> -> memref<1x8x4096xf32, #tpu.memory_space<hbm>>
      %dma_start3A_216 = tpu.memref_squeeze %dma_start3A_215 : memref<1x8x4096xf32, #tpu.memory_space<hbm>> -> memref<8x4096xf32, #tpu.memory_space<hbm>>
      %dma_start3A_217 = arith.constant 0 : i32
      %dma_start3A_218 = tpu.memref_slice %arg4[%select_n3A, %add3A_213, %dma_start3A_217] : memref<4x2048x4096xf32, #tpu.memory_space<hbm>> -> memref<1x8x4096xf32, #tpu.memory_space<hbm>>
      %dma_start3A_219 = tpu.memref_squeeze %dma_start3A_218 : memref<1x8x4096xf32, #tpu.memory_space<hbm>> -> memref<8x4096xf32, #tpu.memory_space<hbm>>
      tpu.enqueue_dma source(%arg8 : memref<8x4096xf32, #tpu.memory_space<vmem>>) target(%dma_start3A_219 : memref<8x4096xf32, #tpu.memory_space<hbm>>) target_semaphore(%arg14 : memref<!tpu.dma_semaphore, #tpu.memory_space<semaphore_mem>>)
      %sub3A_220 = arith.constant 1 : i32
      %sub3A_221 = arith.subi %add3A_205, %sub3A_220 : i32
      %mul3A_222 = arith.constant 8 : i32
      %mul3A_223 = arith.muli %sub3A_221, %mul3A_222 : i32
      %add3A_224 = arith.addi %mul3A_32, %mul3A_223 : i32
      %dma_wait3A_225 = arith.constant 0 : i32
      %dma_wait3A_226 = tpu.memref_slice %arg4[%select_n3A, %add3A_224, %dma_wait3A_225] : memref<4x2048x4096xf32, #tpu.memory_space<hbm>> -> memref<1x8x4096xf32, #tpu.memory_space<hbm>>
      %dma_wait3A_227 = tpu.memref_squeeze %dma_wait3A_226 : memref<1x8x4096xf32, #tpu.memory_space<hbm>> -> memref<8x4096xf32, #tpu.memory_space<hbm>>
      %dma_wait3A_228 = arith.constant 0 : i32
      %dma_wait3A_229 = tpu.memref_slice %arg4[%select_n3A, %add3A_224, %dma_wait3A_228] : memref<4x2048x4096xf32, #tpu.memory_space<hbm>> -> memref<1x8x4096xf32, #tpu.memory_space<hbm>>
      %dma_wait3A_230 = tpu.memref_squeeze %dma_wait3A_229 : memref<1x8x4096xf32, #tpu.memory_space<hbm>> -> memref<8x4096xf32, #tpu.memory_space<hbm>>
      tpu.wait_dma2 semaphore(%arg13 : memref<!tpu.dma_semaphore, #tpu.memory_space<semaphore_mem>>) src(%arg7 : memref<8x4096xf32, #tpu.memory_space<vmem>>) dst(%dma_wait3A_230 : memref<8x4096xf32, #tpu.memory_space<hbm>>)
      %add3A_231 = arith.constant 2 : i32
      %add3A_232 = arith.addi %add3A_205, %add3A_231 : i32
      %mul3A_233 = arith.constant 8 : i32
      %mul3A_234 = arith.muli %add3A_232, %mul3A_233 : i32
      %dma_start3A_235 = tpu.memref_slice %arg5[%mul3A_234] : memref<256xi32, #tpu.memory_space<vmem>> -> memref<8xi32, #tpu.memory_space<vmem>>
      %dma_start3A_236 = arith.constant 0 : i32
      %dma_start3A_237 = arith.constant 0 : i32
      %dma_start3A_238 = tpu.memref_slice %arg3[%dma_start3A_236, %dma_start3A_237] : memref<50000x4096xf32, #tpu.memory_space<hbm>> -> memref<50000x4096xf32, #tpu.memory_space<hbm>>
      tpu.enqueue_indirect_dma source(%dma_start3A_238 : memref<50000x4096xf32, #tpu.memory_space<hbm>>) target(%arg7 : memref<8x4096xf32, #tpu.memory_space<vmem>>) offsets(%dma_start3A_235 : memref<8xi32, #tpu.memory_space<vmem>>) semaphore(%arg10 : memref<!tpu.dma_semaphore, #tpu.memory_space<semaphore_mem>>)
      %add3A_239 = arith.constant 2 : i32
      %add3A_240 = arith.addi %add3A_170, %add3A_239 : i32
      %dma_wait3A_241 = arith.constant 0 : i32
      %dma_wait3A_242 = tpu.memref_slice %arg5[%dma_wait3A_241] : memref<256xi32, #tpu.memory_space<vmem>> -> memref<8xi32, #tpu.memory_space<vmem>>
      %dma_wait3A_243 = arith.constant 0 : i32
      %dma_wait3A_244 = arith.constant 0 : i32
      %dma_wait3A_245 = tpu.memref_slice %arg3[%dma_wait3A_243, %dma_wait3A_244] : memref<50000x4096xf32, #tpu.memory_space<hbm>> -> memref<50000x4096xf32, #tpu.memory_space<hbm>>
      tpu.wait_indirect_dma semaphore(%arg9 : memref<!tpu.dma_semaphore, #tpu.memory_space<semaphore_mem>>) src(%dma_wait3A_245 : memref<50000x4096xf32, #tpu.memory_space<hbm>>) dst(%arg6 : memref<8x4096xf32, #tpu.memory_space<vmem>>)
      %mul3A_246 = arith.constant 8 : i32
      %mul3A_247 = arith.muli %add3A_240, %mul3A_246 : i32
      %add3A_248 = arith.addi %mul3A_32, %mul3A_247 : i32
      %dma_start3A_249 = arith.constant 0 : i32
      %dma_start3A_250 = tpu.memref_slice %arg4[%select_n3A, %add3A_248, %dma_start3A_249] : memref<4x2048x4096xf32, #tpu.memory_space<hbm>> -> memref<1x8x4096xf32, #tpu.memory_space<hbm>>
      %dma_start3A_251 = tpu.memref_squeeze %dma_start3A_250 : memref<1x8x4096xf32, #tpu.memory_space<hbm>> -> memref<8x4096xf32, #tpu.memory_space<hbm>>
      %dma_start3A_252 = arith.constant 0 : i32
      %dma_start3A_253 = tpu.memref_slice %arg4[%select_n3A, %add3A_248, %dma_start3A_252] : memref<4x2048x4096xf32, #tpu.memory_space<hbm>> -> memref<1x8x4096xf32, #tpu.memory_space<hbm>>
      %dma_start3A_254 = tpu.memref_squeeze %dma_start3A_253 : memref<1x8x4096xf32, #tpu.memory_space<hbm>> -> memref<8x4096xf32, #tpu.memory_space<hbm>>
      tpu.enqueue_dma source(%arg6 : memref<8x4096xf32, #tpu.memory_space<vmem>>) target(%dma_start3A_254 : memref<8x4096xf32, #tpu.memory_space<hbm>>) target_semaphore(%arg12 : memref<!tpu.dma_semaphore, #tpu.memory_space<semaphore_mem>>)
      %sub3A_255 = arith.constant 1 : i32
      %sub3A_256 = arith.subi %add3A_240, %sub3A_255 : i32
      %mul3A_257 = arith.constant 8 : i32
      %mul3A_258 = arith.muli %sub3A_256, %mul3A_257 : i32
      %add3A_259 = arith.addi %mul3A_32, %mul3A_258 : i32
      %dma_wait3A_260 = arith.constant 0 : i32
      %dma_wait3A_261 = tpu.memref_slice %arg4[%select_n3A, %add3A_259, %dma_wait3A_260] : memref<4x2048x4096xf32, #tpu.memory_space<hbm>> -> memref<1x8x4096xf32, #tpu.memory_space<hbm>>
      %dma_wait3A_262 = tpu.memref_squeeze %dma_wait3A_261 : memref<1x8x4096xf32, #tpu.memory_space<hbm>> -> memref<8x4096xf32, #tpu.memory_space<hbm>>
      %dma_wait3A_263 = arith.constant 0 : i32
      %dma_wait3A_264 = tpu.memref_slice %arg4[%select_n3A, %add3A_259, %dma_wait3A_263] : memref<4x2048x4096xf32, #tpu.memory_space<hbm>> -> memref<1x8x4096xf32, #tpu.memory_space<hbm>>
      %dma_wait3A_265 = tpu.memref_squeeze %dma_wait3A_264 : memref<1x8x4096xf32, #tpu.memory_space<hbm>> -> memref<8x4096xf32, #tpu.memory_space<hbm>>
      tpu.wait_dma2 semaphore(%arg14 : memref<!tpu.dma_semaphore, #tpu.memory_space<semaphore_mem>>) src(%arg8 : memref<8x4096xf32, #tpu.memory_space<vmem>>) dst(%dma_wait3A_265 : memref<8x4096xf32, #tpu.memory_space<hbm>>)
      %add3A_266 = arith.constant 2 : i32
      %add3A_267 = arith.addi %add3A_240, %add3A_266 : i32
      %mul3A_268 = arith.constant 8 : i32
      %mul3A_269 = arith.muli %add3A_267, %mul3A_268 : i32
      %dma_start3A_270 = tpu.memref_slice %arg5[%mul3A_269] : memref<256xi32, #tpu.memory_space<vmem>> -> memref<8xi32, #tpu.memory_space<vmem>>
      %dma_start3A_271 = arith.constant 0 : i32
      %dma_start3A_272 = arith.constant 0 : i32
      %dma_start3A_273 = tpu.memref_slice %arg3[%dma_start3A_271, %dma_start3A_272] : memref<50000x4096xf32, #tpu.memory_space<hbm>> -> memref<50000x4096xf32, #tpu.memory_space<hbm>>
      tpu.enqueue_indirect_dma source(%dma_start3A_273 : memref<50000x4096xf32, #tpu.memory_space<hbm>>) target(%arg8 : memref<8x4096xf32, #tpu.memory_space<vmem>>) offsets(%dma_start3A_270 : memref<8xi32, #tpu.memory_space<vmem>>) semaphore(%arg11 : memref<!tpu.dma_semaphore, #tpu.memory_space<semaphore_mem>>)
    }
    %scan3A_63 = arith.constant 9 : i32
    %dma_wait3A_64 = arith.constant 0 : i32
    %dma_wait3A_65 = tpu.memref_slice %arg5[%dma_wait3A_64] : memref<256xi32, #tpu.memory_space<vmem>> -> memref<8xi32, #tpu.memory_space<vmem>>
    %dma_wait3A_66 = arith.constant 0 : i32
    %dma_wait3A_67 = arith.constant 0 : i32
    %dma_wait3A_68 = tpu.memref_slice %arg3[%dma_wait3A_66, %dma_wait3A_67] : memref<50000x4096xf32, #tpu.memory_space<hbm>> -> memref<50000x4096xf32, #tpu.memory_space<hbm>>
    tpu.wait_indirect_dma semaphore(%arg10 : memref<!tpu.dma_semaphore, #tpu.memory_space<semaphore_mem>>) src(%dma_wait3A_68 : memref<50000x4096xf32, #tpu.memory_space<hbm>>) dst(%arg7 : memref<8x4096xf32, #tpu.memory_space<vmem>>)
    %add3A_69 = arith.constant 224 : i32
    %add3A_70 = arith.addi %mul3A_32, %add3A_69 : i32
    %dma_start3A_71 = arith.constant 0 : i32
    %dma_start3A_72 = tpu.memref_slice %arg4[%select_n3A, %add3A_70, %dma_start3A_71] : memref<4x2048x4096xf32, #tpu.memory_space<hbm>> -> memref<1x8x4096xf32, #tpu.memory_space<hbm>>
    %dma_start3A_73 = tpu.memref_squeeze %dma_start3A_72 : memref<1x8x4096xf32, #tpu.memory_space<hbm>> -> memref<8x4096xf32, #tpu.memory_space<hbm>>
    %dma_start3A_74 = arith.constant 0 : i32
    %dma_start3A_75 = tpu.memref_slice %arg4[%select_n3A, %add3A_70, %dma_start3A_74] : memref<4x2048x4096xf32, #tpu.memory_space<hbm>> -> memref<1x8x4096xf32, #tpu.memory_space<hbm>>
    %dma_start3A_76 = tpu.memref_squeeze %dma_start3A_75 : memref<1x8x4096xf32, #tpu.memory_space<hbm>> -> memref<8x4096xf32, #tpu.memory_space<hbm>>
    tpu.enqueue_dma source(%arg7 : memref<8x4096xf32, #tpu.memory_space<vmem>>) target(%dma_start3A_76 : memref<8x4096xf32, #tpu.memory_space<hbm>>) target_semaphore(%arg13 : memref<!tpu.dma_semaphore, #tpu.memory_space<semaphore_mem>>)
    %add3A_77 = arith.constant 216 : i32
    %add3A_78 = arith.addi %mul3A_32, %add3A_77 : i32
    %dma_wait3A_79 = arith.constant 0 : i32
    %dma_wait3A_80 = tpu.memref_slice %arg4[%select_n3A, %add3A_78, %dma_wait3A_79] : memref<4x2048x4096xf32, #tpu.memory_space<hbm>> -> memref<1x8x4096xf32, #tpu.memory_space<hbm>>
    %dma_wait3A_81 = tpu.memref_squeeze %dma_wait3A_80 : memref<1x8x4096xf32, #tpu.memory_space<hbm>> -> memref<8x4096xf32, #tpu.memory_space<hbm>>
    %dma_wait3A_82 = arith.constant 0 : i32
    %dma_wait3A_83 = tpu.memref_slice %arg4[%select_n3A, %add3A_78, %dma_wait3A_82] : memref<4x2048x4096xf32, #tpu.memory_space<hbm>> -> memref<1x8x4096xf32, #tpu.memory_space<hbm>>
    %dma_wait3A_84 = tpu.memref_squeeze %dma_wait3A_83 : memref<1x8x4096xf32, #tpu.memory_space<hbm>> -> memref<8x4096xf32, #tpu.memory_space<hbm>>
    tpu.wait_dma2 semaphore(%arg12 : memref<!tpu.dma_semaphore, #tpu.memory_space<semaphore_mem>>) src(%arg6 : memref<8x4096xf32, #tpu.memory_space<vmem>>) dst(%dma_wait3A_84 : memref<8x4096xf32, #tpu.memory_space<hbm>>)
    %dma_start3A_85 = arith.constant 240 : i32
    %dma_start3A_86 = tpu.memref_slice %arg5[%dma_start3A_85] : memref<256xi32, #tpu.memory_space<vmem>> -> memref<8xi32, #tpu.memory_space<vmem>>
    %dma_start3A_87 = arith.constant 0 : i32
    %dma_start3A_88 = arith.constant 0 : i32
    %dma_start3A_89 = tpu.memref_slice %arg3[%dma_start3A_87, %dma_start3A_88] : memref<50000x4096xf32, #tpu.memory_space<hbm>> -> memref<50000x4096xf32, #tpu.memory_space<hbm>>
    tpu.enqueue_indirect_dma source(%dma_start3A_89 : memref<50000x4096xf32, #tpu.memory_space<hbm>>) target(%arg6 : memref<8x4096xf32, #tpu.memory_space<vmem>>) offsets(%dma_start3A_86 : memref<8xi32, #tpu.memory_space<vmem>>) semaphore(%arg9 : memref<!tpu.dma_semaphore, #tpu.memory_space<semaphore_mem>>)
    %dma_wait3A_90 = arith.constant 0 : i32
    %dma_wait3A_91 = tpu.memref_slice %arg5[%dma_wait3A_90] : memref<256xi32, #tpu.memory_space<vmem>> -> memref<8xi32, #tpu.memory_space<vmem>>
    %dma_wait3A_92 = arith.constant 0 : i32
    %dma_wait3A_93 = arith.constant 0 : i32
    %dma_wait3A_94 = tpu.memref_slice %arg3[%dma_wait3A_92, %dma_wait3A_93] : memref<50000x4096xf32, #tpu.memory_space<hbm>> -> memref<50000x4096xf32, #tpu.memory_space<hbm>>
    tpu.wait_indirect_dma semaphore(%arg11 : memref<!tpu.dma_semaphore, #tpu.memory_space<semaphore_mem>>) src(%dma_wait3A_94 : memref<50000x4096xf32, #tpu.memory_space<hbm>>) dst(%arg8 : memref<8x4096xf32, #tpu.memory_space<vmem>>)
    %add3A_95 = arith.constant 232 : i32
    %add3A_96 = arith.addi %mul3A_32, %add3A_95 : i32
    %dma_start3A_97 = arith.constant 0 : i32
    %dma_start3A_98 = tpu.memref_slice %arg4[%select_n3A, %add3A_96, %dma_start3A_97] : memref<4x2048x4096xf32, #tpu.memory_space<hbm>> -> memref<1x8x4096xf32, #tpu.memory_space<hbm>>
    %dma_start3A_99 = tpu.memref_squeeze %dma_start3A_98 : memref<1x8x4096xf32, #tpu.memory_space<hbm>> -> memref<8x4096xf32, #tpu.memory_space<hbm>>
    %dma_start3A_100 = arith.constant 0 : i32
    %dma_start3A_101 = tpu.memref_slice %arg4[%select_n3A, %add3A_96, %dma_start3A_100] : memref<4x2048x4096xf32, #tpu.memory_space<hbm>> -> memref<1x8x4096xf32, #tpu.memory_space<hbm>>
    %dma_start3A_102 = tpu.memref_squeeze %dma_start3A_101 : memref<1x8x4096xf32, #tpu.memory_space<hbm>> -> memref<8x4096xf32, #tpu.memory_space<hbm>>
    tpu.enqueue_dma source(%arg8 : memref<8x4096xf32, #tpu.memory_space<vmem>>) target(%dma_start3A_102 : memref<8x4096xf32, #tpu.memory_space<hbm>>) target_semaphore(%arg14 : memref<!tpu.dma_semaphore, #tpu.memory_space<semaphore_mem>>)
    %add3A_103 = arith.constant 224 : i32
    %add3A_104 = arith.addi %mul3A_32, %add3A_103 : i32
    %dma_wait3A_105 = arith.constant 0 : i32
    %dma_wait3A_106 = tpu.memref_slice %arg4[%select_n3A, %add3A_104, %dma_wait3A_105] : memref<4x2048x4096xf32, #tpu.memory_space<hbm>> -> memref<1x8x4096xf32, #tpu.memory_space<hbm>>
    %dma_wait3A_107 = tpu.memref_squeeze %dma_wait3A_106 : memref<1x8x4096xf32, #tpu.memory_space<hbm>> -> memref<8x4096xf32, #tpu.memory_space<hbm>>
    %dma_wait3A_108 = arith.constant 0 : i32
    %dma_wait3A_109 = tpu.memref_slice %arg4[%select_n3A, %add3A_104, %dma_wait3A_108] : memref<4x2048x4096xf32, #tpu.memory_space<hbm>> -> memref<1x8x4096xf32, #tpu.memory_space<hbm>>
    %dma_wait3A_110 = tpu.memref_squeeze %dma_wait3A_109 : memref<1x8x4096xf32, #tpu.memory_space<hbm>> -> memref<8x4096xf32, #tpu.memory_space<hbm>>
    tpu.wait_dma2 semaphore(%arg13 : memref<!tpu.dma_semaphore, #tpu.memory_space<semaphore_mem>>) src(%arg7 : memref<8x4096xf32, #tpu.memory_space<vmem>>) dst(%dma_wait3A_110 : memref<8x4096xf32, #tpu.memory_space<hbm>>)
    %dma_start3A_111 = arith.constant 248 : i32
    %dma_start3A_112 = tpu.memref_slice %arg5[%dma_start3A_111] : memref<256xi32, #tpu.memory_space<vmem>> -> memref<8xi32, #tpu.memory_space<vmem>>
    %dma_start3A_113 = arith.constant 0 : i32
    %dma_start3A_114 = arith.constant 0 : i32
    %dma_start3A_115 = tpu.memref_slice %arg3[%dma_start3A_113, %dma_start3A_114] : memref<50000x4096xf32, #tpu.memory_space<hbm>> -> memref<50000x4096xf32, #tpu.memory_space<hbm>>
    tpu.enqueue_indirect_dma source(%dma_start3A_115 : memref<50000x4096xf32, #tpu.memory_space<hbm>>) target(%arg7 : memref<8x4096xf32, #tpu.memory_space<vmem>>) offsets(%dma_start3A_112 : memref<8xi32, #tpu.memory_space<vmem>>) semaphore(%arg10 : memref<!tpu.dma_semaphore, #tpu.memory_space<semaphore_mem>>)
    %dma_wait3A_116 = arith.constant 0 : i32
    %dma_wait3A_117 = tpu.memref_slice %arg5[%dma_wait3A_116] : memref<256xi32, #tpu.memory_space<vmem>> -> memref<8xi32, #tpu.memory_space<vmem>>
    %dma_wait3A_118 = arith.constant 0 : i32
    %dma_wait3A_119 = arith.constant 0 : i32
    %dma_wait3A_120 = tpu.memref_slice %arg3[%dma_wait3A_118, %dma_wait3A_119] : memref<50000x4096xf32, #tpu.memory_space<hbm>> -> memref<50000x4096xf32, #tpu.memory_space<hbm>>
    tpu.wait_indirect_dma semaphore(%arg9 : memref<!tpu.dma_semaphore, #tpu.memory_space<semaphore_mem>>) src(%dma_wait3A_120 : memref<50000x4096xf32, #tpu.memory_space<hbm>>) dst(%arg6 : memref<8x4096xf32, #tpu.memory_space<vmem>>)
    %add3A_121 = arith.constant 240 : i32
    %add3A_122 = arith.addi %mul3A_32, %add3A_121 : i32
    %dma_start3A_123 = arith.constant 0 : i32
    %dma_start3A_124 = tpu.memref_slice %arg4[%select_n3A, %add3A_122, %dma_start3A_123] : memref<4x2048x4096xf32, #tpu.memory_space<hbm>> -> memref<1x8x4096xf32, #tpu.memory_space<hbm>>
    %dma_start3A_125 = tpu.memref_squeeze %dma_start3A_124 : memref<1x8x4096xf32, #tpu.memory_space<hbm>> -> memref<8x4096xf32, #tpu.memory_space<hbm>>
    %dma_start3A_126 = arith.constant 0 : i32
    %dma_start3A_127 = tpu.memref_slice %arg4[%select_n3A, %add3A_122, %dma_start3A_126] : memref<4x2048x4096xf32, #tpu.memory_space<hbm>> -> memref<1x8x4096xf32, #tpu.memory_space<hbm>>
    %dma_start3A_128 = tpu.memref_squeeze %dma_start3A_127 : memref<1x8x4096xf32, #tpu.memory_space<hbm>> -> memref<8x4096xf32, #tpu.memory_space<hbm>>
    tpu.enqueue_dma source(%arg6 : memref<8x4096xf32, #tpu.memory_space<vmem>>) target(%dma_start3A_128 : memref<8x4096xf32, #tpu.memory_space<hbm>>) target_semaphore(%arg12 : memref<!tpu.dma_semaphore, #tpu.memory_space<semaphore_mem>>)
    %add3A_129 = arith.constant 232 : i32
    %add3A_130 = arith.addi %mul3A_32, %add3A_129 : i32
    %dma_wait3A_131 = arith.constant 0 : i32
    %dma_wait3A_132 = tpu.memref_slice %arg4[%select_n3A, %add3A_130, %dma_wait3A_131] : memref<4x2048x4096xf32, #tpu.memory_space<hbm>> -> memref<1x8x4096xf32, #tpu.memory_space<hbm>>
    %dma_wait3A_133 = tpu.memref_squeeze %dma_wait3A_132 : memref<1x8x4096xf32, #tpu.memory_space<hbm>> -> memref<8x4096xf32, #tpu.memory_space<hbm>>
    %dma_wait3A_134 = arith.constant 0 : i32
    %dma_wait3A_135 = tpu.memref_slice %arg4[%select_n3A, %add3A_130, %dma_wait3A_134] : memref<4x2048x4096xf32, #tpu.memory_space<hbm>> -> memref<1x8x4096xf32, #tpu.memory_space<hbm>>
    %dma_wait3A_136 = tpu.memref_squeeze %dma_wait3A_135 : memref<1x8x4096xf32, #tpu.memory_space<hbm>> -> memref<8x4096xf32, #tpu.memory_space<hbm>>
    tpu.wait_dma2 semaphore(%arg14 : memref<!tpu.dma_semaphore, #tpu.memory_space<semaphore_mem>>) src(%arg8 : memref<8x4096xf32, #tpu.memory_space<vmem>>) dst(%dma_wait3A_136 : memref<8x4096xf32, #tpu.memory_space<hbm>>)
    %dma_wait3A_137 = arith.constant 0 : i32
    %dma_wait3A_138 = tpu.memref_slice %arg5[%dma_wait3A_137] : memref<256xi32, #tpu.memory_space<vmem>> -> memref<8xi32, #tpu.memory_space<vmem>>
    %dma_wait3A_139 = arith.constant 0 : i32
    %dma_wait3A_140 = arith.constant 0 : i32
    %dma_wait3A_141 = tpu.memref_slice %arg3[%dma_wait3A_139, %dma_wait3A_140] : memref<50000x4096xf32, #tpu.memory_space<hbm>> -> memref<50000x4096xf32, #tpu.memory_space<hbm>>
    tpu.wait_indirect_dma semaphore(%arg10 : memref<!tpu.dma_semaphore, #tpu.memory_space<semaphore_mem>>) src(%dma_wait3A_141 : memref<50000x4096xf32, #tpu.memory_space<hbm>>) dst(%arg7 : memref<8x4096xf32, #tpu.memory_space<vmem>>)
    %add3A_142 = arith.constant 248 : i32
    %add3A_143 = arith.addi %mul3A_32, %add3A_142 : i32
    %dma_start3A_144 = arith.constant 0 : i32
    %dma_start3A_145 = tpu.memref_slice %arg4[%select_n3A, %add3A_143, %dma_start3A_144] : memref<4x2048x4096xf32, #tpu.memory_space<hbm>> -> memref<1x8x4096xf32, #tpu.memory_space<hbm>>
    %dma_start3A_146 = tpu.memref_squeeze %dma_start3A_145 : memref<1x8x4096xf32, #tpu.memory_space<hbm>> -> memref<8x4096xf32, #tpu.memory_space<hbm>>
    %dma_start3A_147 = arith.constant 0 : i32
    %dma_start3A_148 = tpu.memref_slice %arg4[%select_n3A, %add3A_143, %dma_start3A_147] : memref<4x2048x4096xf32, #tpu.memory_space<hbm>> -> memref<1x8x4096xf32, #tpu.memory_space<hbm>>
    %dma_start3A_149 = tpu.memref_squeeze %dma_start3A_148 : memref<1x8x4096xf32, #tpu.memory_space<hbm>> -> memref<8x4096xf32, #tpu.memory_space<hbm>>
    tpu.enqueue_dma source(%arg7 : memref<8x4096xf32, #tpu.memory_space<vmem>>) target(%dma_start3A_149 : memref<8x4096xf32, #tpu.memory_space<hbm>>) target_semaphore(%arg13 : memref<!tpu.dma_semaphore, #tpu.memory_space<semaphore_mem>>)
    %add3A_150 = arith.constant 240 : i32
    %add3A_151 = arith.addi %mul3A_32, %add3A_150 : i32
    %dma_wait3A_152 = arith.constant 0 : i32
    %dma_wait3A_153 = tpu.memref_slice %arg4[%select_n3A, %add3A_151, %dma_wait3A_152] : memref<4x2048x4096xf32, #tpu.memory_space<hbm>> -> memref<1x8x4096xf32, #tpu.memory_space<hbm>>
    %dma_wait3A_154 = tpu.memref_squeeze %dma_wait3A_153 : memref<1x8x4096xf32, #tpu.memory_space<hbm>> -> memref<8x4096xf32, #tpu.memory_space<hbm>>
    %dma_wait3A_155 = arith.constant 0 : i32
    %dma_wait3A_156 = tpu.memref_slice %arg4[%select_n3A, %add3A_151, %dma_wait3A_155] : memref<4x2048x4096xf32, #tpu.memory_space<hbm>> -> memref<1x8x4096xf32, #tpu.memory_space<hbm>>
    %dma_wait3A_157 = tpu.memref_squeeze %dma_wait3A_156 : memref<1x8x4096xf32, #tpu.memory_space<hbm>> -> memref<8x4096xf32, #tpu.memory_space<hbm>>
    tpu.wait_dma2 semaphore(%arg12 : memref<!tpu.dma_semaphore, #tpu.memory_space<semaphore_mem>>) src(%arg6 : memref<8x4096xf32, #tpu.memory_space<vmem>>) dst(%dma_wait3A_157 : memref<8x4096xf32, #tpu.memory_space<hbm>>)
    %add3A_158 = arith.constant 248 : i32
    %add3A_159 = arith.addi %mul3A_32, %add3A_158 : i32
    %dma_wait3A_160 = arith.constant 0 : i32
    %dma_wait3A_161 = tpu.memref_slice %arg4[%select_n3A, %add3A_159, %dma_wait3A_160] : memref<4x2048x4096xf32, #tpu.memory_space<hbm>> -> memref<1x8x4096xf32, #tpu.memory_space<hbm>>
    %dma_wait3A_162 = tpu.memref_squeeze %dma_wait3A_161 : memref<1x8x4096xf32, #tpu.memory_space<hbm>> -> memref<8x4096xf32, #tpu.memory_space<hbm>>
    %dma_wait3A_163 = arith.constant 0 : i32
    %dma_wait3A_164 = tpu.memref_slice %arg4[%select_n3A, %add3A_159, %dma_wait3A_163] : memref<4x2048x4096xf32, #tpu.memory_space<hbm>> -> memref<1x8x4096xf32, #tpu.memory_space<hbm>>
    %dma_wait3A_165 = tpu.memref_squeeze %dma_wait3A_164 : memref<1x8x4096xf32, #tpu.memory_space<hbm>> -> memref<8x4096xf32, #tpu.memory_space<hbm>>
    tpu.wait_dma2 semaphore(%arg13 : memref<!tpu.dma_semaphore, #tpu.memory_space<semaphore_mem>>) src(%arg7 : memref<8x4096xf32, #tpu.memory_space<vmem>>) dst(%dma_wait3A_165 : memref<8x4096xf32, #tpu.memory_space<hbm>>)
    return
  }
}

module attributes {stable_mosaic.version = 14 : i64} {
  func.func @_proj_kernel(%arg0: memref<4x16x128xi32, #tpu.memory_space<vmem>>, %arg1: memref<8192x256xf32, #tpu.memory_space<vmem>>, %arg2: memref<256x4096xf32, #tpu.memory_space<vmem>>, %arg3: memref<1x4096xf32, #tpu.memory_space<vmem>>, %arg4: memref<4x2x40x4096xf32, #tpu.memory_space<vmem>>, %arg5: memref<4x128xi32, #tpu.memory_space<vmem>>) attributes {dimension_semantics = [], scalar_prefetch = 0 : i64, scratch_operands = 0 : i64, tpu.core_type = #tpu.core_type<tc>} {
    %iota3A = tpu.iota {dimensions = array<i32: 0>} : vector<16x128xi32>
    %mul3A = arith.constant 128 : i32
    %mul3A_0 = vector.broadcast %mul3A : i32 to vector<16x128xi32>
    %mul3A_1 = arith.muli %iota3A, %mul3A_0 : vector<16x128xi32>
    %iota3A_2 = tpu.iota {dimensions = array<i32: 1>} : vector<16x128xi32>
    %add3A = arith.addi %mul3A_1, %iota3A_2 : vector<16x128xi32>
    %get3A = arith.constant 0 : index
    %get3A_3 = arith.constant 0 : index
    %get3A_4 = arith.constant 0 : index
    %get3A_5 = vector.load %arg0[%get3A, %get3A_3, %get3A_4] : memref<4x16x128xi32, #tpu.memory_space<vmem>>, vector<1x16x128xi32>
    %get3A_6 = vector.shape_cast %get3A_5 : vector<1x16x128xi32> to vector<16x128xi32>
    %eq3A = arith.constant 49000 : i32
    %eq3A_7 = vector.broadcast %eq3A : i32 to vector<16x128xi32>
    %eq3A_8 = arith.cmpi eq, %get3A_6, %eq3A_7 : vector<16x128xi32>
    %jit3A = arith.constant 2048 : i32
    %broadcast_in_dim3A = vector.broadcast %jit3A : i32 to vector<16x128xi32>
    %select_n3A = arith.select %eq3A_8, %add3A, %broadcast_in_dim3A : vector<16x128xi1>, vector<16x128xi32>
    %reduce_min3A = vector.shape_cast %select_n3A : vector<16x128xi32> to vector<1x16x128xi32>
    %reduce_min3A_9 = arith.constant dense<2147483647> : vector<1xi32>
    %reduce_min3A_10 = vector.multi_reduction <minsi>, %reduce_min3A, %reduce_min3A_9 [1, 2] : vector<1x16x128xi32> to vector<1xi32>
    %reduce_min3A_11 = vector.shape_cast %reduce_min3A_10 : vector<1xi32> to vector<1x1x1xi32>
    %reduce_min3A_12 = vector.extract %reduce_min3A_11[0, 0, 0] : i32 from vector<1x1x1xi32>
    %eq3A_13 = arith.constant 49002 : i32
    %eq3A_14 = vector.broadcast %eq3A_13 : i32 to vector<16x128xi32>
    %eq3A_15 = arith.cmpi eq, %get3A_6, %eq3A_14 : vector<16x128xi32>
    %jit3A_16 = arith.constant 2048 : i32
    %broadcast_in_dim3A_17 = vector.broadcast %jit3A_16 : i32 to vector<16x128xi32>
    %select_n3A_18 = arith.select %eq3A_15, %add3A, %broadcast_in_dim3A_17 : vector<16x128xi1>, vector<16x128xi32>
    %reduce_min3A_19 = vector.shape_cast %select_n3A_18 : vector<16x128xi32> to vector<1x16x128xi32>
    %reduce_min3A_20 = arith.constant dense<2147483647> : vector<1xi32>
    %reduce_min3A_21 = vector.multi_reduction <minsi>, %reduce_min3A_19, %reduce_min3A_20 [1, 2] : vector<1x16x128xi32> to vector<1xi32>
    %reduce_min3A_22 = vector.shape_cast %reduce_min3A_21 : vector<1xi32> to vector<1x1x1xi32>
    %reduce_min3A_23 = vector.extract %reduce_min3A_22[0, 0, 0] : i32 from vector<1x1x1xi32>
    %iota3A_24 = tpu.iota {dimensions = array<i32: 1>} : vector<1x128xi32>
    %eq3A_25 = arith.constant 0 : i32
    %eq3A_26 = vector.broadcast %eq3A_25 : i32 to vector<1x128xi32>
    %eq3A_27 = arith.cmpi eq, %iota3A_24, %eq3A_26 : vector<1x128xi32>
    %eq3A_28 = arith.constant 1 : i32
    %eq3A_29 = vector.broadcast %eq3A_28 : i32 to vector<1x128xi32>
    %eq3A_30 = arith.cmpi eq, %iota3A_24, %eq3A_29 : vector<1x128xi32>
    %jit3A_31 = arith.constant 0 : i32
    %broadcast_in_dim3A_32 = vector.broadcast %reduce_min3A_23 : i32 to vector<1x128xi32>
    %broadcast_in_dim3A_33 = vector.broadcast %jit3A_31 : i32 to vector<1x128xi32>
    %select_n3A_34 = arith.select %eq3A_30, %broadcast_in_dim3A_32, %broadcast_in_dim3A_33 : vector<1x128xi1>, vector<1x128xi32>
    %broadcast_in_dim3A_35 = vector.broadcast %reduce_min3A_12 : i32 to vector<1x128xi32>
    %select_n3A_36 = arith.select %eq3A_27, %broadcast_in_dim3A_35, %select_n3A_34 : vector<1x128xi1>, vector<1x128xi32>
    %swap3A = arith.constant 0 : index
    %swap3A_37 = arith.constant 0 : index
    %swap3A_38 = vector.load %arg5[%swap3A, %swap3A_37] : memref<4x128xi32, #tpu.memory_space<vmem>>, vector<1x128xi32>
    tpu.vector_store %arg5[%swap3A, %swap3A_37], %select_n3A_36 {strides = array<i32>} : memref<4x128xi32, #tpu.memory_space<vmem>>, vector<1x128xi32>,
    %iota3A_39 = tpu.iota {dimensions = array<i32: 0>} : vector<64x1xi32>
    %lt3A = arith.constant 32 : i32
    %lt3A_40 = vector.broadcast %lt3A : i32 to vector<64x1xi32>
    %lt3A_41 = arith.cmpi slt, %iota3A_39, %lt3A_40 : vector<64x1xi32>
    %add3A_42 = arith.constant 1 : i32
    %add3A_43 = arith.addi %reduce_min3A_12, %add3A_42 : i32
    %add3A_44 = vector.broadcast %add3A_43 : i32 to vector<64x1xi32>
    %add3A_45 = arith.addi %add3A_44, %iota3A_39 : vector<64x1xi32>
    %add3A_46 = arith.constant 1 : i32
    %add3A_47 = arith.addi %reduce_min3A_23, %add3A_46 : i32
    %add3A_48 = vector.broadcast %add3A_47 : i32 to vector<64x1xi32>
    %add3A_49 = arith.addi %add3A_48, %iota3A_39 : vector<64x1xi32>
    %sub3A = arith.constant 32 : i32
    %sub3A_50 = vector.broadcast %sub3A : i32 to vector<64x1xi32>
    %sub3A_51 = arith.subi %add3A_49, %sub3A_50 : vector<64x1xi32>
    %select_n3A_52 = arith.select %lt3A_41, %add3A_45, %sub3A_51 : vector<64x1xi1>, vector<64x1xi32>
    %iota3A_53 = tpu.iota {dimensions = array<i32: 1>} : vector<64x16xi32>
    %jit3A_54 = arith.constant 128 : i32
    %div3A = vector.broadcast %jit3A_54 : i32 to vector<64x1xi32>
    %div3A_55 = arith.divsi %select_n3A_52, %div3A : vector<64x1xi32>
    %sign3A = arith.constant 0 : i32
    %sign3A_56 = vector.broadcast %sign3A : i32 to vector<64x1xi32>
    %sign3A_57 = arith.cmpi sgt, %select_n3A_52, %sign3A_56 : vector<64x1xi32>
    %sign3A_58 = arith.extui %sign3A_57 : vector<64x1xi1> to vector<64x1xi32>
    %sign3A_59 = arith.constant 0 : i32
    %sign3A_60 = vector.broadcast %sign3A_59 : i32 to vector<64x1xi32>
    %sign3A_61 = arith.cmpi slt, %select_n3A_52, %sign3A_60 : vector<64x1xi32>
    %sign3A_62 = arith.extui %sign3A_61 : vector<64x1xi1> to vector<64x1xi32>
    %sign3A_63 = arith.subi %sign3A_58, %sign3A_62 : vector<64x1xi32>
    %sign3A_64 = arith.constant 0 : i32
    %sign3A_65 = arith.cmpi sgt, %jit3A_54, %sign3A_64 : i32
    %sign3A_66 = arith.extui %sign3A_65 : i1 to i32
    %sign3A_67 = arith.constant 0 : i32
    %sign3A_68 = arith.cmpi slt, %jit3A_54, %sign3A_67 : i32
    %sign3A_69 = arith.extui %sign3A_68 : i1 to i32
    %sign3A_70 = arith.subi %sign3A_66, %sign3A_69 : i32
    %ne3A = vector.broadcast %sign3A_70 : i32 to vector<64x1xi32>
    %ne3A_71 = arith.cmpi ne, %sign3A_63, %ne3A : vector<64x1xi32>
    %rem3A = vector.broadcast %jit3A_54 : i32 to vector<64x1xi32>
    %rem3A_72 = arith.remsi %select_n3A_52, %rem3A : vector<64x1xi32>
    %ne3A_73 = arith.constant 0 : i32
    %ne3A_74 = vector.broadcast %ne3A_73 : i32 to vector<64x1xi32>
    %ne3A_75 = arith.cmpi ne, %rem3A_72, %ne3A_74 : vector<64x1xi32>
    %and3A = arith.andi %ne3A_71, %ne3A_75 : vector<64x1xi1>
    %sub3A_76 = arith.constant 1 : i32
    %sub3A_77 = vector.broadcast %sub3A_76 : i32 to vector<64x1xi32>
    %sub3A_78 = arith.subi %div3A_55, %sub3A_77 : vector<64x1xi32>
    %select_n3A_79 = arith.select %and3A, %sub3A_78, %div3A_55 : vector<64x1xi1>, vector<64x1xi32>
    %eq3A_80 = vector.broadcast %select_n3A_79 : vector<64x1xi32> to vector<64x16xi32>
    %eq3A_81 = arith.cmpi eq, %iota3A_53, %eq3A_80 : vector<64x16xi32>
    %convert_element_type3A = arith.extui %eq3A_81 : vector<64x16xi1> to vector<64x16xi32>
    %convert_element_type3A_82 = arith.sitofp %convert_element_type3A : vector<64x16xi32> to vector<64x16xf32>
    %iota3A_83 = tpu.iota {dimensions = array<i32: 1>} : vector<64x128xi32>
    %jit3A_84 = arith.constant 128 : i32
    %eq3A_85 = arith.constant 0 : i32
    %eq3A_86 = arith.cmpi eq, %jit3A_84, %eq3A_85 : i32
    %jit3A_87 = arith.constant 1 : i32
    %select_n3A_88 = arith.select %eq3A_86, %jit3A_87, %jit3A_84 : i32
    %rem3A_89 = vector.broadcast %select_n3A_88 : i32 to vector<64x1xi32>
    %rem3A_90 = arith.remsi %select_n3A_52, %rem3A_89 : vector<64x1xi32>
    %ne3A_91 = arith.constant 0 : i32
    %ne3A_92 = vector.broadcast %ne3A_91 : i32 to vector<64x1xi32>
    %ne3A_93 = arith.cmpi ne, %rem3A_90, %ne3A_92 : vector<64x1xi32>
    %lt3A_94 = arith.constant 0 : i32
    %lt3A_95 = vector.broadcast %lt3A_94 : i32 to vector<64x1xi32>
    %lt3A_96 = arith.cmpi slt, %rem3A_90, %lt3A_95 : vector<64x1xi32>
    %lt3A_97 = arith.constant 0 : i32
    %lt3A_98 = arith.cmpi slt, %select_n3A_88, %lt3A_97 : i32
    %ne3A_99 = vector.broadcast %lt3A_98 : i1 to vector<64x1xi1>
    %ne3A_100 = vector.broadcast %ne3A_99 : vector<64x1xi1> to vector<64x1xi1>
    %ne3A_101 = arith.xori %lt3A_96, %ne3A_100 : vector<64x1xi1>
    %and3A_102 = arith.andi %ne3A_101, %ne3A_93 : vector<64x1xi1>
    %add3A_103 = vector.broadcast %select_n3A_88 : i32 to vector<64x1xi32>
    %add3A_104 = arith.addi %rem3A_90, %add3A_103 : vector<64x1xi32>
    %select_n3A_105 = arith.select %and3A_102, %add3A_104, %rem3A_90 : vector<64x1xi1>, vector<64x1xi32>
    %eq3A_106 = vector.broadcast %select_n3A_105 : vector<64x1xi32> to vector<64x128xi32>
    %eq3A_107 = arith.cmpi eq, %iota3A_83, %eq3A_106 : vector<64x128xi32>
    %convert_element_type3A_108 = arith.extui %eq3A_107 : vector<64x128xi1> to vector<64x128xi32>
    %convert_element_type3A_109 = arith.sitofp %convert_element_type3A_108 : vector<64x128xi32> to vector<64x128xf32>
    %convert_element_type3A_110 = arith.sitofp %get3A_6 : vector<16x128xi32> to vector<16x128xf32>
    %dot_general3A = arith.constant dense<0.000000e+00> : vector<64x128xf32>
    %dot_general3A_111 = tpu.matmul %convert_element_type3A_82, %convert_element_type3A_110, %dot_general3A {dimension_numbers = #tpu.dot_dimension_numbers<[1], [0], [0], [1], [0, 0, 1, 1], [], []>, precision = #tpu.contract_precision<fp32>, transpose_lhs_hint = false} : vector<64x16xf32>, vector<16x128xf32>, vector<64x128xf32> -> vector<64x128xf32>
    %mul3A_112 = arith.mulf %dot_general3A_111, %convert_element_type3A_109 : vector<64x128xf32>
    %reduce_sum3A = arith.constant dense<0.000000e+00> : vector<64xf32>
    %reduce_sum3A_113 = vector.multi_reduction <add>, %mul3A_112, %reduce_sum3A [1] : vector<64x128xf32> to vector<64xf32>
    %broadcast_in_dim3A_114 = vector.shape_cast %reduce_sum3A_113 : vector<64xf32> to vector<64x1xf32>
    %convert_element_type3A_115 = arith.fptosi %broadcast_in_dim3A_114 : vector<64x1xf32> to vector<64x1xi32>
    %sub3A_116 = arith.constant 40000 : i32
    %sub3A_117 = vector.broadcast %sub3A_116 : i32 to vector<64x1xi32>
    %sub3A_118 = arith.subi %convert_element_type3A_115, %sub3A_117 : vector<64x1xi32>
    %iota3A_119 = tpu.iota {dimensions = array<i32: 1>} : vector<64x8192xi32>
    %eq3A_120 = vector.broadcast %sub3A_118 : vector<64x1xi32> to vector<64x8192xi32>
    %eq3A_121 = arith.cmpi eq, %iota3A_119, %eq3A_120 : vector<64x8192xi32>
    %convert_element_type3A_122 = arith.extui %eq3A_121 : vector<64x8192xi1> to vector<64x8192xi32>
    %convert_element_type3A_123 = arith.sitofp %convert_element_type3A_122 : vector<64x8192xi32> to vector<64x8192xf32>
    %get3A_124 = arith.constant 0 : index
    %get3A_125 = arith.constant 0 : index
    %get3A_126 = vector.load %arg1[%get3A_124, %get3A_125] : memref<8192x256xf32, #tpu.memory_space<vmem>>, vector<8192x256xf32>
    %dot_general3A_127 = arith.constant dense<0.000000e+00> : vector<64x256xf32>
    %dot_general3A_128 = tpu.matmul %convert_element_type3A_123, %get3A_126, %dot_general3A_127 {dimension_numbers = #tpu.dot_dimension_numbers<[1], [0], [0], [1], [0, 0, 1, 1], [], []>, precision = #tpu.contract_precision<fp32>, transpose_lhs_hint = false} : vector<64x8192xf32>, vector<8192x256xf32>, vector<64x256xf32> -> vector<64x256xf32>
    %get3A_129 = arith.constant 0 : index
    %get3A_130 = arith.constant 0 : index
    %get3A_131 = vector.load %arg2[%get3A_129, %get3A_130] : memref<256x4096xf32, #tpu.memory_space<vmem>>, vector<256x4096xf32>
    %dot_general3A_132 = arith.constant dense<0.000000e+00> : vector<64x4096xf32>
    %dot_general3A_133 = tpu.matmul %dot_general3A_128, %get3A_131, %dot_general3A_132 {dimension_numbers = #tpu.dot_dimension_numbers<[1], [0], [0], [1], [0, 0, 1, 1], [], []>, precision = #tpu.contract_precision<fp32>, transpose_lhs_hint = false} : vector<64x256xf32>, vector<256x4096xf32>, vector<64x4096xf32> -> vector<64x4096xf32>
    %get3A_134 = arith.constant 0 : index
    %get3A_135 = arith.constant 0 : index
    %get3A_136 = vector.load %arg3[%get3A_134, %get3A_135] : memref<1x4096xf32, #tpu.memory_space<vmem>>, vector<1x4096xf32>
    %add3A_137 = vector.broadcast %get3A_136 : vector<1x4096xf32> to vector<64x4096xf32>
    %add3A_138 = arith.addf %dot_general3A_133, %add3A_137 : vector<64x4096xf32>
    %iota3A_139 = tpu.iota {dimensions = array<i32: 0>} : vector<40x32xi32>
    %iota3A_140 = tpu.iota {dimensions = array<i32: 1>} : vector<40x32xi32>
    %add3A_141 = arith.constant 1 : i32
    %add3A_142 = arith.addi %reduce_min3A_12, %add3A_141 : i32
    %add3A_143 = arith.constant 1 : i32
    %add3A_144 = arith.addi %reduce_min3A_23, %add3A_143 : i32
    %jit3A_145 = arith.constant 8 : i32
    %eq3A_146 = arith.constant 0 : i32
    %eq3A_147 = arith.cmpi eq, %jit3A_145, %eq3A_146 : i32
    %jit3A_148 = arith.constant 1 : i32
    %select_n3A_149 = arith.select %eq3A_147, %jit3A_148, %jit3A_145 : i32
    %rem3A_150 = arith.remsi %add3A_142, %select_n3A_149 : i32
    %ne3A_151 = arith.constant 0 : i32
    %ne3A_152 = arith.cmpi ne, %rem3A_150, %ne3A_151 : i32
    %lt3A_153 = arith.constant 0 : i32
    %lt3A_154 = arith.cmpi slt, %rem3A_150, %lt3A_153 : i32
    %lt3A_155 = arith.constant 0 : i32
    %lt3A_156 = arith.cmpi slt, %select_n3A_149, %lt3A_155 : i32
    %ne3A_157 = arith.xori %lt3A_154, %lt3A_156 : i1
    %and3A_158 = arith.andi %ne3A_157, %ne3A_152 : i1
    %add3A_159 = arith.addi %rem3A_150, %select_n3A_149 : i32
    %select_n3A_160 = arith.select %and3A_158, %add3A_159, %rem3A_150 : i32
    %sub3A_161 = vector.broadcast %select_n3A_160 : i32 to vector<40x32xi32>
    %sub3A_162 = arith.subi %iota3A_139, %sub3A_161 : vector<40x32xi32>
    %eq3A_163 = arith.cmpi eq, %iota3A_140, %sub3A_162 : vector<40x32xi32>
    %convert_element_type3A_164 = arith.extui %eq3A_163 : vector<40x32xi1> to vector<40x32xi32>
    %convert_element_type3A_165 = arith.sitofp %convert_element_type3A_164 : vector<40x32xi32> to vector<40x32xf32>
    %slice3A = vector.extract_strided_slice %add3A_138 {offsets = [0, 0], sizes = [32, 4096], strides = [1, 1]} : vector<64x4096xf32> to vector<32x4096xf32>
    %dot_general3A_166 = arith.constant dense<0.000000e+00> : vector<40x4096xf32>
    %dot_general3A_167 = tpu.matmul %convert_element_type3A_165, %slice3A, %dot_general3A_166 {dimension_numbers = #tpu.dot_dimension_numbers<[1], [0], [0], [1], [0, 0, 1, 1], [], []>, precision = #tpu.contract_precision<fp32>, transpose_lhs_hint = false} : vector<40x32xf32>, vector<32x4096xf32>, vector<40x4096xf32> -> vector<40x4096xf32>
    %swap3A_168 = arith.constant 0 : index
    %swap3A_169 = arith.constant 0 : index
    %swap3A_170 = arith.constant 0 : index
    %swap3A_171 = arith.constant 0 : index
    %swap3A_172 = vector.load %arg4[%swap3A_168, %swap3A_169, %swap3A_170, %swap3A_171] : memref<4x2x40x4096xf32, #tpu.memory_space<vmem>>, vector<1x1x40x4096xf32>
    %swap3A_173 = vector.shape_cast %swap3A_172 : vector<1x1x40x4096xf32> to vector<40x4096xf32>
    %swap3A_174 = vector.shape_cast %dot_general3A_167 : vector<40x4096xf32> to vector<1x1x40x4096xf32>
    tpu.vector_store %arg4[%swap3A_168, %swap3A_169, %swap3A_170, %swap3A_171], %swap3A_174 {strides = array<i32>} : memref<4x2x40x4096xf32, #tpu.memory_space<vmem>>, vector<1x1x40x4096xf32>,
    %jit3A_175 = arith.constant 8 : i32
    %eq3A_176 = arith.constant 0 : i32
    %eq3A_177 = arith.cmpi eq, %jit3A_175, %eq3A_176 : i32
    %jit3A_178 = arith.constant 1 : i32
    %select_n3A_179 = arith.select %eq3A_177, %jit3A_178, %jit3A_175 : i32
    %rem3A_180 = arith.remsi %add3A_144, %select_n3A_179 : i32
    %ne3A_181 = arith.constant 0 : i32
    %ne3A_182 = arith.cmpi ne, %rem3A_180, %ne3A_181 : i32
    %lt3A_183 = arith.constant 0 : i32
    %lt3A_184 = arith.cmpi slt, %rem3A_180, %lt3A_183 : i32
    %lt3A_185 = arith.constant 0 : i32
    %lt3A_186 = arith.cmpi slt, %select_n3A_179, %lt3A_185 : i32
    %ne3A_187 = arith.xori %lt3A_184, %lt3A_186 : i1
    %and3A_188 = arith.andi %ne3A_187, %ne3A_182 : i1
    %add3A_189 = arith.addi %rem3A_180, %select_n3A_179 : i32
    %select_n3A_190 = arith.select %and3A_188, %add3A_189, %rem3A_180 : i32
    %sub3A_191 = vector.broadcast %select_n3A_190 : i32 to vector<40x32xi32>
    %sub3A_192 = arith.subi %iota3A_139, %sub3A_191 : vector<40x32xi32>
    %eq3A_193 = arith.cmpi eq, %iota3A_140, %sub3A_192 : vector<40x32xi32>
    %convert_element_type3A_194 = arith.extui %eq3A_193 : vector<40x32xi1> to vector<40x32xi32>
    %convert_element_type3A_195 = arith.sitofp %convert_element_type3A_194 : vector<40x32xi32> to vector<40x32xf32>
    %slice3A_196 = vector.extract_strided_slice %add3A_138 {offsets = [32, 0], sizes = [32, 4096], strides = [1, 1]} : vector<64x4096xf32> to vector<32x4096xf32>
    %dot_general3A_197 = arith.constant dense<0.000000e+00> : vector<40x4096xf32>
    %dot_general3A_198 = tpu.matmul %convert_element_type3A_195, %slice3A_196, %dot_general3A_197 {dimension_numbers = #tpu.dot_dimension_numbers<[1], [0], [0], [1], [0, 0, 1, 1], [], []>, precision = #tpu.contract_precision<fp32>, transpose_lhs_hint = false} : vector<40x32xf32>, vector<32x4096xf32>, vector<40x4096xf32> -> vector<40x4096xf32>
    %swap3A_199 = arith.constant 0 : index
    %swap3A_200 = arith.constant 1 : index
    %swap3A_201 = arith.constant 0 : index
    %swap3A_202 = arith.constant 0 : index
    %swap3A_203 = vector.load %arg4[%swap3A_199, %swap3A_200, %swap3A_201, %swap3A_202] : memref<4x2x40x4096xf32, #tpu.memory_space<vmem>>, vector<1x1x40x4096xf32>
    %swap3A_204 = vector.shape_cast %swap3A_203 : vector<1x1x40x4096xf32> to vector<40x4096xf32>
    %swap3A_205 = vector.shape_cast %dot_general3A_198 : vector<40x4096xf32> to vector<1x1x40x4096xf32>
    tpu.vector_store %arg4[%swap3A_199, %swap3A_200, %swap3A_201, %swap3A_202], %swap3A_205 {strides = array<i32>} : memref<4x2x40x4096xf32, #tpu.memory_space<vmem>>, vector<1x1x40x4096xf32>,
    %get3A_206 = arith.constant 1 : index
    %get3A_207 = arith.constant 0 : index
    %get3A_208 = arith.constant 0 : index
    %get3A_209 = vector.load %arg0[%get3A_206, %get3A_207, %get3A_208] : memref<4x16x128xi32, #tpu.memory_space<vmem>>, vector<1x16x128xi32>
    %get3A_210 = vector.shape_cast %get3A_209 : vector<1x16x128xi32> to vector<16x128xi32>
    %eq3A_211 = arith.constant 49000 : i32
    %eq3A_212 = vector.broadcast %eq3A_211 : i32 to vector<16x128xi32>
    %eq3A_213 = arith.cmpi eq, %get3A_210, %eq3A_212 : vector<16x128xi32>
    %jit3A_214 = arith.constant 2048 : i32
    %broadcast_in_dim3A_215 = vector.broadcast %jit3A_214 : i32 to vector<16x128xi32>
    %select_n3A_216 = arith.select %eq3A_213, %add3A, %broadcast_in_dim3A_215 : vector<16x128xi1>, vector<16x128xi32>
    %reduce_min3A_217 = vector.shape_cast %select_n3A_216 : vector<16x128xi32> to vector<1x16x128xi32>
    %reduce_min3A_218 = arith.constant dense<2147483647> : vector<1xi32>
    %reduce_min3A_219 = vector.multi_reduction <minsi>, %reduce_min3A_217, %reduce_min3A_218 [1, 2] : vector<1x16x128xi32> to vector<1xi32>
    %reduce_min3A_220 = vector.shape_cast %reduce_min3A_219 : vector<1xi32> to vector<1x1x1xi32>
    %reduce_min3A_221 = vector.extract %reduce_min3A_220[0, 0, 0] : i32 from vector<1x1x1xi32>
    %eq3A_222 = arith.constant 49002 : i32
    %eq3A_223 = vector.broadcast %eq3A_222 : i32 to vector<16x128xi32>
    %eq3A_224 = arith.cmpi eq, %get3A_210, %eq3A_223 : vector<16x128xi32>
    %jit3A_225 = arith.constant 2048 : i32
    %broadcast_in_dim3A_226 = vector.broadcast %jit3A_225 : i32 to vector<16x128xi32>
    %select_n3A_227 = arith.select %eq3A_224, %add3A, %broadcast_in_dim3A_226 : vector<16x128xi1>, vector<16x128xi32>
    %reduce_min3A_228 = vector.shape_cast %select_n3A_227 : vector<16x128xi32> to vector<1x16x128xi32>
    %reduce_min3A_229 = arith.constant dense<2147483647> : vector<1xi32>
    %reduce_min3A_230 = vector.multi_reduction <minsi>, %reduce_min3A_228, %reduce_min3A_229 [1, 2] : vector<1x16x128xi32> to vector<1xi32>
    %reduce_min3A_231 = vector.shape_cast %reduce_min3A_230 : vector<1xi32> to vector<1x1x1xi32>
    %reduce_min3A_232 = vector.extract %reduce_min3A_231[0, 0, 0] : i32 from vector<1x1x1xi32>
    %iota3A_233 = tpu.iota {dimensions = array<i32: 1>} : vector<1x128xi32>
    %eq3A_234 = arith.constant 0 : i32
    %eq3A_235 = vector.broadcast %eq3A_234 : i32 to vector<1x128xi32>
    %eq3A_236 = arith.cmpi eq, %iota3A_233, %eq3A_235 : vector<1x128xi32>
    %eq3A_237 = arith.constant 1 : i32
    %eq3A_238 = vector.broadcast %eq3A_237 : i32 to vector<1x128xi32>
    %eq3A_239 = arith.cmpi eq, %iota3A_233, %eq3A_238 : vector<1x128xi32>
    %jit3A_240 = arith.constant 0 : i32
    %broadcast_in_dim3A_241 = vector.broadcast %reduce_min3A_232 : i32 to vector<1x128xi32>
    %broadcast_in_dim3A_242 = vector.broadcast %jit3A_240 : i32 to vector<1x128xi32>
    %select_n3A_243 = arith.select %eq3A_239, %broadcast_in_dim3A_241, %broadcast_in_dim3A_242 : vector<1x128xi1>, vector<1x128xi32>
    %broadcast_in_dim3A_244 = vector.broadcast %reduce_min3A_221 : i32 to vector<1x128xi32>
    %select_n3A_245 = arith.select %eq3A_236, %broadcast_in_dim3A_244, %select_n3A_243 : vector<1x128xi1>, vector<1x128xi32>
    %swap3A_246 = arith.constant 1 : index
    %swap3A_247 = arith.constant 0 : index
    %swap3A_248 = vector.load %arg5[%swap3A_246, %swap3A_247] : memref<4x128xi32, #tpu.memory_space<vmem>>, vector<1x128xi32>
    tpu.vector_store %arg5[%swap3A_246, %swap3A_247], %select_n3A_245 {strides = array<i32>} : memref<4x128xi32, #tpu.memory_space<vmem>>, vector<1x128xi32>,
    %iota3A_249 = tpu.iota {dimensions = array<i32: 0>} : vector<64x1xi32>
    %lt3A_250 = arith.constant 32 : i32
    %lt3A_251 = vector.broadcast %lt3A_250 : i32 to vector<64x1xi32>
    %lt3A_252 = arith.cmpi slt, %iota3A_249, %lt3A_251 : vector<64x1xi32>
    %add3A_253 = arith.constant 1 : i32
    %add3A_254 = arith.addi %reduce_min3A_221, %add3A_253 : i32
    %add3A_255 = vector.broadcast %add3A_254 : i32 to vector<64x1xi32>
    %add3A_256 = arith.addi %add3A_255, %iota3A_249 : vector<64x1xi32>
    %add3A_257 = arith.constant 1 : i32
    %add3A_258 = arith.addi %reduce_min3A_232, %add3A_257 : i32
    %add3A_259 = vector.broadcast %add3A_258 : i32 to vector<64x1xi32>
    %add3A_260 = arith.addi %add3A_259, %iota3A_249 : vector<64x1xi32>
    %sub3A_261 = arith.constant 32 : i32
    %sub3A_262 = vector.broadcast %sub3A_261 : i32 to vector<64x1xi32>
    %sub3A_263 = arith.subi %add3A_260, %sub3A_262 : vector<64x1xi32>
    %select_n3A_264 = arith.select %lt3A_252, %add3A_256, %sub3A_263 : vector<64x1xi1>, vector<64x1xi32>
    %iota3A_265 = tpu.iota {dimensions = array<i32: 1>} : vector<64x16xi32>
    %jit3A_266 = arith.constant 128 : i32
    %div3A_267 = vector.broadcast %jit3A_266 : i32 to vector<64x1xi32>
    %div3A_268 = arith.divsi %select_n3A_264, %div3A_267 : vector<64x1xi32>
    %sign3A_269 = arith.constant 0 : i32
    %sign3A_270 = vector.broadcast %sign3A_269 : i32 to vector<64x1xi32>
    %sign3A_271 = arith.cmpi sgt, %select_n3A_264, %sign3A_270 : vector<64x1xi32>
    %sign3A_272 = arith.extui %sign3A_271 : vector<64x1xi1> to vector<64x1xi32>
    %sign3A_273 = arith.constant 0 : i32
    %sign3A_274 = vector.broadcast %sign3A_273 : i32 to vector<64x1xi32>
    %sign3A_275 = arith.cmpi slt, %select_n3A_264, %sign3A_274 : vector<64x1xi32>
    %sign3A_276 = arith.extui %sign3A_275 : vector<64x1xi1> to vector<64x1xi32>
    %sign3A_277 = arith.subi %sign3A_272, %sign3A_276 : vector<64x1xi32>
    %sign3A_278 = arith.constant 0 : i32
    %sign3A_279 = arith.cmpi sgt, %jit3A_266, %sign3A_278 : i32
    %sign3A_280 = arith.extui %sign3A_279 : i1 to i32
    %sign3A_281 = arith.constant 0 : i32
    %sign3A_282 = arith.cmpi slt, %jit3A_266, %sign3A_281 : i32
    %sign3A_283 = arith.extui %sign3A_282 : i1 to i32
    %sign3A_284 = arith.subi %sign3A_280, %sign3A_283 : i32
    %ne3A_285 = vector.broadcast %sign3A_284 : i32 to vector<64x1xi32>
    %ne3A_286 = arith.cmpi ne, %sign3A_277, %ne3A_285 : vector<64x1xi32>
    %rem3A_287 = vector.broadcast %jit3A_266 : i32 to vector<64x1xi32>
    %rem3A_288 = arith.remsi %select_n3A_264, %rem3A_287 : vector<64x1xi32>
    %ne3A_289 = arith.constant 0 : i32
    %ne3A_290 = vector.broadcast %ne3A_289 : i32 to vector<64x1xi32>
    %ne3A_291 = arith.cmpi ne, %rem3A_288, %ne3A_290 : vector<64x1xi32>
    %and3A_292 = arith.andi %ne3A_286, %ne3A_291 : vector<64x1xi1>
    %sub3A_293 = arith.constant 1 : i32
    %sub3A_294 = vector.broadcast %sub3A_293 : i32 to vector<64x1xi32>
    %sub3A_295 = arith.subi %div3A_268, %sub3A_294 : vector<64x1xi32>
    %select_n3A_296 = arith.select %and3A_292, %sub3A_295, %div3A_268 : vector<64x1xi1>, vector<64x1xi32>
    %eq3A_297 = vector.broadcast %select_n3A_296 : vector<64x1xi32> to vector<64x16xi32>
    %eq3A_298 = arith.cmpi eq, %iota3A_265, %eq3A_297 : vector<64x16xi32>
    %convert_element_type3A_299 = arith.extui %eq3A_298 : vector<64x16xi1> to vector<64x16xi32>
    %convert_element_type3A_300 = arith.sitofp %convert_element_type3A_299 : vector<64x16xi32> to vector<64x16xf32>
    %iota3A_301 = tpu.iota {dimensions = array<i32: 1>} : vector<64x128xi32>
    %jit3A_302 = arith.constant 128 : i32
    %eq3A_303 = arith.constant 0 : i32
    %eq3A_304 = arith.cmpi eq, %jit3A_302, %eq3A_303 : i32
    %jit3A_305 = arith.constant 1 : i32
    %select_n3A_306 = arith.select %eq3A_304, %jit3A_305, %jit3A_302 : i32
    %rem3A_307 = vector.broadcast %select_n3A_306 : i32 to vector<64x1xi32>
    %rem3A_308 = arith.remsi %select_n3A_264, %rem3A_307 : vector<64x1xi32>
    %ne3A_309 = arith.constant 0 : i32
    %ne3A_310 = vector.broadcast %ne3A_309 : i32 to vector<64x1xi32>
    %ne3A_311 = arith.cmpi ne, %rem3A_308, %ne3A_310 : vector<64x1xi32>
    %lt3A_312 = arith.constant 0 : i32
    %lt3A_313 = vector.broadcast %lt3A_312 : i32 to vector<64x1xi32>
    %lt3A_314 = arith.cmpi slt, %rem3A_308, %lt3A_313 : vector<64x1xi32>
    %lt3A_315 = arith.constant 0 : i32
    %lt3A_316 = arith.cmpi slt, %select_n3A_306, %lt3A_315 : i32
    %ne3A_317 = vector.broadcast %lt3A_316 : i1 to vector<64x1xi1>
    %ne3A_318 = vector.broadcast %ne3A_317 : vector<64x1xi1> to vector<64x1xi1>
    %ne3A_319 = arith.xori %lt3A_314, %ne3A_318 : vector<64x1xi1>
    %and3A_320 = arith.andi %ne3A_319, %ne3A_311 : vector<64x1xi1>
    %add3A_321 = vector.broadcast %select_n3A_306 : i32 to vector<64x1xi32>
    %add3A_322 = arith.addi %rem3A_308, %add3A_321 : vector<64x1xi32>
    %select_n3A_323 = arith.select %and3A_320, %add3A_322, %rem3A_308 : vector<64x1xi1>, vector<64x1xi32>
    %eq3A_324 = vector.broadcast %select_n3A_323 : vector<64x1xi32> to vector<64x128xi32>
    %eq3A_325 = arith.cmpi eq, %iota3A_301, %eq3A_324 : vector<64x128xi32>
    %convert_element_type3A_326 = arith.extui %eq3A_325 : vector<64x128xi1> to vector<64x128xi32>
    %convert_element_type3A_327 = arith.sitofp %convert_element_type3A_326 : vector<64x128xi32> to vector<64x128xf32>
    %convert_element_type3A_328 = arith.sitofp %get3A_210 : vector<16x128xi32> to vector<16x128xf32>
    %dot_general3A_329 = arith.constant dense<0.000000e+00> : vector<64x128xf32>
    %dot_general3A_330 = tpu.matmul %convert_element_type3A_300, %convert_element_type3A_328, %dot_general3A_329 {dimension_numbers = #tpu.dot_dimension_numbers<[1], [0], [0], [1], [0, 0, 1, 1], [], []>, precision = #tpu.contract_precision<fp32>, transpose_lhs_hint = false} : vector<64x16xf32>, vector<16x128xf32>, vector<64x128xf32> -> vector<64x128xf32>
    %mul3A_331 = arith.mulf %dot_general3A_330, %convert_element_type3A_327 : vector<64x128xf32>
    %reduce_sum3A_332 = arith.constant dense<0.000000e+00> : vector<64xf32>
    %reduce_sum3A_333 = vector.multi_reduction <add>, %mul3A_331, %reduce_sum3A_332 [1] : vector<64x128xf32> to vector<64xf32>
    %broadcast_in_dim3A_334 = vector.shape_cast %reduce_sum3A_333 : vector<64xf32> to vector<64x1xf32>
    %convert_element_type3A_335 = arith.fptosi %broadcast_in_dim3A_334 : vector<64x1xf32> to vector<64x1xi32>
    %sub3A_336 = arith.constant 40000 : i32
    %sub3A_337 = vector.broadcast %sub3A_336 : i32 to vector<64x1xi32>
    %sub3A_338 = arith.subi %convert_element_type3A_335, %sub3A_337 : vector<64x1xi32>
    %iota3A_339 = tpu.iota {dimensions = array<i32: 1>} : vector<64x8192xi32>
    %eq3A_340 = vector.broadcast %sub3A_338 : vector<64x1xi32> to vector<64x8192xi32>
    %eq3A_341 = arith.cmpi eq, %iota3A_339, %eq3A_340 : vector<64x8192xi32>
    %convert_element_type3A_342 = arith.extui %eq3A_341 : vector<64x8192xi1> to vector<64x8192xi32>
    %convert_element_type3A_343 = arith.sitofp %convert_element_type3A_342 : vector<64x8192xi32> to vector<64x8192xf32>
    %get3A_344 = arith.constant 0 : index
    %get3A_345 = arith.constant 0 : index
    %get3A_346 = vector.load %arg1[%get3A_344, %get3A_345] : memref<8192x256xf32, #tpu.memory_space<vmem>>, vector<8192x256xf32>
    %dot_general3A_347 = arith.constant dense<0.000000e+00> : vector<64x256xf32>
    %dot_general3A_348 = tpu.matmul %convert_element_type3A_343, %get3A_346, %dot_general3A_347 {dimension_numbers = #tpu.dot_dimension_numbers<[1], [0], [0], [1], [0, 0, 1, 1], [], []>, precision = #tpu.contract_precision<fp32>, transpose_lhs_hint = false} : vector<64x8192xf32>, vector<8192x256xf32>, vector<64x256xf32> -> vector<64x256xf32>
    %get3A_349 = arith.constant 0 : index
    %get3A_350 = arith.constant 0 : index
    %get3A_351 = vector.load %arg2[%get3A_349, %get3A_350] : memref<256x4096xf32, #tpu.memory_space<vmem>>, vector<256x4096xf32>
    %dot_general3A_352 = arith.constant dense<0.000000e+00> : vector<64x4096xf32>
    %dot_general3A_353 = tpu.matmul %dot_general3A_348, %get3A_351, %dot_general3A_352 {dimension_numbers = #tpu.dot_dimension_numbers<[1], [0], [0], [1], [0, 0, 1, 1], [], []>, precision = #tpu.contract_precision<fp32>, transpose_lhs_hint = false} : vector<64x256xf32>, vector<256x4096xf32>, vector<64x4096xf32> -> vector<64x4096xf32>
    %get3A_354 = arith.constant 0 : index
    %get3A_355 = arith.constant 0 : index
    %get3A_356 = vector.load %arg3[%get3A_354, %get3A_355] : memref<1x4096xf32, #tpu.memory_space<vmem>>, vector<1x4096xf32>
    %add3A_357 = vector.broadcast %get3A_356 : vector<1x4096xf32> to vector<64x4096xf32>
    %add3A_358 = arith.addf %dot_general3A_353, %add3A_357 : vector<64x4096xf32>
    %iota3A_359 = tpu.iota {dimensions = array<i32: 0>} : vector<40x32xi32>
    %iota3A_360 = tpu.iota {dimensions = array<i32: 1>} : vector<40x32xi32>
    %add3A_361 = arith.constant 1 : i32
    %add3A_362 = arith.addi %reduce_min3A_221, %add3A_361 : i32
    %add3A_363 = arith.constant 1 : i32
    %add3A_364 = arith.addi %reduce_min3A_232, %add3A_363 : i32
    %jit3A_365 = arith.constant 8 : i32
    %eq3A_366 = arith.constant 0 : i32
    %eq3A_367 = arith.cmpi eq, %jit3A_365, %eq3A_366 : i32
    %jit3A_368 = arith.constant 1 : i32
    %select_n3A_369 = arith.select %eq3A_367, %jit3A_368, %jit3A_365 : i32
    %rem3A_370 = arith.remsi %add3A_362, %select_n3A_369 : i32
    %ne3A_371 = arith.constant 0 : i32
    %ne3A_372 = arith.cmpi ne, %rem3A_370, %ne3A_371 : i32
    %lt3A_373 = arith.constant 0 : i32
    %lt3A_374 = arith.cmpi slt, %rem3A_370, %lt3A_373 : i32
    %lt3A_375 = arith.constant 0 : i32
    %lt3A_376 = arith.cmpi slt, %select_n3A_369, %lt3A_375 : i32
    %ne3A_377 = arith.xori %lt3A_374, %lt3A_376 : i1
    %and3A_378 = arith.andi %ne3A_377, %ne3A_372 : i1
    %add3A_379 = arith.addi %rem3A_370, %select_n3A_369 : i32
    %select_n3A_380 = arith.select %and3A_378, %add3A_379, %rem3A_370 : i32
    %sub3A_381 = vector.broadcast %select_n3A_380 : i32 to vector<40x32xi32>
    %sub3A_382 = arith.subi %iota3A_359, %sub3A_381 : vector<40x32xi32>
    %eq3A_383 = arith.cmpi eq, %iota3A_360, %sub3A_382 : vector<40x32xi32>
    %convert_element_type3A_384 = arith.extui %eq3A_383 : vector<40x32xi1> to vector<40x32xi32>
    %convert_element_type3A_385 = arith.sitofp %convert_element_type3A_384 : vector<40x32xi32> to vector<40x32xf32>
    %slice3A_386 = vector.extract_strided_slice %add3A_358 {offsets = [0, 0], sizes = [32, 4096], strides = [1, 1]} : vector<64x4096xf32> to vector<32x4096xf32>
    %dot_general3A_387 = arith.constant dense<0.000000e+00> : vector<40x4096xf32>
    %dot_general3A_388 = tpu.matmul %convert_element_type3A_385, %slice3A_386, %dot_general3A_387 {dimension_numbers = #tpu.dot_dimension_numbers<[1], [0], [0], [1], [0, 0, 1, 1], [], []>, precision = #tpu.contract_precision<fp32>, transpose_lhs_hint = false} : vector<40x32xf32>, vector<32x4096xf32>, vector<40x4096xf32> -> vector<40x4096xf32>
    %swap3A_389 = arith.constant 1 : index
    %swap3A_390 = arith.constant 0 : index
    %swap3A_391 = arith.constant 0 : index
    %swap3A_392 = arith.constant 0 : index
    %swap3A_393 = vector.load %arg4[%swap3A_389, %swap3A_390, %swap3A_391, %swap3A_392] : memref<4x2x40x4096xf32, #tpu.memory_space<vmem>>, vector<1x1x40x4096xf32>
    %swap3A_394 = vector.shape_cast %swap3A_393 : vector<1x1x40x4096xf32> to vector<40x4096xf32>
    %swap3A_395 = vector.shape_cast %dot_general3A_388 : vector<40x4096xf32> to vector<1x1x40x4096xf32>
    tpu.vector_store %arg4[%swap3A_389, %swap3A_390, %swap3A_391, %swap3A_392], %swap3A_395 {strides = array<i32>} : memref<4x2x40x4096xf32, #tpu.memory_space<vmem>>, vector<1x1x40x4096xf32>,
    %jit3A_396 = arith.constant 8 : i32
    %eq3A_397 = arith.constant 0 : i32
    %eq3A_398 = arith.cmpi eq, %jit3A_396, %eq3A_397 : i32
    %jit3A_399 = arith.constant 1 : i32
    %select_n3A_400 = arith.select %eq3A_398, %jit3A_399, %jit3A_396 : i32
    %rem3A_401 = arith.remsi %add3A_364, %select_n3A_400 : i32
    %ne3A_402 = arith.constant 0 : i32
    %ne3A_403 = arith.cmpi ne, %rem3A_401, %ne3A_402 : i32
    %lt3A_404 = arith.constant 0 : i32
    %lt3A_405 = arith.cmpi slt, %rem3A_401, %lt3A_404 : i32
    %lt3A_406 = arith.constant 0 : i32
    %lt3A_407 = arith.cmpi slt, %select_n3A_400, %lt3A_406 : i32
    %ne3A_408 = arith.xori %lt3A_405, %lt3A_407 : i1
    %and3A_409 = arith.andi %ne3A_408, %ne3A_403 : i1
    %add3A_410 = arith.addi %rem3A_401, %select_n3A_400 : i32
    %select_n3A_411 = arith.select %and3A_409, %add3A_410, %rem3A_401 : i32
    %sub3A_412 = vector.broadcast %select_n3A_411 : i32 to vector<40x32xi32>
    %sub3A_413 = arith.subi %iota3A_359, %sub3A_412 : vector<40x32xi32>
    %eq3A_414 = arith.cmpi eq, %iota3A_360, %sub3A_413 : vector<40x32xi32>
    %convert_element_type3A_415 = arith.extui %eq3A_414 : vector<40x32xi1> to vector<40x32xi32>
    %convert_element_type3A_416 = arith.sitofp %convert_element_type3A_415 : vector<40x32xi32> to vector<40x32xf32>
    %slice3A_417 = vector.extract_strided_slice %add3A_358 {offsets = [32, 0], sizes = [32, 4096], strides = [1, 1]} : vector<64x4096xf32> to vector<32x4096xf32>
    %dot_general3A_418 = arith.constant dense<0.000000e+00> : vector<40x4096xf32>
    %dot_general3A_419 = tpu.matmul %convert_element_type3A_416, %slice3A_417, %dot_general3A_418 {dimension_numbers = #tpu.dot_dimension_numbers<[1], [0], [0], [1], [0, 0, 1, 1], [], []>, precision = #tpu.contract_precision<fp32>, transpose_lhs_hint = false} : vector<40x32xf32>, vector<32x4096xf32>, vector<40x4096xf32> -> vector<40x4096xf32>
    %swap3A_420 = arith.constant 1 : index
    %swap3A_421 = arith.constant 1 : index
    %swap3A_422 = arith.constant 0 : index
    %swap3A_423 = arith.constant 0 : index
    %swap3A_424 = vector.load %arg4[%swap3A_420, %swap3A_421, %swap3A_422, %swap3A_423] : memref<4x2x40x4096xf32, #tpu.memory_space<vmem>>, vector<1x1x40x4096xf32>
    %swap3A_425 = vector.shape_cast %swap3A_424 : vector<1x1x40x4096xf32> to vector<40x4096xf32>
    %swap3A_426 = vector.shape_cast %dot_general3A_419 : vector<40x4096xf32> to vector<1x1x40x4096xf32>
    tpu.vector_store %arg4[%swap3A_420, %swap3A_421, %swap3A_422, %swap3A_423], %swap3A_426 {strides = array<i32>} : memref<4x2x40x4096xf32, #tpu.memory_space<vmem>>, vector<1x1x40x4096xf32>,
    %get3A_427 = arith.constant 2 : index
    %get3A_428 = arith.constant 0 : index
    %get3A_429 = arith.constant 0 : index
    %get3A_430 = vector.load %arg0[%get3A_427, %get3A_428, %get3A_429] : memref<4x16x128xi32, #tpu.memory_space<vmem>>, vector<1x16x128xi32>
    %get3A_431 = vector.shape_cast %get3A_430 : vector<1x16x128xi32> to vector<16x128xi32>
    %eq3A_432 = arith.constant 49000 : i32
    %eq3A_433 = vector.broadcast %eq3A_432 : i32 to vector<16x128xi32>
    %eq3A_434 = arith.cmpi eq, %get3A_431, %eq3A_433 : vector<16x128xi32>
    %jit3A_435 = arith.constant 2048 : i32
    %broadcast_in_dim3A_436 = vector.broadcast %jit3A_435 : i32 to vector<16x128xi32>
    %select_n3A_437 = arith.select %eq3A_434, %add3A, %broadcast_in_dim3A_436 : vector<16x128xi1>, vector<16x128xi32>
    %reduce_min3A_438 = vector.shape_cast %select_n3A_437 : vector<16x128xi32> to vector<1x16x128xi32>
    %reduce_min3A_439 = arith.constant dense<2147483647> : vector<1xi32>
    %reduce_min3A_440 = vector.multi_reduction <minsi>, %reduce_min3A_438, %reduce_min3A_439 [1, 2] : vector<1x16x128xi32> to vector<1xi32>
    %reduce_min3A_441 = vector.shape_cast %reduce_min3A_440 : vector<1xi32> to vector<1x1x1xi32>
    %reduce_min3A_442 = vector.extract %reduce_min3A_441[0, 0, 0] : i32 from vector<1x1x1xi32>
    %eq3A_443 = arith.constant 49002 : i32
    %eq3A_444 = vector.broadcast %eq3A_443 : i32 to vector<16x128xi32>
    %eq3A_445 = arith.cmpi eq, %get3A_431, %eq3A_444 : vector<16x128xi32>
    %jit3A_446 = arith.constant 2048 : i32
    %broadcast_in_dim3A_447 = vector.broadcast %jit3A_446 : i32 to vector<16x128xi32>
    %select_n3A_448 = arith.select %eq3A_445, %add3A, %broadcast_in_dim3A_447 : vector<16x128xi1>, vector<16x128xi32>
    %reduce_min3A_449 = vector.shape_cast %select_n3A_448 : vector<16x128xi32> to vector<1x16x128xi32>
    %reduce_min3A_450 = arith.constant dense<2147483647> : vector<1xi32>
    %reduce_min3A_451 = vector.multi_reduction <minsi>, %reduce_min3A_449, %reduce_min3A_450 [1, 2] : vector<1x16x128xi32> to vector<1xi32>
    %reduce_min3A_452 = vector.shape_cast %reduce_min3A_451 : vector<1xi32> to vector<1x1x1xi32>
    %reduce_min3A_453 = vector.extract %reduce_min3A_452[0, 0, 0] : i32 from vector<1x1x1xi32>
    %iota3A_454 = tpu.iota {dimensions = array<i32: 1>} : vector<1x128xi32>
    %eq3A_455 = arith.constant 0 : i32
    %eq3A_456 = vector.broadcast %eq3A_455 : i32 to vector<1x128xi32>
    %eq3A_457 = arith.cmpi eq, %iota3A_454, %eq3A_456 : vector<1x128xi32>
    %eq3A_458 = arith.constant 1 : i32
    %eq3A_459 = vector.broadcast %eq3A_458 : i32 to vector<1x128xi32>
    %eq3A_460 = arith.cmpi eq, %iota3A_454, %eq3A_459 : vector<1x128xi32>
    %jit3A_461 = arith.constant 0 : i32
    %broadcast_in_dim3A_462 = vector.broadcast %reduce_min3A_453 : i32 to vector<1x128xi32>
    %broadcast_in_dim3A_463 = vector.broadcast %jit3A_461 : i32 to vector<1x128xi32>
    %select_n3A_464 = arith.select %eq3A_460, %broadcast_in_dim3A_462, %broadcast_in_dim3A_463 : vector<1x128xi1>, vector<1x128xi32>
    %broadcast_in_dim3A_465 = vector.broadcast %reduce_min3A_442 : i32 to vector<1x128xi32>
    %select_n3A_466 = arith.select %eq3A_457, %broadcast_in_dim3A_465, %select_n3A_464 : vector<1x128xi1>, vector<1x128xi32>
    %swap3A_467 = arith.constant 2 : index
    %swap3A_468 = arith.constant 0 : index
    %swap3A_469 = vector.load %arg5[%swap3A_467, %swap3A_468] : memref<4x128xi32, #tpu.memory_space<vmem>>, vector<1x128xi32>
    tpu.vector_store %arg5[%swap3A_467, %swap3A_468], %select_n3A_466 {strides = array<i32>} : memref<4x128xi32, #tpu.memory_space<vmem>>, vector<1x128xi32>,
    %iota3A_470 = tpu.iota {dimensions = array<i32: 0>} : vector<64x1xi32>
    %lt3A_471 = arith.constant 32 : i32
    %lt3A_472 = vector.broadcast %lt3A_471 : i32 to vector<64x1xi32>
    %lt3A_473 = arith.cmpi slt, %iota3A_470, %lt3A_472 : vector<64x1xi32>
    %add3A_474 = arith.constant 1 : i32
    %add3A_475 = arith.addi %reduce_min3A_442, %add3A_474 : i32
    %add3A_476 = vector.broadcast %add3A_475 : i32 to vector<64x1xi32>
    %add3A_477 = arith.addi %add3A_476, %iota3A_470 : vector<64x1xi32>
    %add3A_478 = arith.constant 1 : i32
    %add3A_479 = arith.addi %reduce_min3A_453, %add3A_478 : i32
    %add3A_480 = vector.broadcast %add3A_479 : i32 to vector<64x1xi32>
    %add3A_481 = arith.addi %add3A_480, %iota3A_470 : vector<64x1xi32>
    %sub3A_482 = arith.constant 32 : i32
    %sub3A_483 = vector.broadcast %sub3A_482 : i32 to vector<64x1xi32>
    %sub3A_484 = arith.subi %add3A_481, %sub3A_483 : vector<64x1xi32>
    %select_n3A_485 = arith.select %lt3A_473, %add3A_477, %sub3A_484 : vector<64x1xi1>, vector<64x1xi32>
    %iota3A_486 = tpu.iota {dimensions = array<i32: 1>} : vector<64x16xi32>
    %jit3A_487 = arith.constant 128 : i32
    %div3A_488 = vector.broadcast %jit3A_487 : i32 to vector<64x1xi32>
    %div3A_489 = arith.divsi %select_n3A_485, %div3A_488 : vector<64x1xi32>
    %sign3A_490 = arith.constant 0 : i32
    %sign3A_491 = vector.broadcast %sign3A_490 : i32 to vector<64x1xi32>
    %sign3A_492 = arith.cmpi sgt, %select_n3A_485, %sign3A_491 : vector<64x1xi32>
    %sign3A_493 = arith.extui %sign3A_492 : vector<64x1xi1> to vector<64x1xi32>
    %sign3A_494 = arith.constant 0 : i32
    %sign3A_495 = vector.broadcast %sign3A_494 : i32 to vector<64x1xi32>
    %sign3A_496 = arith.cmpi slt, %select_n3A_485, %sign3A_495 : vector<64x1xi32>
    %sign3A_497 = arith.extui %sign3A_496 : vector<64x1xi1> to vector<64x1xi32>
    %sign3A_498 = arith.subi %sign3A_493, %sign3A_497 : vector<64x1xi32>
    %sign3A_499 = arith.constant 0 : i32
    %sign3A_500 = arith.cmpi sgt, %jit3A_487, %sign3A_499 : i32
    %sign3A_501 = arith.extui %sign3A_500 : i1 to i32
    %sign3A_502 = arith.constant 0 : i32
    %sign3A_503 = arith.cmpi slt, %jit3A_487, %sign3A_502 : i32
    %sign3A_504 = arith.extui %sign3A_503 : i1 to i32
    %sign3A_505 = arith.subi %sign3A_501, %sign3A_504 : i32
    %ne3A_506 = vector.broadcast %sign3A_505 : i32 to vector<64x1xi32>
    %ne3A_507 = arith.cmpi ne, %sign3A_498, %ne3A_506 : vector<64x1xi32>
    %rem3A_508 = vector.broadcast %jit3A_487 : i32 to vector<64x1xi32>
    %rem3A_509 = arith.remsi %select_n3A_485, %rem3A_508 : vector<64x1xi32>
    %ne3A_510 = arith.constant 0 : i32
    %ne3A_511 = vector.broadcast %ne3A_510 : i32 to vector<64x1xi32>
    %ne3A_512 = arith.cmpi ne, %rem3A_509, %ne3A_511 : vector<64x1xi32>
    %and3A_513 = arith.andi %ne3A_507, %ne3A_512 : vector<64x1xi1>
    %sub3A_514 = arith.constant 1 : i32
    %sub3A_515 = vector.broadcast %sub3A_514 : i32 to vector<64x1xi32>
    %sub3A_516 = arith.subi %div3A_489, %sub3A_515 : vector<64x1xi32>
    %select_n3A_517 = arith.select %and3A_513, %sub3A_516, %div3A_489 : vector<64x1xi1>, vector<64x1xi32>
    %eq3A_518 = vector.broadcast %select_n3A_517 : vector<64x1xi32> to vector<64x16xi32>
    %eq3A_519 = arith.cmpi eq, %iota3A_486, %eq3A_518 : vector<64x16xi32>
    %convert_element_type3A_520 = arith.extui %eq3A_519 : vector<64x16xi1> to vector<64x16xi32>
    %convert_element_type3A_521 = arith.sitofp %convert_element_type3A_520 : vector<64x16xi32> to vector<64x16xf32>
    %iota3A_522 = tpu.iota {dimensions = array<i32: 1>} : vector<64x128xi32>
    %jit3A_523 = arith.constant 128 : i32
    %eq3A_524 = arith.constant 0 : i32
    %eq3A_525 = arith.cmpi eq, %jit3A_523, %eq3A_524 : i32
    %jit3A_526 = arith.constant 1 : i32
    %select_n3A_527 = arith.select %eq3A_525, %jit3A_526, %jit3A_523 : i32
    %rem3A_528 = vector.broadcast %select_n3A_527 : i32 to vector<64x1xi32>
    %rem3A_529 = arith.remsi %select_n3A_485, %rem3A_528 : vector<64x1xi32>
    %ne3A_530 = arith.constant 0 : i32
    %ne3A_531 = vector.broadcast %ne3A_530 : i32 to vector<64x1xi32>
    %ne3A_532 = arith.cmpi ne, %rem3A_529, %ne3A_531 : vector<64x1xi32>
    %lt3A_533 = arith.constant 0 : i32
    %lt3A_534 = vector.broadcast %lt3A_533 : i32 to vector<64x1xi32>
    %lt3A_535 = arith.cmpi slt, %rem3A_529, %lt3A_534 : vector<64x1xi32>
    %lt3A_536 = arith.constant 0 : i32
    %lt3A_537 = arith.cmpi slt, %select_n3A_527, %lt3A_536 : i32
    %ne3A_538 = vector.broadcast %lt3A_537 : i1 to vector<64x1xi1>
    %ne3A_539 = vector.broadcast %ne3A_538 : vector<64x1xi1> to vector<64x1xi1>
    %ne3A_540 = arith.xori %lt3A_535, %ne3A_539 : vector<64x1xi1>
    %and3A_541 = arith.andi %ne3A_540, %ne3A_532 : vector<64x1xi1>
    %add3A_542 = vector.broadcast %select_n3A_527 : i32 to vector<64x1xi32>
    %add3A_543 = arith.addi %rem3A_529, %add3A_542 : vector<64x1xi32>
    %select_n3A_544 = arith.select %and3A_541, %add3A_543, %rem3A_529 : vector<64x1xi1>, vector<64x1xi32>
    %eq3A_545 = vector.broadcast %select_n3A_544 : vector<64x1xi32> to vector<64x128xi32>
    %eq3A_546 = arith.cmpi eq, %iota3A_522, %eq3A_545 : vector<64x128xi32>
    %convert_element_type3A_547 = arith.extui %eq3A_546 : vector<64x128xi1> to vector<64x128xi32>
    %convert_element_type3A_548 = arith.sitofp %convert_element_type3A_547 : vector<64x128xi32> to vector<64x128xf32>
    %convert_element_type3A_549 = arith.sitofp %get3A_431 : vector<16x128xi32> to vector<16x128xf32>
    %dot_general3A_550 = arith.constant dense<0.000000e+00> : vector<64x128xf32>
    %dot_general3A_551 = tpu.matmul %convert_element_type3A_521, %convert_element_type3A_549, %dot_general3A_550 {dimension_numbers = #tpu.dot_dimension_numbers<[1], [0], [0], [1], [0, 0, 1, 1], [], []>, precision = #tpu.contract_precision<fp32>, transpose_lhs_hint = false} : vector<64x16xf32>, vector<16x128xf32>, vector<64x128xf32> -> vector<64x128xf32>
    %mul3A_552 = arith.mulf %dot_general3A_551, %convert_element_type3A_548 : vector<64x128xf32>
    %reduce_sum3A_553 = arith.constant dense<0.000000e+00> : vector<64xf32>
    %reduce_sum3A_554 = vector.multi_reduction <add>, %mul3A_552, %reduce_sum3A_553 [1] : vector<64x128xf32> to vector<64xf32>
    %broadcast_in_dim3A_555 = vector.shape_cast %reduce_sum3A_554 : vector<64xf32> to vector<64x1xf32>
    %convert_element_type3A_556 = arith.fptosi %broadcast_in_dim3A_555 : vector<64x1xf32> to vector<64x1xi32>
    %sub3A_557 = arith.constant 40000 : i32
    %sub3A_558 = vector.broadcast %sub3A_557 : i32 to vector<64x1xi32>
    %sub3A_559 = arith.subi %convert_element_type3A_556, %sub3A_558 : vector<64x1xi32>
    %iota3A_560 = tpu.iota {dimensions = array<i32: 1>} : vector<64x8192xi32>
    %eq3A_561 = vector.broadcast %sub3A_559 : vector<64x1xi32> to vector<64x8192xi32>
    %eq3A_562 = arith.cmpi eq, %iota3A_560, %eq3A_561 : vector<64x8192xi32>
    %convert_element_type3A_563 = arith.extui %eq3A_562 : vector<64x8192xi1> to vector<64x8192xi32>
    %convert_element_type3A_564 = arith.sitofp %convert_element_type3A_563 : vector<64x8192xi32> to vector<64x8192xf32>
    %get3A_565 = arith.constant 0 : index
    %get3A_566 = arith.constant 0 : index
    %get3A_567 = vector.load %arg1[%get3A_565, %get3A_566] : memref<8192x256xf32, #tpu.memory_space<vmem>>, vector<8192x256xf32>
    %dot_general3A_568 = arith.constant dense<0.000000e+00> : vector<64x256xf32>
    %dot_general3A_569 = tpu.matmul %convert_element_type3A_564, %get3A_567, %dot_general3A_568 {dimension_numbers = #tpu.dot_dimension_numbers<[1], [0], [0], [1], [0, 0, 1, 1], [], []>, precision = #tpu.contract_precision<fp32>, transpose_lhs_hint = false} : vector<64x8192xf32>, vector<8192x256xf32>, vector<64x256xf32> -> vector<64x256xf32>
    %get3A_570 = arith.constant 0 : index
    %get3A_571 = arith.constant 0 : index
    %get3A_572 = vector.load %arg2[%get3A_570, %get3A_571] : memref<256x4096xf32, #tpu.memory_space<vmem>>, vector<256x4096xf32>
    %dot_general3A_573 = arith.constant dense<0.000000e+00> : vector<64x4096xf32>
    %dot_general3A_574 = tpu.matmul %dot_general3A_569, %get3A_572, %dot_general3A_573 {dimension_numbers = #tpu.dot_dimension_numbers<[1], [0], [0], [1], [0, 0, 1, 1], [], []>, precision = #tpu.contract_precision<fp32>, transpose_lhs_hint = false} : vector<64x256xf32>, vector<256x4096xf32>, vector<64x4096xf32> -> vector<64x4096xf32>
    %get3A_575 = arith.constant 0 : index
    %get3A_576 = arith.constant 0 : index
    %get3A_577 = vector.load %arg3[%get3A_575, %get3A_576] : memref<1x4096xf32, #tpu.memory_space<vmem>>, vector<1x4096xf32>
    %add3A_578 = vector.broadcast %get3A_577 : vector<1x4096xf32> to vector<64x4096xf32>
    %add3A_579 = arith.addf %dot_general3A_574, %add3A_578 : vector<64x4096xf32>
    %iota3A_580 = tpu.iota {dimensions = array<i32: 0>} : vector<40x32xi32>
    %iota3A_581 = tpu.iota {dimensions = array<i32: 1>} : vector<40x32xi32>
    %add3A_582 = arith.constant 1 : i32
    %add3A_583 = arith.addi %reduce_min3A_442, %add3A_582 : i32
    %add3A_584 = arith.constant 1 : i32
    %add3A_585 = arith.addi %reduce_min3A_453, %add3A_584 : i32
    %jit3A_586 = arith.constant 8 : i32
    %eq3A_587 = arith.constant 0 : i32
    %eq3A_588 = arith.cmpi eq, %jit3A_586, %eq3A_587 : i32
    %jit3A_589 = arith.constant 1 : i32
    %select_n3A_590 = arith.select %eq3A_588, %jit3A_589, %jit3A_586 : i32
    %rem3A_591 = arith.remsi %add3A_583, %select_n3A_590 : i32
    %ne3A_592 = arith.constant 0 : i32
    %ne3A_593 = arith.cmpi ne, %rem3A_591, %ne3A_592 : i32
    %lt3A_594 = arith.constant 0 : i32
    %lt3A_595 = arith.cmpi slt, %rem3A_591, %lt3A_594 : i32
    %lt3A_596 = arith.constant 0 : i32
    %lt3A_597 = arith.cmpi slt, %select_n3A_590, %lt3A_596 : i32
    %ne3A_598 = arith.xori %lt3A_595, %lt3A_597 : i1
    %and3A_599 = arith.andi %ne3A_598, %ne3A_593 : i1
    %add3A_600 = arith.addi %rem3A_591, %select_n3A_590 : i32
    %select_n3A_601 = arith.select %and3A_599, %add3A_600, %rem3A_591 : i32
    %sub3A_602 = vector.broadcast %select_n3A_601 : i32 to vector<40x32xi32>
    %sub3A_603 = arith.subi %iota3A_580, %sub3A_602 : vector<40x32xi32>
    %eq3A_604 = arith.cmpi eq, %iota3A_581, %sub3A_603 : vector<40x32xi32>
    %convert_element_type3A_605 = arith.extui %eq3A_604 : vector<40x32xi1> to vector<40x32xi32>
    %convert_element_type3A_606 = arith.sitofp %convert_element_type3A_605 : vector<40x32xi32> to vector<40x32xf32>
    %slice3A_607 = vector.extract_strided_slice %add3A_579 {offsets = [0, 0], sizes = [32, 4096], strides = [1, 1]} : vector<64x4096xf32> to vector<32x4096xf32>
    %dot_general3A_608 = arith.constant dense<0.000000e+00> : vector<40x4096xf32>
    %dot_general3A_609 = tpu.matmul %convert_element_type3A_606, %slice3A_607, %dot_general3A_608 {dimension_numbers = #tpu.dot_dimension_numbers<[1], [0], [0], [1], [0, 0, 1, 1], [], []>, precision = #tpu.contract_precision<fp32>, transpose_lhs_hint = false} : vector<40x32xf32>, vector<32x4096xf32>, vector<40x4096xf32> -> vector<40x4096xf32>
    %swap3A_610 = arith.constant 2 : index
    %swap3A_611 = arith.constant 0 : index
    %swap3A_612 = arith.constant 0 : index
    %swap3A_613 = arith.constant 0 : index
    %swap3A_614 = vector.load %arg4[%swap3A_610, %swap3A_611, %swap3A_612, %swap3A_613] : memref<4x2x40x4096xf32, #tpu.memory_space<vmem>>, vector<1x1x40x4096xf32>
    %swap3A_615 = vector.shape_cast %swap3A_614 : vector<1x1x40x4096xf32> to vector<40x4096xf32>
    %swap3A_616 = vector.shape_cast %dot_general3A_609 : vector<40x4096xf32> to vector<1x1x40x4096xf32>
    tpu.vector_store %arg4[%swap3A_610, %swap3A_611, %swap3A_612, %swap3A_613], %swap3A_616 {strides = array<i32>} : memref<4x2x40x4096xf32, #tpu.memory_space<vmem>>, vector<1x1x40x4096xf32>,
    %jit3A_617 = arith.constant 8 : i32
    %eq3A_618 = arith.constant 0 : i32
    %eq3A_619 = arith.cmpi eq, %jit3A_617, %eq3A_618 : i32
    %jit3A_620 = arith.constant 1 : i32
    %select_n3A_621 = arith.select %eq3A_619, %jit3A_620, %jit3A_617 : i32
    %rem3A_622 = arith.remsi %add3A_585, %select_n3A_621 : i32
    %ne3A_623 = arith.constant 0 : i32
    %ne3A_624 = arith.cmpi ne, %rem3A_622, %ne3A_623 : i32
    %lt3A_625 = arith.constant 0 : i32
    %lt3A_626 = arith.cmpi slt, %rem3A_622, %lt3A_625 : i32
    %lt3A_627 = arith.constant 0 : i32
    %lt3A_628 = arith.cmpi slt, %select_n3A_621, %lt3A_627 : i32
    %ne3A_629 = arith.xori %lt3A_626, %lt3A_628 : i1
    %and3A_630 = arith.andi %ne3A_629, %ne3A_624 : i1
    %add3A_631 = arith.addi %rem3A_622, %select_n3A_621 : i32
    %select_n3A_632 = arith.select %and3A_630, %add3A_631, %rem3A_622 : i32
    %sub3A_633 = vector.broadcast %select_n3A_632 : i32 to vector<40x32xi32>
    %sub3A_634 = arith.subi %iota3A_580, %sub3A_633 : vector<40x32xi32>
    %eq3A_635 = arith.cmpi eq, %iota3A_581, %sub3A_634 : vector<40x32xi32>
    %convert_element_type3A_636 = arith.extui %eq3A_635 : vector<40x32xi1> to vector<40x32xi32>
    %convert_element_type3A_637 = arith.sitofp %convert_element_type3A_636 : vector<40x32xi32> to vector<40x32xf32>
    %slice3A_638 = vector.extract_strided_slice %add3A_579 {offsets = [32, 0], sizes = [32, 4096], strides = [1, 1]} : vector<64x4096xf32> to vector<32x4096xf32>
    %dot_general3A_639 = arith.constant dense<0.000000e+00> : vector<40x4096xf32>
    %dot_general3A_640 = tpu.matmul %convert_element_type3A_637, %slice3A_638, %dot_general3A_639 {dimension_numbers = #tpu.dot_dimension_numbers<[1], [0], [0], [1], [0, 0, 1, 1], [], []>, precision = #tpu.contract_precision<fp32>, transpose_lhs_hint = false} : vector<40x32xf32>, vector<32x4096xf32>, vector<40x4096xf32> -> vector<40x4096xf32>
    %swap3A_641 = arith.constant 2 : index
    %swap3A_642 = arith.constant 1 : index
    %swap3A_643 = arith.constant 0 : index
    %swap3A_644 = arith.constant 0 : index
    %swap3A_645 = vector.load %arg4[%swap3A_641, %swap3A_642, %swap3A_643, %swap3A_644] : memref<4x2x40x4096xf32, #tpu.memory_space<vmem>>, vector<1x1x40x4096xf32>
    %swap3A_646 = vector.shape_cast %swap3A_645 : vector<1x1x40x4096xf32> to vector<40x4096xf32>
    %swap3A_647 = vector.shape_cast %dot_general3A_640 : vector<40x4096xf32> to vector<1x1x40x4096xf32>
    tpu.vector_store %arg4[%swap3A_641, %swap3A_642, %swap3A_643, %swap3A_644], %swap3A_647 {strides = array<i32>} : memref<4x2x40x4096xf32, #tpu.memory_space<vmem>>, vector<1x1x40x4096xf32>,
    %get3A_648 = arith.constant 3 : index
    %get3A_649 = arith.constant 0 : index
    %get3A_650 = arith.constant 0 : index
    %get3A_651 = vector.load %arg0[%get3A_648, %get3A_649, %get3A_650] : memref<4x16x128xi32, #tpu.memory_space<vmem>>, vector<1x16x128xi32>
    %get3A_652 = vector.shape_cast %get3A_651 : vector<1x16x128xi32> to vector<16x128xi32>
    %eq3A_653 = arith.constant 49000 : i32
    %eq3A_654 = vector.broadcast %eq3A_653 : i32 to vector<16x128xi32>
    %eq3A_655 = arith.cmpi eq, %get3A_652, %eq3A_654 : vector<16x128xi32>
    %jit3A_656 = arith.constant 2048 : i32
    %broadcast_in_dim3A_657 = vector.broadcast %jit3A_656 : i32 to vector<16x128xi32>
    %select_n3A_658 = arith.select %eq3A_655, %add3A, %broadcast_in_dim3A_657 : vector<16x128xi1>, vector<16x128xi32>
    %reduce_min3A_659 = vector.shape_cast %select_n3A_658 : vector<16x128xi32> to vector<1x16x128xi32>
    %reduce_min3A_660 = arith.constant dense<2147483647> : vector<1xi32>
    %reduce_min3A_661 = vector.multi_reduction <minsi>, %reduce_min3A_659, %reduce_min3A_660 [1, 2] : vector<1x16x128xi32> to vector<1xi32>
    %reduce_min3A_662 = vector.shape_cast %reduce_min3A_661 : vector<1xi32> to vector<1x1x1xi32>
    %reduce_min3A_663 = vector.extract %reduce_min3A_662[0, 0, 0] : i32 from vector<1x1x1xi32>
    %eq3A_664 = arith.constant 49002 : i32
    %eq3A_665 = vector.broadcast %eq3A_664 : i32 to vector<16x128xi32>
    %eq3A_666 = arith.cmpi eq, %get3A_652, %eq3A_665 : vector<16x128xi32>
    %jit3A_667 = arith.constant 2048 : i32
    %broadcast_in_dim3A_668 = vector.broadcast %jit3A_667 : i32 to vector<16x128xi32>
    %select_n3A_669 = arith.select %eq3A_666, %add3A, %broadcast_in_dim3A_668 : vector<16x128xi1>, vector<16x128xi32>
    %reduce_min3A_670 = vector.shape_cast %select_n3A_669 : vector<16x128xi32> to vector<1x16x128xi32>
    %reduce_min3A_671 = arith.constant dense<2147483647> : vector<1xi32>
    %reduce_min3A_672 = vector.multi_reduction <minsi>, %reduce_min3A_670, %reduce_min3A_671 [1, 2] : vector<1x16x128xi32> to vector<1xi32>
    %reduce_min3A_673 = vector.shape_cast %reduce_min3A_672 : vector<1xi32> to vector<1x1x1xi32>
    %reduce_min3A_674 = vector.extract %reduce_min3A_673[0, 0, 0] : i32 from vector<1x1x1xi32>
    %iota3A_675 = tpu.iota {dimensions = array<i32: 1>} : vector<1x128xi32>
    %eq3A_676 = arith.constant 0 : i32
    %eq3A_677 = vector.broadcast %eq3A_676 : i32 to vector<1x128xi32>
    %eq3A_678 = arith.cmpi eq, %iota3A_675, %eq3A_677 : vector<1x128xi32>
    %eq3A_679 = arith.constant 1 : i32
    %eq3A_680 = vector.broadcast %eq3A_679 : i32 to vector<1x128xi32>
    %eq3A_681 = arith.cmpi eq, %iota3A_675, %eq3A_680 : vector<1x128xi32>
    %jit3A_682 = arith.constant 0 : i32
    %broadcast_in_dim3A_683 = vector.broadcast %reduce_min3A_674 : i32 to vector<1x128xi32>
    %broadcast_in_dim3A_684 = vector.broadcast %jit3A_682 : i32 to vector<1x128xi32>
    %select_n3A_685 = arith.select %eq3A_681, %broadcast_in_dim3A_683, %broadcast_in_dim3A_684 : vector<1x128xi1>, vector<1x128xi32>
    %broadcast_in_dim3A_686 = vector.broadcast %reduce_min3A_663 : i32 to vector<1x128xi32>
    %select_n3A_687 = arith.select %eq3A_678, %broadcast_in_dim3A_686, %select_n3A_685 : vector<1x128xi1>, vector<1x128xi32>
    %swap3A_688 = arith.constant 3 : index
    %swap3A_689 = arith.constant 0 : index
    %swap3A_690 = vector.load %arg5[%swap3A_688, %swap3A_689] : memref<4x128xi32, #tpu.memory_space<vmem>>, vector<1x128xi32>
    tpu.vector_store %arg5[%swap3A_688, %swap3A_689], %select_n3A_687 {strides = array<i32>} : memref<4x128xi32, #tpu.memory_space<vmem>>, vector<1x128xi32>,
    %iota3A_691 = tpu.iota {dimensions = array<i32: 0>} : vector<64x1xi32>
    %lt3A_692 = arith.constant 32 : i32
    %lt3A_693 = vector.broadcast %lt3A_692 : i32 to vector<64x1xi32>
    %lt3A_694 = arith.cmpi slt, %iota3A_691, %lt3A_693 : vector<64x1xi32>
    %add3A_695 = arith.constant 1 : i32
    %add3A_696 = arith.addi %reduce_min3A_663, %add3A_695 : i32
    %add3A_697 = vector.broadcast %add3A_696 : i32 to vector<64x1xi32>
    %add3A_698 = arith.addi %add3A_697, %iota3A_691 : vector<64x1xi32>
    %add3A_699 = arith.constant 1 : i32
    %add3A_700 = arith.addi %reduce_min3A_674, %add3A_699 : i32
    %add3A_701 = vector.broadcast %add3A_700 : i32 to vector<64x1xi32>
    %add3A_702 = arith.addi %add3A_701, %iota3A_691 : vector<64x1xi32>
    %sub3A_703 = arith.constant 32 : i32
    %sub3A_704 = vector.broadcast %sub3A_703 : i32 to vector<64x1xi32>
    %sub3A_705 = arith.subi %add3A_702, %sub3A_704 : vector<64x1xi32>
    %select_n3A_706 = arith.select %lt3A_694, %add3A_698, %sub3A_705 : vector<64x1xi1>, vector<64x1xi32>
    %iota3A_707 = tpu.iota {dimensions = array<i32: 1>} : vector<64x16xi32>
    %jit3A_708 = arith.constant 128 : i32
    %div3A_709 = vector.broadcast %jit3A_708 : i32 to vector<64x1xi32>
    %div3A_710 = arith.divsi %select_n3A_706, %div3A_709 : vector<64x1xi32>
    %sign3A_711 = arith.constant 0 : i32
    %sign3A_712 = vector.broadcast %sign3A_711 : i32 to vector<64x1xi32>
    %sign3A_713 = arith.cmpi sgt, %select_n3A_706, %sign3A_712 : vector<64x1xi32>
    %sign3A_714 = arith.extui %sign3A_713 : vector<64x1xi1> to vector<64x1xi32>
    %sign3A_715 = arith.constant 0 : i32
    %sign3A_716 = vector.broadcast %sign3A_715 : i32 to vector<64x1xi32>
    %sign3A_717 = arith.cmpi slt, %select_n3A_706, %sign3A_716 : vector<64x1xi32>
    %sign3A_718 = arith.extui %sign3A_717 : vector<64x1xi1> to vector<64x1xi32>
    %sign3A_719 = arith.subi %sign3A_714, %sign3A_718 : vector<64x1xi32>
    %sign3A_720 = arith.constant 0 : i32
    %sign3A_721 = arith.cmpi sgt, %jit3A_708, %sign3A_720 : i32
    %sign3A_722 = arith.extui %sign3A_721 : i1 to i32
    %sign3A_723 = arith.constant 0 : i32
    %sign3A_724 = arith.cmpi slt, %jit3A_708, %sign3A_723 : i32
    %sign3A_725 = arith.extui %sign3A_724 : i1 to i32
    %sign3A_726 = arith.subi %sign3A_722, %sign3A_725 : i32
    %ne3A_727 = vector.broadcast %sign3A_726 : i32 to vector<64x1xi32>
    %ne3A_728 = arith.cmpi ne, %sign3A_719, %ne3A_727 : vector<64x1xi32>
    %rem3A_729 = vector.broadcast %jit3A_708 : i32 to vector<64x1xi32>
    %rem3A_730 = arith.remsi %select_n3A_706, %rem3A_729 : vector<64x1xi32>
    %ne3A_731 = arith.constant 0 : i32
    %ne3A_732 = vector.broadcast %ne3A_731 : i32 to vector<64x1xi32>
    %ne3A_733 = arith.cmpi ne, %rem3A_730, %ne3A_732 : vector<64x1xi32>
    %and3A_734 = arith.andi %ne3A_728, %ne3A_733 : vector<64x1xi1>
    %sub3A_735 = arith.constant 1 : i32
    %sub3A_736 = vector.broadcast %sub3A_735 : i32 to vector<64x1xi32>
    %sub3A_737 = arith.subi %div3A_710, %sub3A_736 : vector<64x1xi32>
    %select_n3A_738 = arith.select %and3A_734, %sub3A_737, %div3A_710 : vector<64x1xi1>, vector<64x1xi32>
    %eq3A_739 = vector.broadcast %select_n3A_738 : vector<64x1xi32> to vector<64x16xi32>
    %eq3A_740 = arith.cmpi eq, %iota3A_707, %eq3A_739 : vector<64x16xi32>
    %convert_element_type3A_741 = arith.extui %eq3A_740 : vector<64x16xi1> to vector<64x16xi32>
    %convert_element_type3A_742 = arith.sitofp %convert_element_type3A_741 : vector<64x16xi32> to vector<64x16xf32>
    %iota3A_743 = tpu.iota {dimensions = array<i32: 1>} : vector<64x128xi32>
    %jit3A_744 = arith.constant 128 : i32
    %eq3A_745 = arith.constant 0 : i32
    %eq3A_746 = arith.cmpi eq, %jit3A_744, %eq3A_745 : i32
    %jit3A_747 = arith.constant 1 : i32
    %select_n3A_748 = arith.select %eq3A_746, %jit3A_747, %jit3A_744 : i32
    %rem3A_749 = vector.broadcast %select_n3A_748 : i32 to vector<64x1xi32>
    %rem3A_750 = arith.remsi %select_n3A_706, %rem3A_749 : vector<64x1xi32>
    %ne3A_751 = arith.constant 0 : i32
    %ne3A_752 = vector.broadcast %ne3A_751 : i32 to vector<64x1xi32>
    %ne3A_753 = arith.cmpi ne, %rem3A_750, %ne3A_752 : vector<64x1xi32>
    %lt3A_754 = arith.constant 0 : i32
    %lt3A_755 = vector.broadcast %lt3A_754 : i32 to vector<64x1xi32>
    %lt3A_756 = arith.cmpi slt, %rem3A_750, %lt3A_755 : vector<64x1xi32>
    %lt3A_757 = arith.constant 0 : i32
    %lt3A_758 = arith.cmpi slt, %select_n3A_748, %lt3A_757 : i32
    %ne3A_759 = vector.broadcast %lt3A_758 : i1 to vector<64x1xi1>
    %ne3A_760 = vector.broadcast %ne3A_759 : vector<64x1xi1> to vector<64x1xi1>
    %ne3A_761 = arith.xori %lt3A_756, %ne3A_760 : vector<64x1xi1>
    %and3A_762 = arith.andi %ne3A_761, %ne3A_753 : vector<64x1xi1>
    %add3A_763 = vector.broadcast %select_n3A_748 : i32 to vector<64x1xi32>
    %add3A_764 = arith.addi %rem3A_750, %add3A_763 : vector<64x1xi32>
    %select_n3A_765 = arith.select %and3A_762, %add3A_764, %rem3A_750 : vector<64x1xi1>, vector<64x1xi32>
    %eq3A_766 = vector.broadcast %select_n3A_765 : vector<64x1xi32> to vector<64x128xi32>
    %eq3A_767 = arith.cmpi eq, %iota3A_743, %eq3A_766 : vector<64x128xi32>
    %convert_element_type3A_768 = arith.extui %eq3A_767 : vector<64x128xi1> to vector<64x128xi32>
    %convert_element_type3A_769 = arith.sitofp %convert_element_type3A_768 : vector<64x128xi32> to vector<64x128xf32>
    %convert_element_type3A_770 = arith.sitofp %get3A_652 : vector<16x128xi32> to vector<16x128xf32>
    %dot_general3A_771 = arith.constant dense<0.000000e+00> : vector<64x128xf32>
    %dot_general3A_772 = tpu.matmul %convert_element_type3A_742, %convert_element_type3A_770, %dot_general3A_771 {dimension_numbers = #tpu.dot_dimension_numbers<[1], [0], [0], [1], [0, 0, 1, 1], [], []>, precision = #tpu.contract_precision<fp32>, transpose_lhs_hint = false} : vector<64x16xf32>, vector<16x128xf32>, vector<64x128xf32> -> vector<64x128xf32>
    %mul3A_773 = arith.mulf %dot_general3A_772, %convert_element_type3A_769 : vector<64x128xf32>
    %reduce_sum3A_774 = arith.constant dense<0.000000e+00> : vector<64xf32>
    %reduce_sum3A_775 = vector.multi_reduction <add>, %mul3A_773, %reduce_sum3A_774 [1] : vector<64x128xf32> to vector<64xf32>
    %broadcast_in_dim3A_776 = vector.shape_cast %reduce_sum3A_775 : vector<64xf32> to vector<64x1xf32>
    %convert_element_type3A_777 = arith.fptosi %broadcast_in_dim3A_776 : vector<64x1xf32> to vector<64x1xi32>
    %sub3A_778 = arith.constant 40000 : i32
    %sub3A_779 = vector.broadcast %sub3A_778 : i32 to vector<64x1xi32>
    %sub3A_780 = arith.subi %convert_element_type3A_777, %sub3A_779 : vector<64x1xi32>
    %iota3A_781 = tpu.iota {dimensions = array<i32: 1>} : vector<64x8192xi32>
    %eq3A_782 = vector.broadcast %sub3A_780 : vector<64x1xi32> to vector<64x8192xi32>
    %eq3A_783 = arith.cmpi eq, %iota3A_781, %eq3A_782 : vector<64x8192xi32>
    %convert_element_type3A_784 = arith.extui %eq3A_783 : vector<64x8192xi1> to vector<64x8192xi32>
    %convert_element_type3A_785 = arith.sitofp %convert_element_type3A_784 : vector<64x8192xi32> to vector<64x8192xf32>
    %get3A_786 = arith.constant 0 : index
    %get3A_787 = arith.constant 0 : index
    %get3A_788 = vector.load %arg1[%get3A_786, %get3A_787] : memref<8192x256xf32, #tpu.memory_space<vmem>>, vector<8192x256xf32>
    %dot_general3A_789 = arith.constant dense<0.000000e+00> : vector<64x256xf32>
    %dot_general3A_790 = tpu.matmul %convert_element_type3A_785, %get3A_788, %dot_general3A_789 {dimension_numbers = #tpu.dot_dimension_numbers<[1], [0], [0], [1], [0, 0, 1, 1], [], []>, precision = #tpu.contract_precision<fp32>, transpose_lhs_hint = false} : vector<64x8192xf32>, vector<8192x256xf32>, vector<64x256xf32> -> vector<64x256xf32>
    %get3A_791 = arith.constant 0 : index
    %get3A_792 = arith.constant 0 : index
    %get3A_793 = vector.load %arg2[%get3A_791, %get3A_792] : memref<256x4096xf32, #tpu.memory_space<vmem>>, vector<256x4096xf32>
    %dot_general3A_794 = arith.constant dense<0.000000e+00> : vector<64x4096xf32>
    %dot_general3A_795 = tpu.matmul %dot_general3A_790, %get3A_793, %dot_general3A_794 {dimension_numbers = #tpu.dot_dimension_numbers<[1], [0], [0], [1], [0, 0, 1, 1], [], []>, precision = #tpu.contract_precision<fp32>, transpose_lhs_hint = false} : vector<64x256xf32>, vector<256x4096xf32>, vector<64x4096xf32> -> vector<64x4096xf32>
    %get3A_796 = arith.constant 0 : index
    %get3A_797 = arith.constant 0 : index
    %get3A_798 = vector.load %arg3[%get3A_796, %get3A_797] : memref<1x4096xf32, #tpu.memory_space<vmem>>, vector<1x4096xf32>
    %add3A_799 = vector.broadcast %get3A_798 : vector<1x4096xf32> to vector<64x4096xf32>
    %add3A_800 = arith.addf %dot_general3A_795, %add3A_799 : vector<64x4096xf32>
    %iota3A_801 = tpu.iota {dimensions = array<i32: 0>} : vector<40x32xi32>
    %iota3A_802 = tpu.iota {dimensions = array<i32: 1>} : vector<40x32xi32>
    %add3A_803 = arith.constant 1 : i32
    %add3A_804 = arith.addi %reduce_min3A_663, %add3A_803 : i32
    %add3A_805 = arith.constant 1 : i32
    %add3A_806 = arith.addi %reduce_min3A_674, %add3A_805 : i32
    %jit3A_807 = arith.constant 8 : i32
    %eq3A_808 = arith.constant 0 : i32
    %eq3A_809 = arith.cmpi eq, %jit3A_807, %eq3A_808 : i32
    %jit3A_810 = arith.constant 1 : i32
    %select_n3A_811 = arith.select %eq3A_809, %jit3A_810, %jit3A_807 : i32
    %rem3A_812 = arith.remsi %add3A_804, %select_n3A_811 : i32
    %ne3A_813 = arith.constant 0 : i32
    %ne3A_814 = arith.cmpi ne, %rem3A_812, %ne3A_813 : i32
    %lt3A_815 = arith.constant 0 : i32
    %lt3A_816 = arith.cmpi slt, %rem3A_812, %lt3A_815 : i32
    %lt3A_817 = arith.constant 0 : i32
    %lt3A_818 = arith.cmpi slt, %select_n3A_811, %lt3A_817 : i32
    %ne3A_819 = arith.xori %lt3A_816, %lt3A_818 : i1
    %and3A_820 = arith.andi %ne3A_819, %ne3A_814 : i1
    %add3A_821 = arith.addi %rem3A_812, %select_n3A_811 : i32
    %select_n3A_822 = arith.select %and3A_820, %add3A_821, %rem3A_812 : i32
    %sub3A_823 = vector.broadcast %select_n3A_822 : i32 to vector<40x32xi32>
    %sub3A_824 = arith.subi %iota3A_801, %sub3A_823 : vector<40x32xi32>
    %eq3A_825 = arith.cmpi eq, %iota3A_802, %sub3A_824 : vector<40x32xi32>
    %convert_element_type3A_826 = arith.extui %eq3A_825 : vector<40x32xi1> to vector<40x32xi32>
    %convert_element_type3A_827 = arith.sitofp %convert_element_type3A_826 : vector<40x32xi32> to vector<40x32xf32>
    %slice3A_828 = vector.extract_strided_slice %add3A_800 {offsets = [0, 0], sizes = [32, 4096], strides = [1, 1]} : vector<64x4096xf32> to vector<32x4096xf32>
    %dot_general3A_829 = arith.constant dense<0.000000e+00> : vector<40x4096xf32>
    %dot_general3A_830 = tpu.matmul %convert_element_type3A_827, %slice3A_828, %dot_general3A_829 {dimension_numbers = #tpu.dot_dimension_numbers<[1], [0], [0], [1], [0, 0, 1, 1], [], []>, precision = #tpu.contract_precision<fp32>, transpose_lhs_hint = false} : vector<40x32xf32>, vector<32x4096xf32>, vector<40x4096xf32> -> vector<40x4096xf32>
    %swap3A_831 = arith.constant 3 : index
    %swap3A_832 = arith.constant 0 : index
    %swap3A_833 = arith.constant 0 : index
    %swap3A_834 = arith.constant 0 : index
    %swap3A_835 = vector.load %arg4[%swap3A_831, %swap3A_832, %swap3A_833, %swap3A_834] : memref<4x2x40x4096xf32, #tpu.memory_space<vmem>>, vector<1x1x40x4096xf32>
    %swap3A_836 = vector.shape_cast %swap3A_835 : vector<1x1x40x4096xf32> to vector<40x4096xf32>
    %swap3A_837 = vector.shape_cast %dot_general3A_830 : vector<40x4096xf32> to vector<1x1x40x4096xf32>
    tpu.vector_store %arg4[%swap3A_831, %swap3A_832, %swap3A_833, %swap3A_834], %swap3A_837 {strides = array<i32>} : memref<4x2x40x4096xf32, #tpu.memory_space<vmem>>, vector<1x1x40x4096xf32>,
    %jit3A_838 = arith.constant 8 : i32
    %eq3A_839 = arith.constant 0 : i32
    %eq3A_840 = arith.cmpi eq, %jit3A_838, %eq3A_839 : i32
    %jit3A_841 = arith.constant 1 : i32
    %select_n3A_842 = arith.select %eq3A_840, %jit3A_841, %jit3A_838 : i32
    %rem3A_843 = arith.remsi %add3A_806, %select_n3A_842 : i32
    %ne3A_844 = arith.constant 0 : i32
    %ne3A_845 = arith.cmpi ne, %rem3A_843, %ne3A_844 : i32
    %lt3A_846 = arith.constant 0 : i32
    %lt3A_847 = arith.cmpi slt, %rem3A_843, %lt3A_846 : i32
    %lt3A_848 = arith.constant 0 : i32
    %lt3A_849 = arith.cmpi slt, %select_n3A_842, %lt3A_848 : i32
    %ne3A_850 = arith.xori %lt3A_847, %lt3A_849 : i1
    %and3A_851 = arith.andi %ne3A_850, %ne3A_845 : i1
    %add3A_852 = arith.addi %rem3A_843, %select_n3A_842 : i32
    %select_n3A_853 = arith.select %and3A_851, %add3A_852, %rem3A_843 : i32
    %sub3A_854 = vector.broadcast %select_n3A_853 : i32 to vector<40x32xi32>
    %sub3A_855 = arith.subi %iota3A_801, %sub3A_854 : vector<40x32xi32>
    %eq3A_856 = arith.cmpi eq, %iota3A_802, %sub3A_855 : vector<40x32xi32>
    %convert_element_type3A_857 = arith.extui %eq3A_856 : vector<40x32xi1> to vector<40x32xi32>
    %convert_element_type3A_858 = arith.sitofp %convert_element_type3A_857 : vector<40x32xi32> to vector<40x32xf32>
    %slice3A_859 = vector.extract_strided_slice %add3A_800 {offsets = [32, 0], sizes = [32, 4096], strides = [1, 1]} : vector<64x4096xf32> to vector<32x4096xf32>
    %dot_general3A_860 = arith.constant dense<0.000000e+00> : vector<40x4096xf32>
    %dot_general3A_861 = tpu.matmul %convert_element_type3A_858, %slice3A_859, %dot_general3A_860 {dimension_numbers = #tpu.dot_dimension_numbers<[1], [0], [0], [1], [0, 0, 1, 1], [], []>, precision = #tpu.contract_precision<fp32>, transpose_lhs_hint = false} : vector<40x32xf32>, vector<32x4096xf32>, vector<40x4096xf32> -> vector<40x4096xf32>
    %swap3A_862 = arith.constant 3 : index
    %swap3A_863 = arith.constant 1 : index
    %swap3A_864 = arith.constant 0 : index
    %swap3A_865 = arith.constant 0 : index
    %swap3A_866 = vector.load %arg4[%swap3A_862, %swap3A_863, %swap3A_864, %swap3A_865] : memref<4x2x40x4096xf32, #tpu.memory_space<vmem>>, vector<1x1x40x4096xf32>
    %swap3A_867 = vector.shape_cast %swap3A_866 : vector<1x1x40x4096xf32> to vector<40x4096xf32>
    %swap3A_868 = vector.shape_cast %dot_general3A_861 : vector<40x4096xf32> to vector<1x1x40x4096xf32>
    tpu.vector_store %arg4[%swap3A_862, %swap3A_863, %swap3A_864, %swap3A_865], %swap3A_868 {strides = array<i32>} : memref<4x2x40x4096xf32, #tpu.memory_space<vmem>>, vector<1x1x40x4096xf32>,
    return
  }
}

module attributes {stable_mosaic.version = 14 : i64} {
  func.func @_merge_kernel(%arg0: memref<4x128xi32, #tpu.memory_space<smem>>, %arg1: memref<4x2x40x4096xf32, #tpu.memory_space<vmem>>, %arg2: memref<4x2048x4096xf32, #tpu.memory_space<any>>, %arg3: memref<4x2048x4096xf32, #tpu.memory_space<any>>, %arg4: memref<8x40x4096xf32, #tpu.memory_space<vmem>>, %arg5: memref<!tpu.dma_semaphore, #tpu.memory_space<semaphore_mem>>, %arg6: memref<!tpu.dma_semaphore, #tpu.memory_space<semaphore_mem>>) attributes {dimension_semantics = [], scalar_prefetch = 0 : i64, scratch_operands = 3 : i64, tpu.core_type = #tpu.core_type<tc>} {
    %iota3A = tpu.iota {dimensions = array<i32: 0>} : vector<40x1xi32>
    %get3A = arith.constant 0 : index
    %get3A_0 = arith.constant 0 : index
    %get3A_1 = memref.load %arg0[%get3A, %get3A_0] : memref<4x128xi32, #tpu.memory_space<smem>>
    %add3A = arith.constant 1 : i32
    %add3A_2 = arith.addi %get3A_1, %add3A : i32
    %jit3A = arith.constant 8 : i32
    %div3A = arith.divsi %add3A_2, %jit3A : i32
    %sign3A = arith.constant 0 : i32
    %sign3A_3 = arith.cmpi sgt, %add3A_2, %sign3A : i32
    %sign3A_4 = arith.extui %sign3A_3 : i1 to i32
    %sign3A_5 = arith.constant 0 : i32
    %sign3A_6 = arith.cmpi slt, %add3A_2, %sign3A_5 : i32
    %sign3A_7 = arith.extui %sign3A_6 : i1 to i32
    %sign3A_8 = arith.subi %sign3A_4, %sign3A_7 : i32
    %sign3A_9 = arith.constant 0 : i32
    %sign3A_10 = arith.cmpi sgt, %jit3A, %sign3A_9 : i32
    %sign3A_11 = arith.extui %sign3A_10 : i1 to i32
    %sign3A_12 = arith.constant 0 : i32
    %sign3A_13 = arith.cmpi slt, %jit3A, %sign3A_12 : i32
    %sign3A_14 = arith.extui %sign3A_13 : i1 to i32
    %sign3A_15 = arith.subi %sign3A_11, %sign3A_14 : i32
    %ne3A = arith.cmpi ne, %sign3A_8, %sign3A_15 : i32
    %rem3A = arith.remsi %add3A_2, %jit3A : i32
    %ne3A_16 = arith.constant 0 : i32
    %ne3A_17 = arith.cmpi ne, %rem3A, %ne3A_16 : i32
    %and3A = arith.andi %ne3A, %ne3A_17 : i1
    %sub3A = arith.constant 1 : i32
    %sub3A_18 = arith.subi %div3A, %sub3A : i32
    %select_n3A = arith.select %and3A, %sub3A_18, %div3A : i32
    %mul3A = arith.constant 8 : i32
    %mul3A_19 = arith.muli %select_n3A, %mul3A : i32
    %multiple_of3A = tpu.assume_multiple %mul3A_19, 8 : i32
    %dma_start3A = arith.constant 0 : i32
    %dma_start3A_20 = arith.constant 0 : i32
    %dma_start3A_21 = arith.constant 0 : i32
    %dma_start3A_22 = arith.constant 0 : i32
    %dma_start3A_23 = tpu.memref_slice %arg4[%dma_start3A_20, %dma_start3A_21, %dma_start3A_22] : memref<8x40x4096xf32, #tpu.memory_space<vmem>> -> memref<1x40x4096xf32, #tpu.memory_space<vmem>>
    %dma_start3A_24 = tpu.memref_squeeze %dma_start3A_23 : memref<1x40x4096xf32, #tpu.memory_space<vmem>> -> memref<40x4096xf32, #tpu.memory_space<vmem>>
    %dma_start3A_25 = arith.constant 0 : i32
    %dma_start3A_26 = tpu.memref_slice %arg3[%dma_start3A, %multiple_of3A, %dma_start3A_25] : memref<4x2048x4096xf32, #tpu.memory_space<any>> -> memref<1x40x4096xf32, #tpu.memory_space<any>>
    %dma_start3A_27 = tpu.memref_squeeze %dma_start3A_26 : memref<1x40x4096xf32, #tpu.memory_space<any>> -> memref<40x4096xf32, #tpu.memory_space<any>>
    tpu.enqueue_dma source(%dma_start3A_27 : memref<40x4096xf32, #tpu.memory_space<any>>) target(%dma_start3A_24 : memref<40x4096xf32, #tpu.memory_space<vmem>>) target_semaphore(%arg5 : memref<!tpu.dma_semaphore, #tpu.memory_space<semaphore_mem>>)
    %get3A_28 = arith.constant 0 : index
    %get3A_29 = arith.constant 1 : index
    %get3A_30 = memref.load %arg0[%get3A_28, %get3A_29] : memref<4x128xi32, #tpu.memory_space<smem>>
    %add3A_31 = arith.constant 1 : i32
    %add3A_32 = arith.addi %get3A_30, %add3A_31 : i32
    %jit3A_33 = arith.constant 8 : i32
    %div3A_34 = arith.divsi %add3A_32, %jit3A_33 : i32
    %sign3A_35 = arith.constant 0 : i32
    %sign3A_36 = arith.cmpi sgt, %add3A_32, %sign3A_35 : i32
    %sign3A_37 = arith.extui %sign3A_36 : i1 to i32
    %sign3A_38 = arith.constant 0 : i32
    %sign3A_39 = arith.cmpi slt, %add3A_32, %sign3A_38 : i32
    %sign3A_40 = arith.extui %sign3A_39 : i1 to i32
    %sign3A_41 = arith.subi %sign3A_37, %sign3A_40 : i32
    %sign3A_42 = arith.constant 0 : i32
    %sign3A_43 = arith.cmpi sgt, %jit3A_33, %sign3A_42 : i32
    %sign3A_44 = arith.extui %sign3A_43 : i1 to i32
    %sign3A_45 = arith.constant 0 : i32
    %sign3A_46 = arith.cmpi slt, %jit3A_33, %sign3A_45 : i32
    %sign3A_47 = arith.extui %sign3A_46 : i1 to i32
    %sign3A_48 = arith.subi %sign3A_44, %sign3A_47 : i32
    %ne3A_49 = arith.cmpi ne, %sign3A_41, %sign3A_48 : i32
    %rem3A_50 = arith.remsi %add3A_32, %jit3A_33 : i32
    %ne3A_51 = arith.constant 0 : i32
    %ne3A_52 = arith.cmpi ne, %rem3A_50, %ne3A_51 : i32
    %and3A_53 = arith.andi %ne3A_49, %ne3A_52 : i1
    %sub3A_54 = arith.constant 1 : i32
    %sub3A_55 = arith.subi %div3A_34, %sub3A_54 : i32
    %select_n3A_56 = arith.select %and3A_53, %sub3A_55, %div3A_34 : i32
    %mul3A_57 = arith.constant 8 : i32
    %mul3A_58 = arith.muli %select_n3A_56, %mul3A_57 : i32
    %multiple_of3A_59 = tpu.assume_multiple %mul3A_58, 8 : i32
    %dma_start3A_60 = arith.constant 0 : i32
    %dma_start3A_61 = arith.constant 1 : i32
    %dma_start3A_62 = arith.constant 0 : i32
    %dma_start3A_63 = arith.constant 0 : i32
    %dma_start3A_64 = tpu.memref_slice %arg4[%dma_start3A_61, %dma_start3A_62, %dma_start3A_63] : memref<8x40x4096xf32, #tpu.memory_space<vmem>> -> memref<1x40x4096xf32, #tpu.memory_space<vmem>>
    %dma_start3A_65 = tpu.memref_squeeze %dma_start3A_64 : memref<1x40x4096xf32, #tpu.memory_space<vmem>> -> memref<40x4096xf32, #tpu.memory_space<vmem>>
    %dma_start3A_66 = arith.constant 0 : i32
    %dma_start3A_67 = tpu.memref_slice %arg3[%dma_start3A_60, %multiple_of3A_59, %dma_start3A_66] : memref<4x2048x4096xf32, #tpu.memory_space<any>> -> memref<1x40x4096xf32, #tpu.memory_space<any>>
    %dma_start3A_68 = tpu.memref_squeeze %dma_start3A_67 : memref<1x40x4096xf32, #tpu.memory_space<any>> -> memref<40x4096xf32, #tpu.memory_space<any>>
    tpu.enqueue_dma source(%dma_start3A_68 : memref<40x4096xf32, #tpu.memory_space<any>>) target(%dma_start3A_65 : memref<40x4096xf32, #tpu.memory_space<vmem>>) target_semaphore(%arg5 : memref<!tpu.dma_semaphore, #tpu.memory_space<semaphore_mem>>)
    %get3A_69 = arith.constant 1 : index
    %get3A_70 = arith.constant 0 : index
    %get3A_71 = memref.load %arg0[%get3A_69, %get3A_70] : memref<4x128xi32, #tpu.memory_space<smem>>
    %add3A_72 = arith.constant 1 : i32
    %add3A_73 = arith.addi %get3A_71, %add3A_72 : i32
    %jit3A_74 = arith.constant 8 : i32
    %div3A_75 = arith.divsi %add3A_73, %jit3A_74 : i32
    %sign3A_76 = arith.constant 0 : i32
    %sign3A_77 = arith.cmpi sgt, %add3A_73, %sign3A_76 : i32
    %sign3A_78 = arith.extui %sign3A_77 : i1 to i32
    %sign3A_79 = arith.constant 0 : i32
    %sign3A_80 = arith.cmpi slt, %add3A_73, %sign3A_79 : i32
    %sign3A_81 = arith.extui %sign3A_80 : i1 to i32
    %sign3A_82 = arith.subi %sign3A_78, %sign3A_81 : i32
    %sign3A_83 = arith.constant 0 : i32
    %sign3A_84 = arith.cmpi sgt, %jit3A_74, %sign3A_83 : i32
    %sign3A_85 = arith.extui %sign3A_84 : i1 to i32
    %sign3A_86 = arith.constant 0 : i32
    %sign3A_87 = arith.cmpi slt, %jit3A_74, %sign3A_86 : i32
    %sign3A_88 = arith.extui %sign3A_87 : i1 to i32
    %sign3A_89 = arith.subi %sign3A_85, %sign3A_88 : i32
    %ne3A_90 = arith.cmpi ne, %sign3A_82, %sign3A_89 : i32
    %rem3A_91 = arith.remsi %add3A_73, %jit3A_74 : i32
    %ne3A_92 = arith.constant 0 : i32
    %ne3A_93 = arith.cmpi ne, %rem3A_91, %ne3A_92 : i32
    %and3A_94 = arith.andi %ne3A_90, %ne3A_93 : i1
    %sub3A_95 = arith.constant 1 : i32
    %sub3A_96 = arith.subi %div3A_75, %sub3A_95 : i32
    %select_n3A_97 = arith.select %and3A_94, %sub3A_96, %div3A_75 : i32
    %mul3A_98 = arith.constant 8 : i32
    %mul3A_99 = arith.muli %select_n3A_97, %mul3A_98 : i32
    %multiple_of3A_100 = tpu.assume_multiple %mul3A_99, 8 : i32
    %dma_start3A_101 = arith.constant 1 : i32
    %dma_start3A_102 = arith.constant 2 : i32
    %dma_start3A_103 = arith.constant 0 : i32
    %dma_start3A_104 = arith.constant 0 : i32
    %dma_start3A_105 = tpu.memref_slice %arg4[%dma_start3A_102, %dma_start3A_103, %dma_start3A_104] : memref<8x40x4096xf32, #tpu.memory_space<vmem>> -> memref<1x40x4096xf32, #tpu.memory_space<vmem>>
    %dma_start3A_106 = tpu.memref_squeeze %dma_start3A_105 : memref<1x40x4096xf32, #tpu.memory_space<vmem>> -> memref<40x4096xf32, #tpu.memory_space<vmem>>
    %dma_start3A_107 = arith.constant 0 : i32
    %dma_start3A_108 = tpu.memref_slice %arg3[%dma_start3A_101, %multiple_of3A_100, %dma_start3A_107] : memref<4x2048x4096xf32, #tpu.memory_space<any>> -> memref<1x40x4096xf32, #tpu.memory_space<any>>
    %dma_start3A_109 = tpu.memref_squeeze %dma_start3A_108 : memref<1x40x4096xf32, #tpu.memory_space<any>> -> memref<40x4096xf32, #tpu.memory_space<any>>
    tpu.enqueue_dma source(%dma_start3A_109 : memref<40x4096xf32, #tpu.memory_space<any>>) target(%dma_start3A_106 : memref<40x4096xf32, #tpu.memory_space<vmem>>) target_semaphore(%arg5 : memref<!tpu.dma_semaphore, #tpu.memory_space<semaphore_mem>>)
    %get3A_110 = arith.constant 1 : index
    %get3A_111 = arith.constant 1 : index
    %get3A_112 = memref.load %arg0[%get3A_110, %get3A_111] : memref<4x128xi32, #tpu.memory_space<smem>>
    %add3A_113 = arith.constant 1 : i32
    %add3A_114 = arith.addi %get3A_112, %add3A_113 : i32
    %jit3A_115 = arith.constant 8 : i32
    %div3A_116 = arith.divsi %add3A_114, %jit3A_115 : i32
    %sign3A_117 = arith.constant 0 : i32
    %sign3A_118 = arith.cmpi sgt, %add3A_114, %sign3A_117 : i32
    %sign3A_119 = arith.extui %sign3A_118 : i1 to i32
    %sign3A_120 = arith.constant 0 : i32
    %sign3A_121 = arith.cmpi slt, %add3A_114, %sign3A_120 : i32
    %sign3A_122 = arith.extui %sign3A_121 : i1 to i32
    %sign3A_123 = arith.subi %sign3A_119, %sign3A_122 : i32
    %sign3A_124 = arith.constant 0 : i32
    %sign3A_125 = arith.cmpi sgt, %jit3A_115, %sign3A_124 : i32
    %sign3A_126 = arith.extui %sign3A_125 : i1 to i32
    %sign3A_127 = arith.constant 0 : i32
    %sign3A_128 = arith.cmpi slt, %jit3A_115, %sign3A_127 : i32
    %sign3A_129 = arith.extui %sign3A_128 : i1 to i32
    %sign3A_130 = arith.subi %sign3A_126, %sign3A_129 : i32
    %ne3A_131 = arith.cmpi ne, %sign3A_123, %sign3A_130 : i32
    %rem3A_132 = arith.remsi %add3A_114, %jit3A_115 : i32
    %ne3A_133 = arith.constant 0 : i32
    %ne3A_134 = arith.cmpi ne, %rem3A_132, %ne3A_133 : i32
    %and3A_135 = arith.andi %ne3A_131, %ne3A_134 : i1
    %sub3A_136 = arith.constant 1 : i32
    %sub3A_137 = arith.subi %div3A_116, %sub3A_136 : i32
    %select_n3A_138 = arith.select %and3A_135, %sub3A_137, %div3A_116 : i32
    %mul3A_139 = arith.constant 8 : i32
    %mul3A_140 = arith.muli %select_n3A_138, %mul3A_139 : i32
    %multiple_of3A_141 = tpu.assume_multiple %mul3A_140, 8 : i32
    %dma_start3A_142 = arith.constant 1 : i32
    %dma_start3A_143 = arith.constant 3 : i32
    %dma_start3A_144 = arith.constant 0 : i32
    %dma_start3A_145 = arith.constant 0 : i32
    %dma_start3A_146 = tpu.memref_slice %arg4[%dma_start3A_143, %dma_start3A_144, %dma_start3A_145] : memref<8x40x4096xf32, #tpu.memory_space<vmem>> -> memref<1x40x4096xf32, #tpu.memory_space<vmem>>
    %dma_start3A_147 = tpu.memref_squeeze %dma_start3A_146 : memref<1x40x4096xf32, #tpu.memory_space<vmem>> -> memref<40x4096xf32, #tpu.memory_space<vmem>>
    %dma_start3A_148 = arith.constant 0 : i32
    %dma_start3A_149 = tpu.memref_slice %arg3[%dma_start3A_142, %multiple_of3A_141, %dma_start3A_148] : memref<4x2048x4096xf32, #tpu.memory_space<any>> -> memref<1x40x4096xf32, #tpu.memory_space<any>>
    %dma_start3A_150 = tpu.memref_squeeze %dma_start3A_149 : memref<1x40x4096xf32, #tpu.memory_space<any>> -> memref<40x4096xf32, #tpu.memory_space<any>>
    tpu.enqueue_dma source(%dma_start3A_150 : memref<40x4096xf32, #tpu.memory_space<any>>) target(%dma_start3A_147 : memref<40x4096xf32, #tpu.memory_space<vmem>>) target_semaphore(%arg5 : memref<!tpu.dma_semaphore, #tpu.memory_space<semaphore_mem>>)
    %get3A_151 = arith.constant 2 : index
    %get3A_152 = arith.constant 0 : index
    %get3A_153 = memref.load %arg0[%get3A_151, %get3A_152] : memref<4x128xi32, #tpu.memory_space<smem>>
    %add3A_154 = arith.constant 1 : i32
    %add3A_155 = arith.addi %get3A_153, %add3A_154 : i32
    %jit3A_156 = arith.constant 8 : i32
    %div3A_157 = arith.divsi %add3A_155, %jit3A_156 : i32
    %sign3A_158 = arith.constant 0 : i32
    %sign3A_159 = arith.cmpi sgt, %add3A_155, %sign3A_158 : i32
    %sign3A_160 = arith.extui %sign3A_159 : i1 to i32
    %sign3A_161 = arith.constant 0 : i32
    %sign3A_162 = arith.cmpi slt, %add3A_155, %sign3A_161 : i32
    %sign3A_163 = arith.extui %sign3A_162 : i1 to i32
    %sign3A_164 = arith.subi %sign3A_160, %sign3A_163 : i32
    %sign3A_165 = arith.constant 0 : i32
    %sign3A_166 = arith.cmpi sgt, %jit3A_156, %sign3A_165 : i32
    %sign3A_167 = arith.extui %sign3A_166 : i1 to i32
    %sign3A_168 = arith.constant 0 : i32
    %sign3A_169 = arith.cmpi slt, %jit3A_156, %sign3A_168 : i32
    %sign3A_170 = arith.extui %sign3A_169 : i1 to i32
    %sign3A_171 = arith.subi %sign3A_167, %sign3A_170 : i32
    %ne3A_172 = arith.cmpi ne, %sign3A_164, %sign3A_171 : i32
    %rem3A_173 = arith.remsi %add3A_155, %jit3A_156 : i32
    %ne3A_174 = arith.constant 0 : i32
    %ne3A_175 = arith.cmpi ne, %rem3A_173, %ne3A_174 : i32
    %and3A_176 = arith.andi %ne3A_172, %ne3A_175 : i1
    %sub3A_177 = arith.constant 1 : i32
    %sub3A_178 = arith.subi %div3A_157, %sub3A_177 : i32
    %select_n3A_179 = arith.select %and3A_176, %sub3A_178, %div3A_157 : i32
    %mul3A_180 = arith.constant 8 : i32
    %mul3A_181 = arith.muli %select_n3A_179, %mul3A_180 : i32
    %multiple_of3A_182 = tpu.assume_multiple %mul3A_181, 8 : i32
    %dma_start3A_183 = arith.constant 2 : i32
    %dma_start3A_184 = arith.constant 4 : i32
    %dma_start3A_185 = arith.constant 0 : i32
    %dma_start3A_186 = arith.constant 0 : i32
    %dma_start3A_187 = tpu.memref_slice %arg4[%dma_start3A_184, %dma_start3A_185, %dma_start3A_186] : memref<8x40x4096xf32, #tpu.memory_space<vmem>> -> memref<1x40x4096xf32, #tpu.memory_space<vmem>>
    %dma_start3A_188 = tpu.memref_squeeze %dma_start3A_187 : memref<1x40x4096xf32, #tpu.memory_space<vmem>> -> memref<40x4096xf32, #tpu.memory_space<vmem>>
    %dma_start3A_189 = arith.constant 0 : i32
    %dma_start3A_190 = tpu.memref_slice %arg3[%dma_start3A_183, %multiple_of3A_182, %dma_start3A_189] : memref<4x2048x4096xf32, #tpu.memory_space<any>> -> memref<1x40x4096xf32, #tpu.memory_space<any>>
    %dma_start3A_191 = tpu.memref_squeeze %dma_start3A_190 : memref<1x40x4096xf32, #tpu.memory_space<any>> -> memref<40x4096xf32, #tpu.memory_space<any>>
    tpu.enqueue_dma source(%dma_start3A_191 : memref<40x4096xf32, #tpu.memory_space<any>>) target(%dma_start3A_188 : memref<40x4096xf32, #tpu.memory_space<vmem>>) target_semaphore(%arg5 : memref<!tpu.dma_semaphore, #tpu.memory_space<semaphore_mem>>)
    %get3A_192 = arith.constant 2 : index
    %get3A_193 = arith.constant 1 : index
    %get3A_194 = memref.load %arg0[%get3A_192, %get3A_193] : memref<4x128xi32, #tpu.memory_space<smem>>
    %add3A_195 = arith.constant 1 : i32
    %add3A_196 = arith.addi %get3A_194, %add3A_195 : i32
    %jit3A_197 = arith.constant 8 : i32
    %div3A_198 = arith.divsi %add3A_196, %jit3A_197 : i32
    %sign3A_199 = arith.constant 0 : i32
    %sign3A_200 = arith.cmpi sgt, %add3A_196, %sign3A_199 : i32
    %sign3A_201 = arith.extui %sign3A_200 : i1 to i32
    %sign3A_202 = arith.constant 0 : i32
    %sign3A_203 = arith.cmpi slt, %add3A_196, %sign3A_202 : i32
    %sign3A_204 = arith.extui %sign3A_203 : i1 to i32
    %sign3A_205 = arith.subi %sign3A_201, %sign3A_204 : i32
    %sign3A_206 = arith.constant 0 : i32
    %sign3A_207 = arith.cmpi sgt, %jit3A_197, %sign3A_206 : i32
    %sign3A_208 = arith.extui %sign3A_207 : i1 to i32
    %sign3A_209 = arith.constant 0 : i32
    %sign3A_210 = arith.cmpi slt, %jit3A_197, %sign3A_209 : i32
    %sign3A_211 = arith.extui %sign3A_210 : i1 to i32
    %sign3A_212 = arith.subi %sign3A_208, %sign3A_211 : i32
    %ne3A_213 = arith.cmpi ne, %sign3A_205, %sign3A_212 : i32
    %rem3A_214 = arith.remsi %add3A_196, %jit3A_197 : i32
    %ne3A_215 = arith.constant 0 : i32
    %ne3A_216 = arith.cmpi ne, %rem3A_214, %ne3A_215 : i32
    %and3A_217 = arith.andi %ne3A_213, %ne3A_216 : i1
    %sub3A_218 = arith.constant 1 : i32
    %sub3A_219 = arith.subi %div3A_198, %sub3A_218 : i32
    %select_n3A_220 = arith.select %and3A_217, %sub3A_219, %div3A_198 : i32
    %mul3A_221 = arith.constant 8 : i32
    %mul3A_222 = arith.muli %select_n3A_220, %mul3A_221 : i32
    %multiple_of3A_223 = tpu.assume_multiple %mul3A_222, 8 : i32
    %dma_start3A_224 = arith.constant 2 : i32
    %dma_start3A_225 = arith.constant 5 : i32
    %dma_start3A_226 = arith.constant 0 : i32
    %dma_start3A_227 = arith.constant 0 : i32
    %dma_start3A_228 = tpu.memref_slice %arg4[%dma_start3A_225, %dma_start3A_226, %dma_start3A_227] : memref<8x40x4096xf32, #tpu.memory_space<vmem>> -> memref<1x40x4096xf32, #tpu.memory_space<vmem>>
    %dma_start3A_229 = tpu.memref_squeeze %dma_start3A_228 : memref<1x40x4096xf32, #tpu.memory_space<vmem>> -> memref<40x4096xf32, #tpu.memory_space<vmem>>
    %dma_start3A_230 = arith.constant 0 : i32
    %dma_start3A_231 = tpu.memref_slice %arg3[%dma_start3A_224, %multiple_of3A_223, %dma_start3A_230] : memref<4x2048x4096xf32, #tpu.memory_space<any>> -> memref<1x40x4096xf32, #tpu.memory_space<any>>
    %dma_start3A_232 = tpu.memref_squeeze %dma_start3A_231 : memref<1x40x4096xf32, #tpu.memory_space<any>> -> memref<40x4096xf32, #tpu.memory_space<any>>
    tpu.enqueue_dma source(%dma_start3A_232 : memref<40x4096xf32, #tpu.memory_space<any>>) target(%dma_start3A_229 : memref<40x4096xf32, #tpu.memory_space<vmem>>) target_semaphore(%arg5 : memref<!tpu.dma_semaphore, #tpu.memory_space<semaphore_mem>>)
    %get3A_233 = arith.constant 3 : index
    %get3A_234 = arith.constant 0 : index
    %get3A_235 = memref.load %arg0[%get3A_233, %get3A_234] : memref<4x128xi32, #tpu.memory_space<smem>>
    %add3A_236 = arith.constant 1 : i32
    %add3A_237 = arith.addi %get3A_235, %add3A_236 : i32
    %jit3A_238 = arith.constant 8 : i32
    %div3A_239 = arith.divsi %add3A_237, %jit3A_238 : i32
    %sign3A_240 = arith.constant 0 : i32
    %sign3A_241 = arith.cmpi sgt, %add3A_237, %sign3A_240 : i32
    %sign3A_242 = arith.extui %sign3A_241 : i1 to i32
    %sign3A_243 = arith.constant 0 : i32
    %sign3A_244 = arith.cmpi slt, %add3A_237, %sign3A_243 : i32
    %sign3A_245 = arith.extui %sign3A_244 : i1 to i32
    %sign3A_246 = arith.subi %sign3A_242, %sign3A_245 : i32
    %sign3A_247 = arith.constant 0 : i32
    %sign3A_248 = arith.cmpi sgt, %jit3A_238, %sign3A_247 : i32
    %sign3A_249 = arith.extui %sign3A_248 : i1 to i32
    %sign3A_250 = arith.constant 0 : i32
    %sign3A_251 = arith.cmpi slt, %jit3A_238, %sign3A_250 : i32
    %sign3A_252 = arith.extui %sign3A_251 : i1 to i32
    %sign3A_253 = arith.subi %sign3A_249, %sign3A_252 : i32
    %ne3A_254 = arith.cmpi ne, %sign3A_246, %sign3A_253 : i32
    %rem3A_255 = arith.remsi %add3A_237, %jit3A_238 : i32
    %ne3A_256 = arith.constant 0 : i32
    %ne3A_257 = arith.cmpi ne, %rem3A_255, %ne3A_256 : i32
    %and3A_258 = arith.andi %ne3A_254, %ne3A_257 : i1
    %sub3A_259 = arith.constant 1 : i32
    %sub3A_260 = arith.subi %div3A_239, %sub3A_259 : i32
    %select_n3A_261 = arith.select %and3A_258, %sub3A_260, %div3A_239 : i32
    %mul3A_262 = arith.constant 8 : i32
    %mul3A_263 = arith.muli %select_n3A_261, %mul3A_262 : i32
    %multiple_of3A_264 = tpu.assume_multiple %mul3A_263, 8 : i32
    %dma_start3A_265 = arith.constant 3 : i32
    %dma_start3A_266 = arith.constant 6 : i32
    %dma_start3A_267 = arith.constant 0 : i32
    %dma_start3A_268 = arith.constant 0 : i32
    %dma_start3A_269 = tpu.memref_slice %arg4[%dma_start3A_266, %dma_start3A_267, %dma_start3A_268] : memref<8x40x4096xf32, #tpu.memory_space<vmem>> -> memref<1x40x4096xf32, #tpu.memory_space<vmem>>
    %dma_start3A_270 = tpu.memref_squeeze %dma_start3A_269 : memref<1x40x4096xf32, #tpu.memory_space<vmem>> -> memref<40x4096xf32, #tpu.memory_space<vmem>>
    %dma_start3A_271 = arith.constant 0 : i32
    %dma_start3A_272 = tpu.memref_slice %arg3[%dma_start3A_265, %multiple_of3A_264, %dma_start3A_271] : memref<4x2048x4096xf32, #tpu.memory_space<any>> -> memref<1x40x4096xf32, #tpu.memory_space<any>>
    %dma_start3A_273 = tpu.memref_squeeze %dma_start3A_272 : memref<1x40x4096xf32, #tpu.memory_space<any>> -> memref<40x4096xf32, #tpu.memory_space<any>>
    tpu.enqueue_dma source(%dma_start3A_273 : memref<40x4096xf32, #tpu.memory_space<any>>) target(%dma_start3A_270 : memref<40x4096xf32, #tpu.memory_space<vmem>>) target_semaphore(%arg5 : memref<!tpu.dma_semaphore, #tpu.memory_space<semaphore_mem>>)
    %get3A_274 = arith.constant 3 : index
    %get3A_275 = arith.constant 1 : index
    %get3A_276 = memref.load %arg0[%get3A_274, %get3A_275] : memref<4x128xi32, #tpu.memory_space<smem>>
    %add3A_277 = arith.constant 1 : i32
    %add3A_278 = arith.addi %get3A_276, %add3A_277 : i32
    %jit3A_279 = arith.constant 8 : i32
    %div3A_280 = arith.divsi %add3A_278, %jit3A_279 : i32
    %sign3A_281 = arith.constant 0 : i32
    %sign3A_282 = arith.cmpi sgt, %add3A_278, %sign3A_281 : i32
    %sign3A_283 = arith.extui %sign3A_282 : i1 to i32
    %sign3A_284 = arith.constant 0 : i32
    %sign3A_285 = arith.cmpi slt, %add3A_278, %sign3A_284 : i32
    %sign3A_286 = arith.extui %sign3A_285 : i1 to i32
    %sign3A_287 = arith.subi %sign3A_283, %sign3A_286 : i32
    %sign3A_288 = arith.constant 0 : i32
    %sign3A_289 = arith.cmpi sgt, %jit3A_279, %sign3A_288 : i32
    %sign3A_290 = arith.extui %sign3A_289 : i1 to i32
    %sign3A_291 = arith.constant 0 : i32
    %sign3A_292 = arith.cmpi slt, %jit3A_279, %sign3A_291 : i32
    %sign3A_293 = arith.extui %sign3A_292 : i1 to i32
    %sign3A_294 = arith.subi %sign3A_290, %sign3A_293 : i32
    %ne3A_295 = arith.cmpi ne, %sign3A_287, %sign3A_294 : i32
    %rem3A_296 = arith.remsi %add3A_278, %jit3A_279 : i32
    %ne3A_297 = arith.constant 0 : i32
    %ne3A_298 = arith.cmpi ne, %rem3A_296, %ne3A_297 : i32
    %and3A_299 = arith.andi %ne3A_295, %ne3A_298 : i1
    %sub3A_300 = arith.constant 1 : i32
    %sub3A_301 = arith.subi %div3A_280, %sub3A_300 : i32
    %select_n3A_302 = arith.select %and3A_299, %sub3A_301, %div3A_280 : i32
    %mul3A_303 = arith.constant 8 : i32
    %mul3A_304 = arith.muli %select_n3A_302, %mul3A_303 : i32
    %multiple_of3A_305 = tpu.assume_multiple %mul3A_304, 8 : i32
    %dma_start3A_306 = arith.constant 3 : i32
    %dma_start3A_307 = arith.constant 7 : i32
    %dma_start3A_308 = arith.constant 0 : i32
    %dma_start3A_309 = arith.constant 0 : i32
    %dma_start3A_310 = tpu.memref_slice %arg4[%dma_start3A_307, %dma_start3A_308, %dma_start3A_309] : memref<8x40x4096xf32, #tpu.memory_space<vmem>> -> memref<1x40x4096xf32, #tpu.memory_space<vmem>>
    %dma_start3A_311 = tpu.memref_squeeze %dma_start3A_310 : memref<1x40x4096xf32, #tpu.memory_space<vmem>> -> memref<40x4096xf32, #tpu.memory_space<vmem>>
    %dma_start3A_312 = arith.constant 0 : i32
    %dma_start3A_313 = tpu.memref_slice %arg3[%dma_start3A_306, %multiple_of3A_305, %dma_start3A_312] : memref<4x2048x4096xf32, #tpu.memory_space<any>> -> memref<1x40x4096xf32, #tpu.memory_space<any>>
    %dma_start3A_314 = tpu.memref_squeeze %dma_start3A_313 : memref<1x40x4096xf32, #tpu.memory_space<any>> -> memref<40x4096xf32, #tpu.memory_space<any>>
    tpu.enqueue_dma source(%dma_start3A_314 : memref<40x4096xf32, #tpu.memory_space<any>>) target(%dma_start3A_311 : memref<40x4096xf32, #tpu.memory_space<vmem>>) target_semaphore(%arg5 : memref<!tpu.dma_semaphore, #tpu.memory_space<semaphore_mem>>)
    %dma_wait3A = arith.constant 0 : i32
    %dma_wait3A_315 = arith.constant 0 : i32
    %dma_wait3A_316 = arith.constant 0 : i32
    %dma_wait3A_317 = arith.constant 0 : i32
    %dma_wait3A_318 = tpu.memref_slice %arg4[%dma_wait3A_315, %dma_wait3A_316, %dma_wait3A_317] : memref<8x40x4096xf32, #tpu.memory_space<vmem>> -> memref<1x40x4096xf32, #tpu.memory_space<vmem>>
    %dma_wait3A_319 = tpu.memref_squeeze %dma_wait3A_318 : memref<1x40x4096xf32, #tpu.memory_space<vmem>> -> memref<40x4096xf32, #tpu.memory_space<vmem>>
    %dma_wait3A_320 = arith.constant 0 : i32
    %dma_wait3A_321 = tpu.memref_slice %arg3[%dma_wait3A, %multiple_of3A, %dma_wait3A_320] : memref<4x2048x4096xf32, #tpu.memory_space<any>> -> memref<1x40x4096xf32, #tpu.memory_space<any>>
    %dma_wait3A_322 = tpu.memref_squeeze %dma_wait3A_321 : memref<1x40x4096xf32, #tpu.memory_space<any>> -> memref<40x4096xf32, #tpu.memory_space<any>>
    tpu.wait_dma2 semaphore(%arg5 : memref<!tpu.dma_semaphore, #tpu.memory_space<semaphore_mem>>) src(%dma_wait3A_322 : memref<40x4096xf32, #tpu.memory_space<any>>) dst(%dma_wait3A_319 : memref<40x4096xf32, #tpu.memory_space<vmem>>)
    %dma_wait3A_323 = arith.constant 0 : i32
    %dma_wait3A_324 = arith.constant 1 : i32
    %dma_wait3A_325 = arith.constant 0 : i32
    %dma_wait3A_326 = arith.constant 0 : i32
    %dma_wait3A_327 = tpu.memref_slice %arg4[%dma_wait3A_324, %dma_wait3A_325, %dma_wait3A_326] : memref<8x40x4096xf32, #tpu.memory_space<vmem>> -> memref<1x40x4096xf32, #tpu.memory_space<vmem>>
    %dma_wait3A_328 = tpu.memref_squeeze %dma_wait3A_327 : memref<1x40x4096xf32, #tpu.memory_space<vmem>> -> memref<40x4096xf32, #tpu.memory_space<vmem>>
    %dma_wait3A_329 = arith.constant 0 : i32
    %dma_wait3A_330 = tpu.memref_slice %arg3[%dma_wait3A_323, %multiple_of3A_59, %dma_wait3A_329] : memref<4x2048x4096xf32, #tpu.memory_space<any>> -> memref<1x40x4096xf32, #tpu.memory_space<any>>
    %dma_wait3A_331 = tpu.memref_squeeze %dma_wait3A_330 : memref<1x40x4096xf32, #tpu.memory_space<any>> -> memref<40x4096xf32, #tpu.memory_space<any>>
    tpu.wait_dma2 semaphore(%arg5 : memref<!tpu.dma_semaphore, #tpu.memory_space<semaphore_mem>>) src(%dma_wait3A_331 : memref<40x4096xf32, #tpu.memory_space<any>>) dst(%dma_wait3A_328 : memref<40x4096xf32, #tpu.memory_space<vmem>>)
    %dma_wait3A_332 = arith.constant 1 : i32
    %dma_wait3A_333 = arith.constant 2 : i32
    %dma_wait3A_334 = arith.constant 0 : i32
    %dma_wait3A_335 = arith.constant 0 : i32
    %dma_wait3A_336 = tpu.memref_slice %arg4[%dma_wait3A_333, %dma_wait3A_334, %dma_wait3A_335] : memref<8x40x4096xf32, #tpu.memory_space<vmem>> -> memref<1x40x4096xf32, #tpu.memory_space<vmem>>
    %dma_wait3A_337 = tpu.memref_squeeze %dma_wait3A_336 : memref<1x40x4096xf32, #tpu.memory_space<vmem>> -> memref<40x4096xf32, #tpu.memory_space<vmem>>
    %dma_wait3A_338 = arith.constant 0 : i32
    %dma_wait3A_339 = tpu.memref_slice %arg3[%dma_wait3A_332, %multiple_of3A_100, %dma_wait3A_338] : memref<4x2048x4096xf32, #tpu.memory_space<any>> -> memref<1x40x4096xf32, #tpu.memory_space<any>>
    %dma_wait3A_340 = tpu.memref_squeeze %dma_wait3A_339 : memref<1x40x4096xf32, #tpu.memory_space<any>> -> memref<40x4096xf32, #tpu.memory_space<any>>
    tpu.wait_dma2 semaphore(%arg5 : memref<!tpu.dma_semaphore, #tpu.memory_space<semaphore_mem>>) src(%dma_wait3A_340 : memref<40x4096xf32, #tpu.memory_space<any>>) dst(%dma_wait3A_337 : memref<40x4096xf32, #tpu.memory_space<vmem>>)
    %dma_wait3A_341 = arith.constant 1 : i32
    %dma_wait3A_342 = arith.constant 3 : i32
    %dma_wait3A_343 = arith.constant 0 : i32
    %dma_wait3A_344 = arith.constant 0 : i32
    %dma_wait3A_345 = tpu.memref_slice %arg4[%dma_wait3A_342, %dma_wait3A_343, %dma_wait3A_344] : memref<8x40x4096xf32, #tpu.memory_space<vmem>> -> memref<1x40x4096xf32, #tpu.memory_space<vmem>>
    %dma_wait3A_346 = tpu.memref_squeeze %dma_wait3A_345 : memref<1x40x4096xf32, #tpu.memory_space<vmem>> -> memref<40x4096xf32, #tpu.memory_space<vmem>>
    %dma_wait3A_347 = arith.constant 0 : i32
    %dma_wait3A_348 = tpu.memref_slice %arg3[%dma_wait3A_341, %multiple_of3A_141, %dma_wait3A_347] : memref<4x2048x4096xf32, #tpu.memory_space<any>> -> memref<1x40x4096xf32, #tpu.memory_space<any>>
    %dma_wait3A_349 = tpu.memref_squeeze %dma_wait3A_348 : memref<1x40x4096xf32, #tpu.memory_space<any>> -> memref<40x4096xf32, #tpu.memory_space<any>>
    tpu.wait_dma2 semaphore(%arg5 : memref<!tpu.dma_semaphore, #tpu.memory_space<semaphore_mem>>) src(%dma_wait3A_349 : memref<40x4096xf32, #tpu.memory_space<any>>) dst(%dma_wait3A_346 : memref<40x4096xf32, #tpu.memory_space<vmem>>)
    %dma_wait3A_350 = arith.constant 2 : i32
    %dma_wait3A_351 = arith.constant 4 : i32
    %dma_wait3A_352 = arith.constant 0 : i32
    %dma_wait3A_353 = arith.constant 0 : i32
    %dma_wait3A_354 = tpu.memref_slice %arg4[%dma_wait3A_351, %dma_wait3A_352, %dma_wait3A_353] : memref<8x40x4096xf32, #tpu.memory_space<vmem>> -> memref<1x40x4096xf32, #tpu.memory_space<vmem>>
    %dma_wait3A_355 = tpu.memref_squeeze %dma_wait3A_354 : memref<1x40x4096xf32, #tpu.memory_space<vmem>> -> memref<40x4096xf32, #tpu.memory_space<vmem>>
    %dma_wait3A_356 = arith.constant 0 : i32
    %dma_wait3A_357 = tpu.memref_slice %arg3[%dma_wait3A_350, %multiple_of3A_182, %dma_wait3A_356] : memref<4x2048x4096xf32, #tpu.memory_space<any>> -> memref<1x40x4096xf32, #tpu.memory_space<any>>
    %dma_wait3A_358 = tpu.memref_squeeze %dma_wait3A_357 : memref<1x40x4096xf32, #tpu.memory_space<any>> -> memref<40x4096xf32, #tpu.memory_space<any>>
    tpu.wait_dma2 semaphore(%arg5 : memref<!tpu.dma_semaphore, #tpu.memory_space<semaphore_mem>>) src(%dma_wait3A_358 : memref<40x4096xf32, #tpu.memory_space<any>>) dst(%dma_wait3A_355 : memref<40x4096xf32, #tpu.memory_space<vmem>>)
    %dma_wait3A_359 = arith.constant 2 : i32
    %dma_wait3A_360 = arith.constant 5 : i32
    %dma_wait3A_361 = arith.constant 0 : i32
    %dma_wait3A_362 = arith.constant 0 : i32
    %dma_wait3A_363 = tpu.memref_slice %arg4[%dma_wait3A_360, %dma_wait3A_361, %dma_wait3A_362] : memref<8x40x4096xf32, #tpu.memory_space<vmem>> -> memref<1x40x4096xf32, #tpu.memory_space<vmem>>
    %dma_wait3A_364 = tpu.memref_squeeze %dma_wait3A_363 : memref<1x40x4096xf32, #tpu.memory_space<vmem>> -> memref<40x4096xf32, #tpu.memory_space<vmem>>
    %dma_wait3A_365 = arith.constant 0 : i32
    %dma_wait3A_366 = tpu.memref_slice %arg3[%dma_wait3A_359, %multiple_of3A_223, %dma_wait3A_365] : memref<4x2048x4096xf32, #tpu.memory_space<any>> -> memref<1x40x4096xf32, #tpu.memory_space<any>>
    %dma_wait3A_367 = tpu.memref_squeeze %dma_wait3A_366 : memref<1x40x4096xf32, #tpu.memory_space<any>> -> memref<40x4096xf32, #tpu.memory_space<any>>
    tpu.wait_dma2 semaphore(%arg5 : memref<!tpu.dma_semaphore, #tpu.memory_space<semaphore_mem>>) src(%dma_wait3A_367 : memref<40x4096xf32, #tpu.memory_space<any>>) dst(%dma_wait3A_364 : memref<40x4096xf32, #tpu.memory_space<vmem>>)
    %dma_wait3A_368 = arith.constant 3 : i32
    %dma_wait3A_369 = arith.constant 6 : i32
    %dma_wait3A_370 = arith.constant 0 : i32
    %dma_wait3A_371 = arith.constant 0 : i32
    %dma_wait3A_372 = tpu.memref_slice %arg4[%dma_wait3A_369, %dma_wait3A_370, %dma_wait3A_371] : memref<8x40x4096xf32, #tpu.memory_space<vmem>> -> memref<1x40x4096xf32, #tpu.memory_space<vmem>>
    %dma_wait3A_373 = tpu.memref_squeeze %dma_wait3A_372 : memref<1x40x4096xf32, #tpu.memory_space<vmem>> -> memref<40x4096xf32, #tpu.memory_space<vmem>>
    %dma_wait3A_374 = arith.constant 0 : i32
    %dma_wait3A_375 = tpu.memref_slice %arg3[%dma_wait3A_368, %multiple_of3A_264, %dma_wait3A_374] : memref<4x2048x4096xf32, #tpu.memory_space<any>> -> memref<1x40x4096xf32, #tpu.memory_space<any>>
    %dma_wait3A_376 = tpu.memref_squeeze %dma_wait3A_375 : memref<1x40x4096xf32, #tpu.memory_space<any>> -> memref<40x4096xf32, #tpu.memory_space<any>>
    tpu.wait_dma2 semaphore(%arg5 : memref<!tpu.dma_semaphore, #tpu.memory_space<semaphore_mem>>) src(%dma_wait3A_376 : memref<40x4096xf32, #tpu.memory_space<any>>) dst(%dma_wait3A_373 : memref<40x4096xf32, #tpu.memory_space<vmem>>)
    %dma_wait3A_377 = arith.constant 3 : i32
    %dma_wait3A_378 = arith.constant 7 : i32
    %dma_wait3A_379 = arith.constant 0 : i32
    %dma_wait3A_380 = arith.constant 0 : i32
    %dma_wait3A_381 = tpu.memref_slice %arg4[%dma_wait3A_378, %dma_wait3A_379, %dma_wait3A_380] : memref<8x40x4096xf32, #tpu.memory_space<vmem>> -> memref<1x40x4096xf32, #tpu.memory_space<vmem>>
    %dma_wait3A_382 = tpu.memref_squeeze %dma_wait3A_381 : memref<1x40x4096xf32, #tpu.memory_space<vmem>> -> memref<40x4096xf32, #tpu.memory_space<vmem>>
    %dma_wait3A_383 = arith.constant 0 : i32
    %dma_wait3A_384 = tpu.memref_slice %arg3[%dma_wait3A_377, %multiple_of3A_305, %dma_wait3A_383] : memref<4x2048x4096xf32, #tpu.memory_space<any>> -> memref<1x40x4096xf32, #tpu.memory_space<any>>
    %dma_wait3A_385 = tpu.memref_squeeze %dma_wait3A_384 : memref<1x40x4096xf32, #tpu.memory_space<any>> -> memref<40x4096xf32, #tpu.memory_space<any>>
    tpu.wait_dma2 semaphore(%arg5 : memref<!tpu.dma_semaphore, #tpu.memory_space<semaphore_mem>>) src(%dma_wait3A_385 : memref<40x4096xf32, #tpu.memory_space<any>>) dst(%dma_wait3A_382 : memref<40x4096xf32, #tpu.memory_space<vmem>>)
    %get3A_386 = arith.constant 0 : index
    %get3A_387 = arith.constant 0 : index
    %get3A_388 = memref.load %arg0[%get3A_386, %get3A_387] : memref<4x128xi32, #tpu.memory_space<smem>>
    %add3A_389 = arith.constant 1 : i32
    %add3A_390 = arith.addi %get3A_388, %add3A_389 : i32
    %jit3A_391 = arith.constant 8 : i32
    %div3A_392 = arith.divsi %add3A_390, %jit3A_391 : i32
    %sign3A_393 = arith.constant 0 : i32
    %sign3A_394 = arith.cmpi sgt, %add3A_390, %sign3A_393 : i32
    %sign3A_395 = arith.extui %sign3A_394 : i1 to i32
    %sign3A_396 = arith.constant 0 : i32
    %sign3A_397 = arith.cmpi slt, %add3A_390, %sign3A_396 : i32
    %sign3A_398 = arith.extui %sign3A_397 : i1 to i32
    %sign3A_399 = arith.subi %sign3A_395, %sign3A_398 : i32
    %sign3A_400 = arith.constant 0 : i32
    %sign3A_401 = arith.cmpi sgt, %jit3A_391, %sign3A_400 : i32
    %sign3A_402 = arith.extui %sign3A_401 : i1 to i32
    %sign3A_403 = arith.constant 0 : i32
    %sign3A_404 = arith.cmpi slt, %jit3A_391, %sign3A_403 : i32
    %sign3A_405 = arith.extui %sign3A_404 : i1 to i32
    %sign3A_406 = arith.subi %sign3A_402, %sign3A_405 : i32
    %ne3A_407 = arith.cmpi ne, %sign3A_399, %sign3A_406 : i32
    %rem3A_408 = arith.remsi %add3A_390, %jit3A_391 : i32
    %ne3A_409 = arith.constant 0 : i32
    %ne3A_410 = arith.cmpi ne, %rem3A_408, %ne3A_409 : i32
    %and3A_411 = arith.andi %ne3A_407, %ne3A_410 : i1
    %sub3A_412 = arith.constant 1 : i32
    %sub3A_413 = arith.subi %div3A_392, %sub3A_412 : i32
    %select_n3A_414 = arith.select %and3A_411, %sub3A_413, %div3A_392 : i32
    %mul3A_415 = arith.constant 8 : i32
    %mul3A_416 = arith.muli %select_n3A_414, %mul3A_415 : i32
    %multiple_of3A_417 = tpu.assume_multiple %mul3A_416, 8 : i32
    %sub3A_418 = arith.subi %add3A_390, %multiple_of3A_417 : i32
    %ge3A = vector.broadcast %sub3A_418 : i32 to vector<40x1xi32>
    %ge3A_419 = arith.cmpi sge, %iota3A, %ge3A : vector<40x1xi32>
    %add3A_420 = arith.constant 32 : i32
    %add3A_421 = arith.addi %sub3A_418, %add3A_420 : i32
    %lt3A = vector.broadcast %add3A_421 : i32 to vector<40x1xi32>
    %lt3A_422 = arith.cmpi slt, %iota3A, %lt3A : vector<40x1xi32>
    %and3A_423 = arith.andi %ge3A_419, %lt3A_422 : vector<40x1xi1>
    %get3A_424 = arith.constant 0 : index
    %get3A_425 = arith.constant 0 : index
    %get3A_426 = arith.constant 0 : index
    %get3A_427 = arith.constant 0 : index
    %get3A_428 = vector.load %arg1[%get3A_424, %get3A_425, %get3A_426, %get3A_427] : memref<4x2x40x4096xf32, #tpu.memory_space<vmem>>, vector<1x1x40x4096xf32>
    %get3A_429 = vector.shape_cast %get3A_428 : vector<1x1x40x4096xf32> to vector<40x4096xf32>
    %get3A_430 = arith.constant 0 : index
    %get3A_431 = arith.constant 0 : index
    %get3A_432 = arith.constant 0 : index
    %get3A_433 = vector.load %arg4[%get3A_430, %get3A_431, %get3A_432] : memref<8x40x4096xf32, #tpu.memory_space<vmem>>, vector<1x40x4096xf32>
    %get3A_434 = vector.shape_cast %get3A_433 : vector<1x40x4096xf32> to vector<40x4096xf32>
    %broadcast_in_dim3A = vector.shape_cast %and3A_423 : vector<40x1xi1> to vector<40x1xi1>
    %broadcast_in_dim3A_435 = vector.broadcast %broadcast_in_dim3A : vector<40x1xi1> to vector<40x4096xi1>
    %select_n3A_436 = arith.select %broadcast_in_dim3A_435, %get3A_429, %get3A_434 : vector<40x4096xi1>, vector<40x4096xf32>
    %swap3A = arith.constant 0 : index
    %swap3A_437 = arith.constant 0 : index
    %swap3A_438 = arith.constant 0 : index
    %swap3A_439 = vector.load %arg4[%swap3A, %swap3A_437, %swap3A_438] : memref<8x40x4096xf32, #tpu.memory_space<vmem>>, vector<1x40x4096xf32>
    %swap3A_440 = vector.shape_cast %swap3A_439 : vector<1x40x4096xf32> to vector<40x4096xf32>
    %swap3A_441 = vector.shape_cast %select_n3A_436 : vector<40x4096xf32> to vector<1x40x4096xf32>
    tpu.vector_store %arg4[%swap3A, %swap3A_437, %swap3A_438], %swap3A_441 {strides = array<i32>} : memref<8x40x4096xf32, #tpu.memory_space<vmem>>, vector<1x40x4096xf32>,
    %dma_start3A_442 = arith.constant 0 : i32
    %dma_start3A_443 = arith.constant 0 : i32
    %dma_start3A_444 = arith.constant 0 : i32
    %dma_start3A_445 = tpu.memref_slice %arg3[%dma_start3A_443, %multiple_of3A_417, %dma_start3A_444] : memref<4x2048x4096xf32, #tpu.memory_space<any>> -> memref<1x40x4096xf32, #tpu.memory_space<any>>
    %dma_start3A_446 = tpu.memref_squeeze %dma_start3A_445 : memref<1x40x4096xf32, #tpu.memory_space<any>> -> memref<40x4096xf32, #tpu.memory_space<any>>
    %dma_start3A_447 = arith.constant 0 : i32
    %dma_start3A_448 = arith.constant 0 : i32
    %dma_start3A_449 = tpu.memref_slice %arg4[%dma_start3A_442, %dma_start3A_447, %dma_start3A_448] : memref<8x40x4096xf32, #tpu.memory_space<vmem>> -> memref<1x40x4096xf32, #tpu.memory_space<vmem>>
    %dma_start3A_450 = tpu.memref_squeeze %dma_start3A_449 : memref<1x40x4096xf32, #tpu.memory_space<vmem>> -> memref<40x4096xf32, #tpu.memory_space<vmem>>
    tpu.enqueue_dma source(%dma_start3A_450 : memref<40x4096xf32, #tpu.memory_space<vmem>>) target(%dma_start3A_446 : memref<40x4096xf32, #tpu.memory_space<any>>) target_semaphore(%arg6 : memref<!tpu.dma_semaphore, #tpu.memory_space<semaphore_mem>>)
    %get3A_451 = arith.constant 0 : index
    %get3A_452 = arith.constant 1 : index
    %get3A_453 = memref.load %arg0[%get3A_451, %get3A_452] : memref<4x128xi32, #tpu.memory_space<smem>>
    %add3A_454 = arith.constant 1 : i32
    %add3A_455 = arith.addi %get3A_453, %add3A_454 : i32
    %jit3A_456 = arith.constant 8 : i32
    %div3A_457 = arith.divsi %add3A_455, %jit3A_456 : i32
    %sign3A_458 = arith.constant 0 : i32
    %sign3A_459 = arith.cmpi sgt, %add3A_455, %sign3A_458 : i32
    %sign3A_460 = arith.extui %sign3A_459 : i1 to i32
    %sign3A_461 = arith.constant 0 : i32
    %sign3A_462 = arith.cmpi slt, %add3A_455, %sign3A_461 : i32
    %sign3A_463 = arith.extui %sign3A_462 : i1 to i32
    %sign3A_464 = arith.subi %sign3A_460, %sign3A_463 : i32
    %sign3A_465 = arith.constant 0 : i32
    %sign3A_466 = arith.cmpi sgt, %jit3A_456, %sign3A_465 : i32
    %sign3A_467 = arith.extui %sign3A_466 : i1 to i32
    %sign3A_468 = arith.constant 0 : i32
    %sign3A_469 = arith.cmpi slt, %jit3A_456, %sign3A_468 : i32
    %sign3A_470 = arith.extui %sign3A_469 : i1 to i32
    %sign3A_471 = arith.subi %sign3A_467, %sign3A_470 : i32
    %ne3A_472 = arith.cmpi ne, %sign3A_464, %sign3A_471 : i32
    %rem3A_473 = arith.remsi %add3A_455, %jit3A_456 : i32
    %ne3A_474 = arith.constant 0 : i32
    %ne3A_475 = arith.cmpi ne, %rem3A_473, %ne3A_474 : i32
    %and3A_476 = arith.andi %ne3A_472, %ne3A_475 : i1
    %sub3A_477 = arith.constant 1 : i32
    %sub3A_478 = arith.subi %div3A_457, %sub3A_477 : i32
    %select_n3A_479 = arith.select %and3A_476, %sub3A_478, %div3A_457 : i32
    %mul3A_480 = arith.constant 8 : i32
    %mul3A_481 = arith.muli %select_n3A_479, %mul3A_480 : i32
    %multiple_of3A_482 = tpu.assume_multiple %mul3A_481, 8 : i32
    %sub3A_483 = arith.subi %add3A_455, %multiple_of3A_482 : i32
    %ge3A_484 = vector.broadcast %sub3A_483 : i32 to vector<40x1xi32>
    %ge3A_485 = arith.cmpi sge, %iota3A, %ge3A_484 : vector<40x1xi32>
    %add3A_486 = arith.constant 32 : i32
    %add3A_487 = arith.addi %sub3A_483, %add3A_486 : i32
    %lt3A_488 = vector.broadcast %add3A_487 : i32 to vector<40x1xi32>
    %lt3A_489 = arith.cmpi slt, %iota3A, %lt3A_488 : vector<40x1xi32>
    %and3A_490 = arith.andi %ge3A_485, %lt3A_489 : vector<40x1xi1>
    %get3A_491 = arith.constant 0 : index
    %get3A_492 = arith.constant 1 : index
    %get3A_493 = arith.constant 0 : index
    %get3A_494 = arith.constant 0 : index
    %get3A_495 = vector.load %arg1[%get3A_491, %get3A_492, %get3A_493, %get3A_494] : memref<4x2x40x4096xf32, #tpu.memory_space<vmem>>, vector<1x1x40x4096xf32>
    %get3A_496 = vector.shape_cast %get3A_495 : vector<1x1x40x4096xf32> to vector<40x4096xf32>
    %get3A_497 = arith.constant 1 : index
    %get3A_498 = arith.constant 0 : index
    %get3A_499 = arith.constant 0 : index
    %get3A_500 = vector.load %arg4[%get3A_497, %get3A_498, %get3A_499] : memref<8x40x4096xf32, #tpu.memory_space<vmem>>, vector<1x40x4096xf32>
    %get3A_501 = vector.shape_cast %get3A_500 : vector<1x40x4096xf32> to vector<40x4096xf32>
    %broadcast_in_dim3A_502 = vector.shape_cast %and3A_490 : vector<40x1xi1> to vector<40x1xi1>
    %broadcast_in_dim3A_503 = vector.broadcast %broadcast_in_dim3A_502 : vector<40x1xi1> to vector<40x4096xi1>
    %select_n3A_504 = arith.select %broadcast_in_dim3A_503, %get3A_496, %get3A_501 : vector<40x4096xi1>, vector<40x4096xf32>
    %swap3A_505 = arith.constant 1 : index
    %swap3A_506 = arith.constant 0 : index
    %swap3A_507 = arith.constant 0 : index
    %swap3A_508 = vector.load %arg4[%swap3A_505, %swap3A_506, %swap3A_507] : memref<8x40x4096xf32, #tpu.memory_space<vmem>>, vector<1x40x4096xf32>
    %swap3A_509 = vector.shape_cast %swap3A_508 : vector<1x40x4096xf32> to vector<40x4096xf32>
    %swap3A_510 = vector.shape_cast %select_n3A_504 : vector<40x4096xf32> to vector<1x40x4096xf32>
    tpu.vector_store %arg4[%swap3A_505, %swap3A_506, %swap3A_507], %swap3A_510 {strides = array<i32>} : memref<8x40x4096xf32, #tpu.memory_space<vmem>>, vector<1x40x4096xf32>,
    %dma_start3A_511 = arith.constant 1 : i32
    %dma_start3A_512 = arith.constant 0 : i32
    %dma_start3A_513 = arith.constant 0 : i32
    %dma_start3A_514 = tpu.memref_slice %arg3[%dma_start3A_512, %multiple_of3A_482, %dma_start3A_513] : memref<4x2048x4096xf32, #tpu.memory_space<any>> -> memref<1x40x4096xf32, #tpu.memory_space<any>>
    %dma_start3A_515 = tpu.memref_squeeze %dma_start3A_514 : memref<1x40x4096xf32, #tpu.memory_space<any>> -> memref<40x4096xf32, #tpu.memory_space<any>>
    %dma_start3A_516 = arith.constant 0 : i32
    %dma_start3A_517 = arith.constant 0 : i32
    %dma_start3A_518 = tpu.memref_slice %arg4[%dma_start3A_511, %dma_start3A_516, %dma_start3A_517] : memref<8x40x4096xf32, #tpu.memory_space<vmem>> -> memref<1x40x4096xf32, #tpu.memory_space<vmem>>
    %dma_start3A_519 = tpu.memref_squeeze %dma_start3A_518 : memref<1x40x4096xf32, #tpu.memory_space<vmem>> -> memref<40x4096xf32, #tpu.memory_space<vmem>>
    tpu.enqueue_dma source(%dma_start3A_519 : memref<40x4096xf32, #tpu.memory_space<vmem>>) target(%dma_start3A_515 : memref<40x4096xf32, #tpu.memory_space<any>>) target_semaphore(%arg6 : memref<!tpu.dma_semaphore, #tpu.memory_space<semaphore_mem>>)
    %get3A_520 = arith.constant 1 : index
    %get3A_521 = arith.constant 0 : index
    %get3A_522 = memref.load %arg0[%get3A_520, %get3A_521] : memref<4x128xi32, #tpu.memory_space<smem>>
    %add3A_523 = arith.constant 1 : i32
    %add3A_524 = arith.addi %get3A_522, %add3A_523 : i32
    %jit3A_525 = arith.constant 8 : i32
    %div3A_526 = arith.divsi %add3A_524, %jit3A_525 : i32
    %sign3A_527 = arith.constant 0 : i32
    %sign3A_528 = arith.cmpi sgt, %add3A_524, %sign3A_527 : i32
    %sign3A_529 = arith.extui %sign3A_528 : i1 to i32
    %sign3A_530 = arith.constant 0 : i32
    %sign3A_531 = arith.cmpi slt, %add3A_524, %sign3A_530 : i32
    %sign3A_532 = arith.extui %sign3A_531 : i1 to i32
    %sign3A_533 = arith.subi %sign3A_529, %sign3A_532 : i32
    %sign3A_534 = arith.constant 0 : i32
    %sign3A_535 = arith.cmpi sgt, %jit3A_525, %sign3A_534 : i32
    %sign3A_536 = arith.extui %sign3A_535 : i1 to i32
    %sign3A_537 = arith.constant 0 : i32
    %sign3A_538 = arith.cmpi slt, %jit3A_525, %sign3A_537 : i32
    %sign3A_539 = arith.extui %sign3A_538 : i1 to i32
    %sign3A_540 = arith.subi %sign3A_536, %sign3A_539 : i32
    %ne3A_541 = arith.cmpi ne, %sign3A_533, %sign3A_540 : i32
    %rem3A_542 = arith.remsi %add3A_524, %jit3A_525 : i32
    %ne3A_543 = arith.constant 0 : i32
    %ne3A_544 = arith.cmpi ne, %rem3A_542, %ne3A_543 : i32
    %and3A_545 = arith.andi %ne3A_541, %ne3A_544 : i1
    %sub3A_546 = arith.constant 1 : i32
    %sub3A_547 = arith.subi %div3A_526, %sub3A_546 : i32
    %select_n3A_548 = arith.select %and3A_545, %sub3A_547, %div3A_526 : i32
    %mul3A_549 = arith.constant 8 : i32
    %mul3A_550 = arith.muli %select_n3A_548, %mul3A_549 : i32
    %multiple_of3A_551 = tpu.assume_multiple %mul3A_550, 8 : i32
    %sub3A_552 = arith.subi %add3A_524, %multiple_of3A_551 : i32
    %ge3A_553 = vector.broadcast %sub3A_552 : i32 to vector<40x1xi32>
    %ge3A_554 = arith.cmpi sge, %iota3A, %ge3A_553 : vector<40x1xi32>
    %add3A_555 = arith.constant 32 : i32
    %add3A_556 = arith.addi %sub3A_552, %add3A_555 : i32
    %lt3A_557 = vector.broadcast %add3A_556 : i32 to vector<40x1xi32>
    %lt3A_558 = arith.cmpi slt, %iota3A, %lt3A_557 : vector<40x1xi32>
    %and3A_559 = arith.andi %ge3A_554, %lt3A_558 : vector<40x1xi1>
    %get3A_560 = arith.constant 1 : index
    %get3A_561 = arith.constant 0 : index
    %get3A_562 = arith.constant 0 : index
    %get3A_563 = arith.constant 0 : index
    %get3A_564 = vector.load %arg1[%get3A_560, %get3A_561, %get3A_562, %get3A_563] : memref<4x2x40x4096xf32, #tpu.memory_space<vmem>>, vector<1x1x40x4096xf32>
    %get3A_565 = vector.shape_cast %get3A_564 : vector<1x1x40x4096xf32> to vector<40x4096xf32>
    %get3A_566 = arith.constant 2 : index
    %get3A_567 = arith.constant 0 : index
    %get3A_568 = arith.constant 0 : index
    %get3A_569 = vector.load %arg4[%get3A_566, %get3A_567, %get3A_568] : memref<8x40x4096xf32, #tpu.memory_space<vmem>>, vector<1x40x4096xf32>
    %get3A_570 = vector.shape_cast %get3A_569 : vector<1x40x4096xf32> to vector<40x4096xf32>
    %broadcast_in_dim3A_571 = vector.shape_cast %and3A_559 : vector<40x1xi1> to vector<40x1xi1>
    %broadcast_in_dim3A_572 = vector.broadcast %broadcast_in_dim3A_571 : vector<40x1xi1> to vector<40x4096xi1>
    %select_n3A_573 = arith.select %broadcast_in_dim3A_572, %get3A_565, %get3A_570 : vector<40x4096xi1>, vector<40x4096xf32>
    %swap3A_574 = arith.constant 2 : index
    %swap3A_575 = arith.constant 0 : index
    %swap3A_576 = arith.constant 0 : index
    %swap3A_577 = vector.load %arg4[%swap3A_574, %swap3A_575, %swap3A_576] : memref<8x40x4096xf32, #tpu.memory_space<vmem>>, vector<1x40x4096xf32>
    %swap3A_578 = vector.shape_cast %swap3A_577 : vector<1x40x4096xf32> to vector<40x4096xf32>
    %swap3A_579 = vector.shape_cast %select_n3A_573 : vector<40x4096xf32> to vector<1x40x4096xf32>
    tpu.vector_store %arg4[%swap3A_574, %swap3A_575, %swap3A_576], %swap3A_579 {strides = array<i32>} : memref<8x40x4096xf32, #tpu.memory_space<vmem>>, vector<1x40x4096xf32>,
    %dma_start3A_580 = arith.constant 2 : i32
    %dma_start3A_581 = arith.constant 1 : i32
    %dma_start3A_582 = arith.constant 0 : i32
    %dma_start3A_583 = tpu.memref_slice %arg3[%dma_start3A_581, %multiple_of3A_551, %dma_start3A_582] : memref<4x2048x4096xf32, #tpu.memory_space<any>> -> memref<1x40x4096xf32, #tpu.memory_space<any>>
    %dma_start3A_584 = tpu.memref_squeeze %dma_start3A_583 : memref<1x40x4096xf32, #tpu.memory_space<any>> -> memref<40x4096xf32, #tpu.memory_space<any>>
    %dma_start3A_585 = arith.constant 0 : i32
    %dma_start3A_586 = arith.constant 0 : i32
    %dma_start3A_587 = tpu.memref_slice %arg4[%dma_start3A_580, %dma_start3A_585, %dma_start3A_586] : memref<8x40x4096xf32, #tpu.memory_space<vmem>> -> memref<1x40x4096xf32, #tpu.memory_space<vmem>>
    %dma_start3A_588 = tpu.memref_squeeze %dma_start3A_587 : memref<1x40x4096xf32, #tpu.memory_space<vmem>> -> memref<40x4096xf32, #tpu.memory_space<vmem>>
    tpu.enqueue_dma source(%dma_start3A_588 : memref<40x4096xf32, #tpu.memory_space<vmem>>) target(%dma_start3A_584 : memref<40x4096xf32, #tpu.memory_space<any>>) target_semaphore(%arg6 : memref<!tpu.dma_semaphore, #tpu.memory_space<semaphore_mem>>)
    %get3A_589 = arith.constant 1 : index
    %get3A_590 = arith.constant 1 : index
    %get3A_591 = memref.load %arg0[%get3A_589, %get3A_590] : memref<4x128xi32, #tpu.memory_space<smem>>
    %add3A_592 = arith.constant 1 : i32
    %add3A_593 = arith.addi %get3A_591, %add3A_592 : i32
    %jit3A_594 = arith.constant 8 : i32
    %div3A_595 = arith.divsi %add3A_593, %jit3A_594 : i32
    %sign3A_596 = arith.constant 0 : i32
    %sign3A_597 = arith.cmpi sgt, %add3A_593, %sign3A_596 : i32
    %sign3A_598 = arith.extui %sign3A_597 : i1 to i32
    %sign3A_599 = arith.constant 0 : i32
    %sign3A_600 = arith.cmpi slt, %add3A_593, %sign3A_599 : i32
    %sign3A_601 = arith.extui %sign3A_600 : i1 to i32
    %sign3A_602 = arith.subi %sign3A_598, %sign3A_601 : i32
    %sign3A_603 = arith.constant 0 : i32
    %sign3A_604 = arith.cmpi sgt, %jit3A_594, %sign3A_603 : i32
    %sign3A_605 = arith.extui %sign3A_604 : i1 to i32
    %sign3A_606 = arith.constant 0 : i32
    %sign3A_607 = arith.cmpi slt, %jit3A_594, %sign3A_606 : i32
    %sign3A_608 = arith.extui %sign3A_607 : i1 to i32
    %sign3A_609 = arith.subi %sign3A_605, %sign3A_608 : i32
    %ne3A_610 = arith.cmpi ne, %sign3A_602, %sign3A_609 : i32
    %rem3A_611 = arith.remsi %add3A_593, %jit3A_594 : i32
    %ne3A_612 = arith.constant 0 : i32
    %ne3A_613 = arith.cmpi ne, %rem3A_611, %ne3A_612 : i32
    %and3A_614 = arith.andi %ne3A_610, %ne3A_613 : i1
    %sub3A_615 = arith.constant 1 : i32
    %sub3A_616 = arith.subi %div3A_595, %sub3A_615 : i32
    %select_n3A_617 = arith.select %and3A_614, %sub3A_616, %div3A_595 : i32
    %mul3A_618 = arith.constant 8 : i32
    %mul3A_619 = arith.muli %select_n3A_617, %mul3A_618 : i32
    %multiple_of3A_620 = tpu.assume_multiple %mul3A_619, 8 : i32
    %sub3A_621 = arith.subi %add3A_593, %multiple_of3A_620 : i32
    %ge3A_622 = vector.broadcast %sub3A_621 : i32 to vector<40x1xi32>
    %ge3A_623 = arith.cmpi sge, %iota3A, %ge3A_622 : vector<40x1xi32>
    %add3A_624 = arith.constant 32 : i32
    %add3A_625 = arith.addi %sub3A_621, %add3A_624 : i32
    %lt3A_626 = vector.broadcast %add3A_625 : i32 to vector<40x1xi32>
    %lt3A_627 = arith.cmpi slt, %iota3A, %lt3A_626 : vector<40x1xi32>
    %and3A_628 = arith.andi %ge3A_623, %lt3A_627 : vector<40x1xi1>
    %get3A_629 = arith.constant 1 : index
    %get3A_630 = arith.constant 1 : index
    %get3A_631 = arith.constant 0 : index
    %get3A_632 = arith.constant 0 : index
    %get3A_633 = vector.load %arg1[%get3A_629, %get3A_630, %get3A_631, %get3A_632] : memref<4x2x40x4096xf32, #tpu.memory_space<vmem>>, vector<1x1x40x4096xf32>
    %get3A_634 = vector.shape_cast %get3A_633 : vector<1x1x40x4096xf32> to vector<40x4096xf32>
    %get3A_635 = arith.constant 3 : index
    %get3A_636 = arith.constant 0 : index
    %get3A_637 = arith.constant 0 : index
    %get3A_638 = vector.load %arg4[%get3A_635, %get3A_636, %get3A_637] : memref<8x40x4096xf32, #tpu.memory_space<vmem>>, vector<1x40x4096xf32>
    %get3A_639 = vector.shape_cast %get3A_638 : vector<1x40x4096xf32> to vector<40x4096xf32>
    %broadcast_in_dim3A_640 = vector.shape_cast %and3A_628 : vector<40x1xi1> to vector<40x1xi1>
    %broadcast_in_dim3A_641 = vector.broadcast %broadcast_in_dim3A_640 : vector<40x1xi1> to vector<40x4096xi1>
    %select_n3A_642 = arith.select %broadcast_in_dim3A_641, %get3A_634, %get3A_639 : vector<40x4096xi1>, vector<40x4096xf32>
    %swap3A_643 = arith.constant 3 : index
    %swap3A_644 = arith.constant 0 : index
    %swap3A_645 = arith.constant 0 : index
    %swap3A_646 = vector.load %arg4[%swap3A_643, %swap3A_644, %swap3A_645] : memref<8x40x4096xf32, #tpu.memory_space<vmem>>, vector<1x40x4096xf32>
    %swap3A_647 = vector.shape_cast %swap3A_646 : vector<1x40x4096xf32> to vector<40x4096xf32>
    %swap3A_648 = vector.shape_cast %select_n3A_642 : vector<40x4096xf32> to vector<1x40x4096xf32>
    tpu.vector_store %arg4[%swap3A_643, %swap3A_644, %swap3A_645], %swap3A_648 {strides = array<i32>} : memref<8x40x4096xf32, #tpu.memory_space<vmem>>, vector<1x40x4096xf32>,
    %dma_start3A_649 = arith.constant 3 : i32
    %dma_start3A_650 = arith.constant 1 : i32
    %dma_start3A_651 = arith.constant 0 : i32
    %dma_start3A_652 = tpu.memref_slice %arg3[%dma_start3A_650, %multiple_of3A_620, %dma_start3A_651] : memref<4x2048x4096xf32, #tpu.memory_space<any>> -> memref<1x40x4096xf32, #tpu.memory_space<any>>
    %dma_start3A_653 = tpu.memref_squeeze %dma_start3A_652 : memref<1x40x4096xf32, #tpu.memory_space<any>> -> memref<40x4096xf32, #tpu.memory_space<any>>
    %dma_start3A_654 = arith.constant 0 : i32
    %dma_start3A_655 = arith.constant 0 : i32
    %dma_start3A_656 = tpu.memref_slice %arg4[%dma_start3A_649, %dma_start3A_654, %dma_start3A_655] : memref<8x40x4096xf32, #tpu.memory_space<vmem>> -> memref<1x40x4096xf32, #tpu.memory_space<vmem>>
    %dma_start3A_657 = tpu.memref_squeeze %dma_start3A_656 : memref<1x40x4096xf32, #tpu.memory_space<vmem>> -> memref<40x4096xf32, #tpu.memory_space<vmem>>
    tpu.enqueue_dma source(%dma_start3A_657 : memref<40x4096xf32, #tpu.memory_space<vmem>>) target(%dma_start3A_653 : memref<40x4096xf32, #tpu.memory_space<any>>) target_semaphore(%arg6 : memref<!tpu.dma_semaphore, #tpu.memory_space<semaphore_mem>>)
    %get3A_658 = arith.constant 2 : index
    %get3A_659 = arith.constant 0 : index
    %get3A_660 = memref.load %arg0[%get3A_658, %get3A_659] : memref<4x128xi32, #tpu.memory_space<smem>>
    %add3A_661 = arith.constant 1 : i32
    %add3A_662 = arith.addi %get3A_660, %add3A_661 : i32
    %jit3A_663 = arith.constant 8 : i32
    %div3A_664 = arith.divsi %add3A_662, %jit3A_663 : i32
    %sign3A_665 = arith.constant 0 : i32
    %sign3A_666 = arith.cmpi sgt, %add3A_662, %sign3A_665 : i32
    %sign3A_667 = arith.extui %sign3A_666 : i1 to i32
    %sign3A_668 = arith.constant 0 : i32
    %sign3A_669 = arith.cmpi slt, %add3A_662, %sign3A_668 : i32
    %sign3A_670 = arith.extui %sign3A_669 : i1 to i32
    %sign3A_671 = arith.subi %sign3A_667, %sign3A_670 : i32
    %sign3A_672 = arith.constant 0 : i32
    %sign3A_673 = arith.cmpi sgt, %jit3A_663, %sign3A_672 : i32
    %sign3A_674 = arith.extui %sign3A_673 : i1 to i32
    %sign3A_675 = arith.constant 0 : i32
    %sign3A_676 = arith.cmpi slt, %jit3A_663, %sign3A_675 : i32
    %sign3A_677 = arith.extui %sign3A_676 : i1 to i32
    %sign3A_678 = arith.subi %sign3A_674, %sign3A_677 : i32
    %ne3A_679 = arith.cmpi ne, %sign3A_671, %sign3A_678 : i32
    %rem3A_680 = arith.remsi %add3A_662, %jit3A_663 : i32
    %ne3A_681 = arith.constant 0 : i32
    %ne3A_682 = arith.cmpi ne, %rem3A_680, %ne3A_681 : i32
    %and3A_683 = arith.andi %ne3A_679, %ne3A_682 : i1
    %sub3A_684 = arith.constant 1 : i32
    %sub3A_685 = arith.subi %div3A_664, %sub3A_684 : i32
    %select_n3A_686 = arith.select %and3A_683, %sub3A_685, %div3A_664 : i32
    %mul3A_687 = arith.constant 8 : i32
    %mul3A_688 = arith.muli %select_n3A_686, %mul3A_687 : i32
    %multiple_of3A_689 = tpu.assume_multiple %mul3A_688, 8 : i32
    %sub3A_690 = arith.subi %add3A_662, %multiple_of3A_689 : i32
    %ge3A_691 = vector.broadcast %sub3A_690 : i32 to vector<40x1xi32>
    %ge3A_692 = arith.cmpi sge, %iota3A, %ge3A_691 : vector<40x1xi32>
    %add3A_693 = arith.constant 32 : i32
    %add3A_694 = arith.addi %sub3A_690, %add3A_693 : i32
    %lt3A_695 = vector.broadcast %add3A_694 : i32 to vector<40x1xi32>
    %lt3A_696 = arith.cmpi slt, %iota3A, %lt3A_695 : vector<40x1xi32>
    %and3A_697 = arith.andi %ge3A_692, %lt3A_696 : vector<40x1xi1>
    %get3A_698 = arith.constant 2 : index
    %get3A_699 = arith.constant 0 : index
    %get3A_700 = arith.constant 0 : index
    %get3A_701 = arith.constant 0 : index
    %get3A_702 = vector.load %arg1[%get3A_698, %get3A_699, %get3A_700, %get3A_701] : memref<4x2x40x4096xf32, #tpu.memory_space<vmem>>, vector<1x1x40x4096xf32>
    %get3A_703 = vector.shape_cast %get3A_702 : vector<1x1x40x4096xf32> to vector<40x4096xf32>
    %get3A_704 = arith.constant 4 : index
    %get3A_705 = arith.constant 0 : index
    %get3A_706 = arith.constant 0 : index
    %get3A_707 = vector.load %arg4[%get3A_704, %get3A_705, %get3A_706] : memref<8x40x4096xf32, #tpu.memory_space<vmem>>, vector<1x40x4096xf32>
    %get3A_708 = vector.shape_cast %get3A_707 : vector<1x40x4096xf32> to vector<40x4096xf32>
    %broadcast_in_dim3A_709 = vector.shape_cast %and3A_697 : vector<40x1xi1> to vector<40x1xi1>
    %broadcast_in_dim3A_710 = vector.broadcast %broadcast_in_dim3A_709 : vector<40x1xi1> to vector<40x4096xi1>
    %select_n3A_711 = arith.select %broadcast_in_dim3A_710, %get3A_703, %get3A_708 : vector<40x4096xi1>, vector<40x4096xf32>
    %swap3A_712 = arith.constant 4 : index
    %swap3A_713 = arith.constant 0 : index
    %swap3A_714 = arith.constant 0 : index
    %swap3A_715 = vector.load %arg4[%swap3A_712, %swap3A_713, %swap3A_714] : memref<8x40x4096xf32, #tpu.memory_space<vmem>>, vector<1x40x4096xf32>
    %swap3A_716 = vector.shape_cast %swap3A_715 : vector<1x40x4096xf32> to vector<40x4096xf32>
    %swap3A_717 = vector.shape_cast %select_n3A_711 : vector<40x4096xf32> to vector<1x40x4096xf32>
    tpu.vector_store %arg4[%swap3A_712, %swap3A_713, %swap3A_714], %swap3A_717 {strides = array<i32>} : memref<8x40x4096xf32, #tpu.memory_space<vmem>>, vector<1x40x4096xf32>,
    %dma_start3A_718 = arith.constant 4 : i32
    %dma_start3A_719 = arith.constant 2 : i32
    %dma_start3A_720 = arith.constant 0 : i32
    %dma_start3A_721 = tpu.memref_slice %arg3[%dma_start3A_719, %multiple_of3A_689, %dma_start3A_720] : memref<4x2048x4096xf32, #tpu.memory_space<any>> -> memref<1x40x4096xf32, #tpu.memory_space<any>>
    %dma_start3A_722 = tpu.memref_squeeze %dma_start3A_721 : memref<1x40x4096xf32, #tpu.memory_space<any>> -> memref<40x4096xf32, #tpu.memory_space<any>>
    %dma_start3A_723 = arith.constant 0 : i32
    %dma_start3A_724 = arith.constant 0 : i32
    %dma_start3A_725 = tpu.memref_slice %arg4[%dma_start3A_718, %dma_start3A_723, %dma_start3A_724] : memref<8x40x4096xf32, #tpu.memory_space<vmem>> -> memref<1x40x4096xf32, #tpu.memory_space<vmem>>
    %dma_start3A_726 = tpu.memref_squeeze %dma_start3A_725 : memref<1x40x4096xf32, #tpu.memory_space<vmem>> -> memref<40x4096xf32, #tpu.memory_space<vmem>>
    tpu.enqueue_dma source(%dma_start3A_726 : memref<40x4096xf32, #tpu.memory_space<vmem>>) target(%dma_start3A_722 : memref<40x4096xf32, #tpu.memory_space<any>>) target_semaphore(%arg6 : memref<!tpu.dma_semaphore, #tpu.memory_space<semaphore_mem>>)
    %get3A_727 = arith.constant 2 : index
    %get3A_728 = arith.constant 1 : index
    %get3A_729 = memref.load %arg0[%get3A_727, %get3A_728] : memref<4x128xi32, #tpu.memory_space<smem>>
    %add3A_730 = arith.constant 1 : i32
    %add3A_731 = arith.addi %get3A_729, %add3A_730 : i32
    %jit3A_732 = arith.constant 8 : i32
    %div3A_733 = arith.divsi %add3A_731, %jit3A_732 : i32
    %sign3A_734 = arith.constant 0 : i32
    %sign3A_735 = arith.cmpi sgt, %add3A_731, %sign3A_734 : i32
    %sign3A_736 = arith.extui %sign3A_735 : i1 to i32
    %sign3A_737 = arith.constant 0 : i32
    %sign3A_738 = arith.cmpi slt, %add3A_731, %sign3A_737 : i32
    %sign3A_739 = arith.extui %sign3A_738 : i1 to i32
    %sign3A_740 = arith.subi %sign3A_736, %sign3A_739 : i32
    %sign3A_741 = arith.constant 0 : i32
    %sign3A_742 = arith.cmpi sgt, %jit3A_732, %sign3A_741 : i32
    %sign3A_743 = arith.extui %sign3A_742 : i1 to i32
    %sign3A_744 = arith.constant 0 : i32
    %sign3A_745 = arith.cmpi slt, %jit3A_732, %sign3A_744 : i32
    %sign3A_746 = arith.extui %sign3A_745 : i1 to i32
    %sign3A_747 = arith.subi %sign3A_743, %sign3A_746 : i32
    %ne3A_748 = arith.cmpi ne, %sign3A_740, %sign3A_747 : i32
    %rem3A_749 = arith.remsi %add3A_731, %jit3A_732 : i32
    %ne3A_750 = arith.constant 0 : i32
    %ne3A_751 = arith.cmpi ne, %rem3A_749, %ne3A_750 : i32
    %and3A_752 = arith.andi %ne3A_748, %ne3A_751 : i1
    %sub3A_753 = arith.constant 1 : i32
    %sub3A_754 = arith.subi %div3A_733, %sub3A_753 : i32
    %select_n3A_755 = arith.select %and3A_752, %sub3A_754, %div3A_733 : i32
    %mul3A_756 = arith.constant 8 : i32
    %mul3A_757 = arith.muli %select_n3A_755, %mul3A_756 : i32
    %multiple_of3A_758 = tpu.assume_multiple %mul3A_757, 8 : i32
    %sub3A_759 = arith.subi %add3A_731, %multiple_of3A_758 : i32
    %ge3A_760 = vector.broadcast %sub3A_759 : i32 to vector<40x1xi32>
    %ge3A_761 = arith.cmpi sge, %iota3A, %ge3A_760 : vector<40x1xi32>
    %add3A_762 = arith.constant 32 : i32
    %add3A_763 = arith.addi %sub3A_759, %add3A_762 : i32
    %lt3A_764 = vector.broadcast %add3A_763 : i32 to vector<40x1xi32>
    %lt3A_765 = arith.cmpi slt, %iota3A, %lt3A_764 : vector<40x1xi32>
    %and3A_766 = arith.andi %ge3A_761, %lt3A_765 : vector<40x1xi1>
    %get3A_767 = arith.constant 2 : index
    %get3A_768 = arith.constant 1 : index
    %get3A_769 = arith.constant 0 : index
    %get3A_770 = arith.constant 0 : index
    %get3A_771 = vector.load %arg1[%get3A_767, %get3A_768, %get3A_769, %get3A_770] : memref<4x2x40x4096xf32, #tpu.memory_space<vmem>>, vector<1x1x40x4096xf32>
    %get3A_772 = vector.shape_cast %get3A_771 : vector<1x1x40x4096xf32> to vector<40x4096xf32>
    %get3A_773 = arith.constant 5 : index
    %get3A_774 = arith.constant 0 : index
    %get3A_775 = arith.constant 0 : index
    %get3A_776 = vector.load %arg4[%get3A_773, %get3A_774, %get3A_775] : memref<8x40x4096xf32, #tpu.memory_space<vmem>>, vector<1x40x4096xf32>
    %get3A_777 = vector.shape_cast %get3A_776 : vector<1x40x4096xf32> to vector<40x4096xf32>
    %broadcast_in_dim3A_778 = vector.shape_cast %and3A_766 : vector<40x1xi1> to vector<40x1xi1>
    %broadcast_in_dim3A_779 = vector.broadcast %broadcast_in_dim3A_778 : vector<40x1xi1> to vector<40x4096xi1>
    %select_n3A_780 = arith.select %broadcast_in_dim3A_779, %get3A_772, %get3A_777 : vector<40x4096xi1>, vector<40x4096xf32>
    %swap3A_781 = arith.constant 5 : index
    %swap3A_782 = arith.constant 0 : index
    %swap3A_783 = arith.constant 0 : index
    %swap3A_784 = vector.load %arg4[%swap3A_781, %swap3A_782, %swap3A_783] : memref<8x40x4096xf32, #tpu.memory_space<vmem>>, vector<1x40x4096xf32>
    %swap3A_785 = vector.shape_cast %swap3A_784 : vector<1x40x4096xf32> to vector<40x4096xf32>
    %swap3A_786 = vector.shape_cast %select_n3A_780 : vector<40x4096xf32> to vector<1x40x4096xf32>
    tpu.vector_store %arg4[%swap3A_781, %swap3A_782, %swap3A_783], %swap3A_786 {strides = array<i32>} : memref<8x40x4096xf32, #tpu.memory_space<vmem>>, vector<1x40x4096xf32>,
    %dma_start3A_787 = arith.constant 5 : i32
    %dma_start3A_788 = arith.constant 2 : i32
    %dma_start3A_789 = arith.constant 0 : i32
    %dma_start3A_790 = tpu.memref_slice %arg3[%dma_start3A_788, %multiple_of3A_758, %dma_start3A_789] : memref<4x2048x4096xf32, #tpu.memory_space<any>> -> memref<1x40x4096xf32, #tpu.memory_space<any>>
    %dma_start3A_791 = tpu.memref_squeeze %dma_start3A_790 : memref<1x40x4096xf32, #tpu.memory_space<any>> -> memref<40x4096xf32, #tpu.memory_space<any>>
    %dma_start3A_792 = arith.constant 0 : i32
    %dma_start3A_793 = arith.constant 0 : i32
    %dma_start3A_794 = tpu.memref_slice %arg4[%dma_start3A_787, %dma_start3A_792, %dma_start3A_793] : memref<8x40x4096xf32, #tpu.memory_space<vmem>> -> memref<1x40x4096xf32, #tpu.memory_space<vmem>>
    %dma_start3A_795 = tpu.memref_squeeze %dma_start3A_794 : memref<1x40x4096xf32, #tpu.memory_space<vmem>> -> memref<40x4096xf32, #tpu.memory_space<vmem>>
    tpu.enqueue_dma source(%dma_start3A_795 : memref<40x4096xf32, #tpu.memory_space<vmem>>) target(%dma_start3A_791 : memref<40x4096xf32, #tpu.memory_space<any>>) target_semaphore(%arg6 : memref<!tpu.dma_semaphore, #tpu.memory_space<semaphore_mem>>)
    %get3A_796 = arith.constant 3 : index
    %get3A_797 = arith.constant 0 : index
    %get3A_798 = memref.load %arg0[%get3A_796, %get3A_797] : memref<4x128xi32, #tpu.memory_space<smem>>
    %add3A_799 = arith.constant 1 : i32
    %add3A_800 = arith.addi %get3A_798, %add3A_799 : i32
    %jit3A_801 = arith.constant 8 : i32
    %div3A_802 = arith.divsi %add3A_800, %jit3A_801 : i32
    %sign3A_803 = arith.constant 0 : i32
    %sign3A_804 = arith.cmpi sgt, %add3A_800, %sign3A_803 : i32
    %sign3A_805 = arith.extui %sign3A_804 : i1 to i32
    %sign3A_806 = arith.constant 0 : i32
    %sign3A_807 = arith.cmpi slt, %add3A_800, %sign3A_806 : i32
    %sign3A_808 = arith.extui %sign3A_807 : i1 to i32
    %sign3A_809 = arith.subi %sign3A_805, %sign3A_808 : i32
    %sign3A_810 = arith.constant 0 : i32
    %sign3A_811 = arith.cmpi sgt, %jit3A_801, %sign3A_810 : i32
    %sign3A_812 = arith.extui %sign3A_811 : i1 to i32
    %sign3A_813 = arith.constant 0 : i32
    %sign3A_814 = arith.cmpi slt, %jit3A_801, %sign3A_813 : i32
    %sign3A_815 = arith.extui %sign3A_814 : i1 to i32
    %sign3A_816 = arith.subi %sign3A_812, %sign3A_815 : i32
    %ne3A_817 = arith.cmpi ne, %sign3A_809, %sign3A_816 : i32
    %rem3A_818 = arith.remsi %add3A_800, %jit3A_801 : i32
    %ne3A_819 = arith.constant 0 : i32
    %ne3A_820 = arith.cmpi ne, %rem3A_818, %ne3A_819 : i32
    %and3A_821 = arith.andi %ne3A_817, %ne3A_820 : i1
    %sub3A_822 = arith.constant 1 : i32
    %sub3A_823 = arith.subi %div3A_802, %sub3A_822 : i32
    %select_n3A_824 = arith.select %and3A_821, %sub3A_823, %div3A_802 : i32
    %mul3A_825 = arith.constant 8 : i32
    %mul3A_826 = arith.muli %select_n3A_824, %mul3A_825 : i32
    %multiple_of3A_827 = tpu.assume_multiple %mul3A_826, 8 : i32
    %sub3A_828 = arith.subi %add3A_800, %multiple_of3A_827 : i32
    %ge3A_829 = vector.broadcast %sub3A_828 : i32 to vector<40x1xi32>
    %ge3A_830 = arith.cmpi sge, %iota3A, %ge3A_829 : vector<40x1xi32>
    %add3A_831 = arith.constant 32 : i32
    %add3A_832 = arith.addi %sub3A_828, %add3A_831 : i32
    %lt3A_833 = vector.broadcast %add3A_832 : i32 to vector<40x1xi32>
    %lt3A_834 = arith.cmpi slt, %iota3A, %lt3A_833 : vector<40x1xi32>
    %and3A_835 = arith.andi %ge3A_830, %lt3A_834 : vector<40x1xi1>
    %get3A_836 = arith.constant 3 : index
    %get3A_837 = arith.constant 0 : index
    %get3A_838 = arith.constant 0 : index
    %get3A_839 = arith.constant 0 : index
    %get3A_840 = vector.load %arg1[%get3A_836, %get3A_837, %get3A_838, %get3A_839] : memref<4x2x40x4096xf32, #tpu.memory_space<vmem>>, vector<1x1x40x4096xf32>
    %get3A_841 = vector.shape_cast %get3A_840 : vector<1x1x40x4096xf32> to vector<40x4096xf32>
    %get3A_842 = arith.constant 6 : index
    %get3A_843 = arith.constant 0 : index
    %get3A_844 = arith.constant 0 : index
    %get3A_845 = vector.load %arg4[%get3A_842, %get3A_843, %get3A_844] : memref<8x40x4096xf32, #tpu.memory_space<vmem>>, vector<1x40x4096xf32>
    %get3A_846 = vector.shape_cast %get3A_845 : vector<1x40x4096xf32> to vector<40x4096xf32>
    %broadcast_in_dim3A_847 = vector.shape_cast %and3A_835 : vector<40x1xi1> to vector<40x1xi1>
    %broadcast_in_dim3A_848 = vector.broadcast %broadcast_in_dim3A_847 : vector<40x1xi1> to vector<40x4096xi1>
    %select_n3A_849 = arith.select %broadcast_in_dim3A_848, %get3A_841, %get3A_846 : vector<40x4096xi1>, vector<40x4096xf32>
    %swap3A_850 = arith.constant 6 : index
    %swap3A_851 = arith.constant 0 : index
    %swap3A_852 = arith.constant 0 : index
    %swap3A_853 = vector.load %arg4[%swap3A_850, %swap3A_851, %swap3A_852] : memref<8x40x4096xf32, #tpu.memory_space<vmem>>, vector<1x40x4096xf32>
    %swap3A_854 = vector.shape_cast %swap3A_853 : vector<1x40x4096xf32> to vector<40x4096xf32>
    %swap3A_855 = vector.shape_cast %select_n3A_849 : vector<40x4096xf32> to vector<1x40x4096xf32>
    tpu.vector_store %arg4[%swap3A_850, %swap3A_851, %swap3A_852], %swap3A_855 {strides = array<i32>} : memref<8x40x4096xf32, #tpu.memory_space<vmem>>, vector<1x40x4096xf32>,
    %dma_start3A_856 = arith.constant 6 : i32
    %dma_start3A_857 = arith.constant 3 : i32
    %dma_start3A_858 = arith.constant 0 : i32
    %dma_start3A_859 = tpu.memref_slice %arg3[%dma_start3A_857, %multiple_of3A_827, %dma_start3A_858] : memref<4x2048x4096xf32, #tpu.memory_space<any>> -> memref<1x40x4096xf32, #tpu.memory_space<any>>
    %dma_start3A_860 = tpu.memref_squeeze %dma_start3A_859 : memref<1x40x4096xf32, #tpu.memory_space<any>> -> memref<40x4096xf32, #tpu.memory_space<any>>
    %dma_start3A_861 = arith.constant 0 : i32
    %dma_start3A_862 = arith.constant 0 : i32
    %dma_start3A_863 = tpu.memref_slice %arg4[%dma_start3A_856, %dma_start3A_861, %dma_start3A_862] : memref<8x40x4096xf32, #tpu.memory_space<vmem>> -> memref<1x40x4096xf32, #tpu.memory_space<vmem>>
    %dma_start3A_864 = tpu.memref_squeeze %dma_start3A_863 : memref<1x40x4096xf32, #tpu.memory_space<vmem>> -> memref<40x4096xf32, #tpu.memory_space<vmem>>
    tpu.enqueue_dma source(%dma_start3A_864 : memref<40x4096xf32, #tpu.memory_space<vmem>>) target(%dma_start3A_860 : memref<40x4096xf32, #tpu.memory_space<any>>) target_semaphore(%arg6 : memref<!tpu.dma_semaphore, #tpu.memory_space<semaphore_mem>>)
    %get3A_865 = arith.constant 3 : index
    %get3A_866 = arith.constant 1 : index
    %get3A_867 = memref.load %arg0[%get3A_865, %get3A_866] : memref<4x128xi32, #tpu.memory_space<smem>>
    %add3A_868 = arith.constant 1 : i32
    %add3A_869 = arith.addi %get3A_867, %add3A_868 : i32
    %jit3A_870 = arith.constant 8 : i32
    %div3A_871 = arith.divsi %add3A_869, %jit3A_870 : i32
    %sign3A_872 = arith.constant 0 : i32
    %sign3A_873 = arith.cmpi sgt, %add3A_869, %sign3A_872 : i32
    %sign3A_874 = arith.extui %sign3A_873 : i1 to i32
    %sign3A_875 = arith.constant 0 : i32
    %sign3A_876 = arith.cmpi slt, %add3A_869, %sign3A_875 : i32
    %sign3A_877 = arith.extui %sign3A_876 : i1 to i32
    %sign3A_878 = arith.subi %sign3A_874, %sign3A_877 : i32
    %sign3A_879 = arith.constant 0 : i32
    %sign3A_880 = arith.cmpi sgt, %jit3A_870, %sign3A_879 : i32
    %sign3A_881 = arith.extui %sign3A_880 : i1 to i32
    %sign3A_882 = arith.constant 0 : i32
    %sign3A_883 = arith.cmpi slt, %jit3A_870, %sign3A_882 : i32
    %sign3A_884 = arith.extui %sign3A_883 : i1 to i32
    %sign3A_885 = arith.subi %sign3A_881, %sign3A_884 : i32
    %ne3A_886 = arith.cmpi ne, %sign3A_878, %sign3A_885 : i32
    %rem3A_887 = arith.remsi %add3A_869, %jit3A_870 : i32
    %ne3A_888 = arith.constant 0 : i32
    %ne3A_889 = arith.cmpi ne, %rem3A_887, %ne3A_888 : i32
    %and3A_890 = arith.andi %ne3A_886, %ne3A_889 : i1
    %sub3A_891 = arith.constant 1 : i32
    %sub3A_892 = arith.subi %div3A_871, %sub3A_891 : i32
    %select_n3A_893 = arith.select %and3A_890, %sub3A_892, %div3A_871 : i32
    %mul3A_894 = arith.constant 8 : i32
    %mul3A_895 = arith.muli %select_n3A_893, %mul3A_894 : i32
    %multiple_of3A_896 = tpu.assume_multiple %mul3A_895, 8 : i32
    %sub3A_897 = arith.subi %add3A_869, %multiple_of3A_896 : i32
    %ge3A_898 = vector.broadcast %sub3A_897 : i32 to vector<40x1xi32>
    %ge3A_899 = arith.cmpi sge, %iota3A, %ge3A_898 : vector<40x1xi32>
    %add3A_900 = arith.constant 32 : i32
    %add3A_901 = arith.addi %sub3A_897, %add3A_900 : i32
    %lt3A_902 = vector.broadcast %add3A_901 : i32 to vector<40x1xi32>
    %lt3A_903 = arith.cmpi slt, %iota3A, %lt3A_902 : vector<40x1xi32>
    %and3A_904 = arith.andi %ge3A_899, %lt3A_903 : vector<40x1xi1>
    %get3A_905 = arith.constant 3 : index
    %get3A_906 = arith.constant 1 : index
    %get3A_907 = arith.constant 0 : index
    %get3A_908 = arith.constant 0 : index
    %get3A_909 = vector.load %arg1[%get3A_905, %get3A_906, %get3A_907, %get3A_908] : memref<4x2x40x4096xf32, #tpu.memory_space<vmem>>, vector<1x1x40x4096xf32>
    %get3A_910 = vector.shape_cast %get3A_909 : vector<1x1x40x4096xf32> to vector<40x4096xf32>
    %get3A_911 = arith.constant 7 : index
    %get3A_912 = arith.constant 0 : index
    %get3A_913 = arith.constant 0 : index
    %get3A_914 = vector.load %arg4[%get3A_911, %get3A_912, %get3A_913] : memref<8x40x4096xf32, #tpu.memory_space<vmem>>, vector<1x40x4096xf32>
    %get3A_915 = vector.shape_cast %get3A_914 : vector<1x40x4096xf32> to vector<40x4096xf32>
    %broadcast_in_dim3A_916 = vector.shape_cast %and3A_904 : vector<40x1xi1> to vector<40x1xi1>
    %broadcast_in_dim3A_917 = vector.broadcast %broadcast_in_dim3A_916 : vector<40x1xi1> to vector<40x4096xi1>
    %select_n3A_918 = arith.select %broadcast_in_dim3A_917, %get3A_910, %get3A_915 : vector<40x4096xi1>, vector<40x4096xf32>
    %swap3A_919 = arith.constant 7 : index
    %swap3A_920 = arith.constant 0 : index
    %swap3A_921 = arith.constant 0 : index
    %swap3A_922 = vector.load %arg4[%swap3A_919, %swap3A_920, %swap3A_921] : memref<8x40x4096xf32, #tpu.memory_space<vmem>>, vector<1x40x4096xf32>
    %swap3A_923 = vector.shape_cast %swap3A_922 : vector<1x40x4096xf32> to vector<40x4096xf32>
    %swap3A_924 = vector.shape_cast %select_n3A_918 : vector<40x4096xf32> to vector<1x40x4096xf32>
    tpu.vector_store %arg4[%swap3A_919, %swap3A_920, %swap3A_921], %swap3A_924 {strides = array<i32>} : memref<8x40x4096xf32, #tpu.memory_space<vmem>>, vector<1x40x4096xf32>,
    %dma_start3A_925 = arith.constant 7 : i32
    %dma_start3A_926 = arith.constant 3 : i32
    %dma_start3A_927 = arith.constant 0 : i32
    %dma_start3A_928 = tpu.memref_slice %arg3[%dma_start3A_926, %multiple_of3A_896, %dma_start3A_927] : memref<4x2048x4096xf32, #tpu.memory_space<any>> -> memref<1x40x4096xf32, #tpu.memory_space<any>>
    %dma_start3A_929 = tpu.memref_squeeze %dma_start3A_928 : memref<1x40x4096xf32, #tpu.memory_space<any>> -> memref<40x4096xf32, #tpu.memory_space<any>>
    %dma_start3A_930 = arith.constant 0 : i32
    %dma_start3A_931 = arith.constant 0 : i32
    %dma_start3A_932 = tpu.memref_slice %arg4[%dma_start3A_925, %dma_start3A_930, %dma_start3A_931] : memref<8x40x4096xf32, #tpu.memory_space<vmem>> -> memref<1x40x4096xf32, #tpu.memory_space<vmem>>
    %dma_start3A_933 = tpu.memref_squeeze %dma_start3A_932 : memref<1x40x4096xf32, #tpu.memory_space<vmem>> -> memref<40x4096xf32, #tpu.memory_space<vmem>>
    tpu.enqueue_dma source(%dma_start3A_933 : memref<40x4096xf32, #tpu.memory_space<vmem>>) target(%dma_start3A_929 : memref<40x4096xf32, #tpu.memory_space<any>>) target_semaphore(%arg6 : memref<!tpu.dma_semaphore, #tpu.memory_space<semaphore_mem>>)
    %dma_wait3A_934 = arith.constant 0 : i32
    %dma_wait3A_935 = arith.constant 0 : i32
    %dma_wait3A_936 = arith.constant 0 : i32
    %dma_wait3A_937 = tpu.memref_slice %arg3[%dma_wait3A_935, %multiple_of3A_417, %dma_wait3A_936] : memref<4x2048x4096xf32, #tpu.memory_space<any>> -> memref<1x40x4096xf32, #tpu.memory_space<any>>
    %dma_wait3A_938 = tpu.memref_squeeze %dma_wait3A_937 : memref<1x40x4096xf32, #tpu.memory_space<any>> -> memref<40x4096xf32, #tpu.memory_space<any>>
    %dma_wait3A_939 = arith.constant 0 : i32
    %dma_wait3A_940 = arith.constant 0 : i32
    %dma_wait3A_941 = tpu.memref_slice %arg4[%dma_wait3A_934, %dma_wait3A_939, %dma_wait3A_940] : memref<8x40x4096xf32, #tpu.memory_space<vmem>> -> memref<1x40x4096xf32, #tpu.memory_space<vmem>>
    %dma_wait3A_942 = tpu.memref_squeeze %dma_wait3A_941 : memref<1x40x4096xf32, #tpu.memory_space<vmem>> -> memref<40x4096xf32, #tpu.memory_space<vmem>>
    tpu.wait_dma2 semaphore(%arg6 : memref<!tpu.dma_semaphore, #tpu.memory_space<semaphore_mem>>) src(%dma_wait3A_942 : memref<40x4096xf32, #tpu.memory_space<vmem>>) dst(%dma_wait3A_938 : memref<40x4096xf32, #tpu.memory_space<any>>)
    %dma_wait3A_943 = arith.constant 1 : i32
    %dma_wait3A_944 = arith.constant 0 : i32
    %dma_wait3A_945 = arith.constant 0 : i32
    %dma_wait3A_946 = tpu.memref_slice %arg3[%dma_wait3A_944, %multiple_of3A_482, %dma_wait3A_945] : memref<4x2048x4096xf32, #tpu.memory_space<any>> -> memref<1x40x4096xf32, #tpu.memory_space<any>>
    %dma_wait3A_947 = tpu.memref_squeeze %dma_wait3A_946 : memref<1x40x4096xf32, #tpu.memory_space<any>> -> memref<40x4096xf32, #tpu.memory_space<any>>
    %dma_wait3A_948 = arith.constant 0 : i32
    %dma_wait3A_949 = arith.constant 0 : i32
    %dma_wait3A_950 = tpu.memref_slice %arg4[%dma_wait3A_943, %dma_wait3A_948, %dma_wait3A_949] : memref<8x40x4096xf32, #tpu.memory_space<vmem>> -> memref<1x40x4096xf32, #tpu.memory_space<vmem>>
    %dma_wait3A_951 = tpu.memref_squeeze %dma_wait3A_950 : memref<1x40x4096xf32, #tpu.memory_space<vmem>> -> memref<40x4096xf32, #tpu.memory_space<vmem>>
    tpu.wait_dma2 semaphore(%arg6 : memref<!tpu.dma_semaphore, #tpu.memory_space<semaphore_mem>>) src(%dma_wait3A_951 : memref<40x4096xf32, #tpu.memory_space<vmem>>) dst(%dma_wait3A_947 : memref<40x4096xf32, #tpu.memory_space<any>>)
    %dma_wait3A_952 = arith.constant 2 : i32
    %dma_wait3A_953 = arith.constant 1 : i32
    %dma_wait3A_954 = arith.constant 0 : i32
    %dma_wait3A_955 = tpu.memref_slice %arg3[%dma_wait3A_953, %multiple_of3A_551, %dma_wait3A_954] : memref<4x2048x4096xf32, #tpu.memory_space<any>> -> memref<1x40x4096xf32, #tpu.memory_space<any>>
    %dma_wait3A_956 = tpu.memref_squeeze %dma_wait3A_955 : memref<1x40x4096xf32, #tpu.memory_space<any>> -> memref<40x4096xf32, #tpu.memory_space<any>>
    %dma_wait3A_957 = arith.constant 0 : i32
    %dma_wait3A_958 = arith.constant 0 : i32
    %dma_wait3A_959 = tpu.memref_slice %arg4[%dma_wait3A_952, %dma_wait3A_957, %dma_wait3A_958] : memref<8x40x4096xf32, #tpu.memory_space<vmem>> -> memref<1x40x4096xf32, #tpu.memory_space<vmem>>
    %dma_wait3A_960 = tpu.memref_squeeze %dma_wait3A_959 : memref<1x40x4096xf32, #tpu.memory_space<vmem>> -> memref<40x4096xf32, #tpu.memory_space<vmem>>
    tpu.wait_dma2 semaphore(%arg6 : memref<!tpu.dma_semaphore, #tpu.memory_space<semaphore_mem>>) src(%dma_wait3A_960 : memref<40x4096xf32, #tpu.memory_space<vmem>>) dst(%dma_wait3A_956 : memref<40x4096xf32, #tpu.memory_space<any>>)
    %dma_wait3A_961 = arith.constant 3 : i32
    %dma_wait3A_962 = arith.constant 1 : i32
    %dma_wait3A_963 = arith.constant 0 : i32
    %dma_wait3A_964 = tpu.memref_slice %arg3[%dma_wait3A_962, %multiple_of3A_620, %dma_wait3A_963] : memref<4x2048x4096xf32, #tpu.memory_space<any>> -> memref<1x40x4096xf32, #tpu.memory_space<any>>
    %dma_wait3A_965 = tpu.memref_squeeze %dma_wait3A_964 : memref<1x40x4096xf32, #tpu.memory_space<any>> -> memref<40x4096xf32, #tpu.memory_space<any>>
    %dma_wait3A_966 = arith.constant 0 : i32
    %dma_wait3A_967 = arith.constant 0 : i32
    %dma_wait3A_968 = tpu.memref_slice %arg4[%dma_wait3A_961, %dma_wait3A_966, %dma_wait3A_967] : memref<8x40x4096xf32, #tpu.memory_space<vmem>> -> memref<1x40x4096xf32, #tpu.memory_space<vmem>>
    %dma_wait3A_969 = tpu.memref_squeeze %dma_wait3A_968 : memref<1x40x4096xf32, #tpu.memory_space<vmem>> -> memref<40x4096xf32, #tpu.memory_space<vmem>>
    tpu.wait_dma2 semaphore(%arg6 : memref<!tpu.dma_semaphore, #tpu.memory_space<semaphore_mem>>) src(%dma_wait3A_969 : memref<40x4096xf32, #tpu.memory_space<vmem>>) dst(%dma_wait3A_965 : memref<40x4096xf32, #tpu.memory_space<any>>)
    %dma_wait3A_970 = arith.constant 4 : i32
    %dma_wait3A_971 = arith.constant 2 : i32
    %dma_wait3A_972 = arith.constant 0 : i32
    %dma_wait3A_973 = tpu.memref_slice %arg3[%dma_wait3A_971, %multiple_of3A_689, %dma_wait3A_972] : memref<4x2048x4096xf32, #tpu.memory_space<any>> -> memref<1x40x4096xf32, #tpu.memory_space<any>>
    %dma_wait3A_974 = tpu.memref_squeeze %dma_wait3A_973 : memref<1x40x4096xf32, #tpu.memory_space<any>> -> memref<40x4096xf32, #tpu.memory_space<any>>
    %dma_wait3A_975 = arith.constant 0 : i32
    %dma_wait3A_976 = arith.constant 0 : i32
    %dma_wait3A_977 = tpu.memref_slice %arg4[%dma_wait3A_970, %dma_wait3A_975, %dma_wait3A_976] : memref<8x40x4096xf32, #tpu.memory_space<vmem>> -> memref<1x40x4096xf32, #tpu.memory_space<vmem>>
    %dma_wait3A_978 = tpu.memref_squeeze %dma_wait3A_977 : memref<1x40x4096xf32, #tpu.memory_space<vmem>> -> memref<40x4096xf32, #tpu.memory_space<vmem>>
    tpu.wait_dma2 semaphore(%arg6 : memref<!tpu.dma_semaphore, #tpu.memory_space<semaphore_mem>>) src(%dma_wait3A_978 : memref<40x4096xf32, #tpu.memory_space<vmem>>) dst(%dma_wait3A_974 : memref<40x4096xf32, #tpu.memory_space<any>>)
    %dma_wait3A_979 = arith.constant 5 : i32
    %dma_wait3A_980 = arith.constant 2 : i32
    %dma_wait3A_981 = arith.constant 0 : i32
    %dma_wait3A_982 = tpu.memref_slice %arg3[%dma_wait3A_980, %multiple_of3A_758, %dma_wait3A_981] : memref<4x2048x4096xf32, #tpu.memory_space<any>> -> memref<1x40x4096xf32, #tpu.memory_space<any>>
    %dma_wait3A_983 = tpu.memref_squeeze %dma_wait3A_982 : memref<1x40x4096xf32, #tpu.memory_space<any>> -> memref<40x4096xf32, #tpu.memory_space<any>>
    %dma_wait3A_984 = arith.constant 0 : i32
    %dma_wait3A_985 = arith.constant 0 : i32
    %dma_wait3A_986 = tpu.memref_slice %arg4[%dma_wait3A_979, %dma_wait3A_984, %dma_wait3A_985] : memref<8x40x4096xf32, #tpu.memory_space<vmem>> -> memref<1x40x4096xf32, #tpu.memory_space<vmem>>
    %dma_wait3A_987 = tpu.memref_squeeze %dma_wait3A_986 : memref<1x40x4096xf32, #tpu.memory_space<vmem>> -> memref<40x4096xf32, #tpu.memory_space<vmem>>
    tpu.wait_dma2 semaphore(%arg6 : memref<!tpu.dma_semaphore, #tpu.memory_space<semaphore_mem>>) src(%dma_wait3A_987 : memref<40x4096xf32, #tpu.memory_space<vmem>>) dst(%dma_wait3A_983 : memref<40x4096xf32, #tpu.memory_space<any>>)
    %dma_wait3A_988 = arith.constant 6 : i32
    %dma_wait3A_989 = arith.constant 3 : i32
    %dma_wait3A_990 = arith.constant 0 : i32
    %dma_wait3A_991 = tpu.memref_slice %arg3[%dma_wait3A_989, %multiple_of3A_827, %dma_wait3A_990] : memref<4x2048x4096xf32, #tpu.memory_space<any>> -> memref<1x40x4096xf32, #tpu.memory_space<any>>
    %dma_wait3A_992 = tpu.memref_squeeze %dma_wait3A_991 : memref<1x40x4096xf32, #tpu.memory_space<any>> -> memref<40x4096xf32, #tpu.memory_space<any>>
    %dma_wait3A_993 = arith.constant 0 : i32
    %dma_wait3A_994 = arith.constant 0 : i32
    %dma_wait3A_995 = tpu.memref_slice %arg4[%dma_wait3A_988, %dma_wait3A_993, %dma_wait3A_994] : memref<8x40x4096xf32, #tpu.memory_space<vmem>> -> memref<1x40x4096xf32, #tpu.memory_space<vmem>>
    %dma_wait3A_996 = tpu.memref_squeeze %dma_wait3A_995 : memref<1x40x4096xf32, #tpu.memory_space<vmem>> -> memref<40x4096xf32, #tpu.memory_space<vmem>>
    tpu.wait_dma2 semaphore(%arg6 : memref<!tpu.dma_semaphore, #tpu.memory_space<semaphore_mem>>) src(%dma_wait3A_996 : memref<40x4096xf32, #tpu.memory_space<vmem>>) dst(%dma_wait3A_992 : memref<40x4096xf32, #tpu.memory_space<any>>)
    %dma_wait3A_997 = arith.constant 7 : i32
    %dma_wait3A_998 = arith.constant 3 : i32
    %dma_wait3A_999 = arith.constant 0 : i32
    %dma_wait3A_1000 = tpu.memref_slice %arg3[%dma_wait3A_998, %multiple_of3A_896, %dma_wait3A_999] : memref<4x2048x4096xf32, #tpu.memory_space<any>> -> memref<1x40x4096xf32, #tpu.memory_space<any>>
    %dma_wait3A_1001 = tpu.memref_squeeze %dma_wait3A_1000 : memref<1x40x4096xf32, #tpu.memory_space<any>> -> memref<40x4096xf32, #tpu.memory_space<any>>
    %dma_wait3A_1002 = arith.constant 0 : i32
    %dma_wait3A_1003 = arith.constant 0 : i32
    %dma_wait3A_1004 = tpu.memref_slice %arg4[%dma_wait3A_997, %dma_wait3A_1002, %dma_wait3A_1003] : memref<8x40x4096xf32, #tpu.memory_space<vmem>> -> memref<1x40x4096xf32, #tpu.memory_space<vmem>>
    %dma_wait3A_1005 = tpu.memref_squeeze %dma_wait3A_1004 : memref<1x40x4096xf32, #tpu.memory_space<vmem>> -> memref<40x4096xf32, #tpu.memory_space<vmem>>
    tpu.wait_dma2 semaphore(%arg6 : memref<!tpu.dma_semaphore, #tpu.memory_space<semaphore_mem>>) src(%dma_wait3A_1005 : memref<40x4096xf32, #tpu.memory_space<vmem>>) dst(%dma_wait3A_1001 : memref<40x4096xf32, #tpu.memory_space<any>>)
    return
  }
}

</mosaic_0001>

<sc_bundles>
// kernel: kernel.5.cloned.1.call-start
scs
__scs_entry_jumppad:
0x0: {  	(pc) =	sbr.rel $0x88, $3  }
0x1: {  	(tag) =	ssettag $0x0;
	lr =	simm.s32 $0x1  }
0x2: {  	[smem:$0x3F9C] =	sst lr;
	_ =	strace $0xD0000000  }
0x3: {  	_ = 	snop  }
0x4: {  	_ = 	snop  }
0x5: {  	_ = 	snop  }
0x6: {  	_ = 	snop  }
0x7: {  	_ = 	snop  }
__scs_overlays_trampoline_lowered:
0x8: {  	[smem:$0x3FAB] =	sst s0  }
0x9: {  	[smem:$0x3FAC] =	sst s1  }
0xa: {  	[smem:$0x3FAD] =	sst s2  }
0xb: {  	[smem:$0x3FAE] =	sst s3  }
0xc: {  	[smem:$0x3FAF] =	sst s4  }
0xd: {  	[smem:$0x3FB0] =	sst s5  }
0xe: {  	[smem:$0x3FB1] =	sst s6  }
0xf: {  	[smem:$0x3FB2] =	sst s7  }
0x10: {  	[smem:$0x3FB3] =	sst s8  }
0x11: {  	[smem:$0x3FB4] =	sst s9;
	s0 =	simm.s32 @!p0 $0x0  }
0x12: {  	s1 =	sld [smem:$0x3F9A];
	s0 =	simm.s32 @p0 $0x1  }
0x13: {  	[smem:$0x3FB5] =	sst s0;
	s0 =	simm.s32 @!p1 $0x0  }
0x14: {  	s2 =	sld [smem:$0x3F99];
	s0 =	simm.s32 @p1 $0x1  }
0x15: {  	[smem:$0x3FB6] =	sst s0;
	s0 =	simm.s32 @!p2 $0x0  }
0x16: {  	s3 =	sld [smem:$0x3FDB];
	s0 =	simm.s32 @p2 $0x1  }
0x17: {  	s4 =	simm.s32 $0x1BF5;
	[smem:$0x3FB8] =	sst s0  }
0x18: {  	s0 =	sld [smem:$0x3F9B];
	_ =	swait.ge [sflag:s4], $0x0  }
0x19: {  	s7 =	sld [smem:$0x3F9C]  }
0x1a: {  	s8 =	sadd.s32 $0xFFFFE003, lr  }
0x1b: {  	s9 =	sadd.s32 $0xFFFFFEF7, lr;
	s5 =	simm.s32 $0xFFFFFFFF;
	p2 =	slt.u32 s8, $0xFFFFF086  }
0x1c: {  	p1 =	slt.u32 s9, $0xF7A;
	s5 =	simm.s32 @!p2 $0x0  }
0x1d: {  	s5 =	simm.s32 @p1 $0x1;
	p0 =	seq.s32 s7, s2  }
0x1e: {  	s7 =	smul.u32 @!p0 $0xF7A, s2;
	p2 =	seq.s32 @!p0 s5, $0x0  }
0x1f: {  	s9 =	smul.u32 $0xF7A, s1;
	s8 =	simm.s32 @!p0 $0x1BF5;
	p2 =	por !p2, p0  }
0x20: {  	[sflag:s8] =	ssyncset.s32 @!p0 $0xFFFFF086;
	s6 =	sadd.s32 @!p0 s3, s7;
	s7 =	simm.s32 @!p0 $0x108  }
0x21: {  	s3 =	sadd.s32 s3, s9;
	s6 =	sadd.s32 @!p0 $0x88, s6;
	s7 =	simm.s32 @p2 $0x1082  }
0x22: {  	[simem:s7], [sflag:s8] =	dma.local @!p0 [hbm:s6], $0xF7A  }
0x23: {  	s9 =	sor.u32 $0xD0000000, s2;
	s6 =	simm.s32 $0x108;
	_ =	swait.ge @!p0 [sflag:s8], $0x0  }
0x24: {  	s3 =	sadd.s32 $0x88, s3;
	s6 =	simm.s32 @!p1 $0x1082;
	[sflag:s4] =	ssyncset.s32 $0xFFFFF086  }
0x25: {  	[simem:s6], [sflag:s4] =	dma.local [hbm:s3], $0xF7A  }
0x26: {  	[smem:$0x3F9C] =	sst s1;
	(tag) =	ssettag s2;
	_ =	strace s9  }
0x27: {  	s1 =	sld [smem:$0x3FAC]  }
0x28: {  	s2 =	sld [smem:$0x3FAD]  }
0x29: {  	s4 =	sld [smem:$0x3FAF]  }
0x2a: {  	p0 =	seq.s32 s5, $0x0;
	s5 =	sld [smem:$0x3FB0]  }
0x2b: {  	s6 =	sld [smem:$0x3FB1]  }
0x2c: {  	s7 =	sld [smem:$0x3FB2]  }
0x2d: {  	s3 =	simm.s32 $0x108;
	s8 =	sld [smem:$0x3FB3]  }
0x2e: {  	s3 =	simm.s32 @!p0 $0x1082;
	s9 =	sld [smem:$0x3FB4]  }
0x2f: {  	lr =	sadd.s32 s0, s3;
	s0 =	sld [smem:$0x3FAB]  }
0x30: {  	s3 =	sld [smem:$0x3FAE]  }
0x31: {  	[smem:$0x3FB7] =	sst s10  }
0x32: {  	s10 =	sld [smem:$0x3FB5];
	_ =	sdelay $0x3  }
0x33: {  	p0 =	seq.s32 s10, $0x1;
	s10 =	sld [smem:$0x3FB7];
	_ =	sdelay $0x3  }
0x34: {  	[smem:$0x3FB7] =	sst s10  }
0x35: {  	s10 =	sld [smem:$0x3FB6];
	_ =	sdelay $0x3  }
0x36: {  	p1 =	seq.s32 s10, $0x1;
	s10 =	sld [smem:$0x3FB7];
	_ =	sdelay $0x3  }
0x37: {  	[smem:$0x3FB7] =	sst s10  }
0x38: {  	s10 =	sld [smem:$0x3FB8]  }
0x39: {  	_ = 	snop;
	(pc) =	sbr.ind lr, $3  }
0x3a: {  	_ = 	snop  }
0x3b: {  	_ = 	snop  }
0x3c: {  	p2 =	seq.s32 s10, $0x1;
	s10 =	sld [smem:$0x3FB7]  }
0x3d: {  	_ =	shalt  }
0x3e: {  	_ =	shalt  }
0x3f: {  	_ =	shalt  }
0x40: {  	_ =	shalt  }
0x41: {  	_ =	shalt  }
0x42: {  	_ =	shalt  }
0x43: {  	_ =	shalt  }
0x44: {  	_ =	shalt  }
0x45: {  	_ =	shalt  }
0x46: {  	_ =	shalt  }
0x47: {  	_ =	shalt  }
0x48: {  	_ =	shalt  }
0x49: {  	_ =	shalt  }
0x4a: {  	_ =	shalt  }
0x4b: {  	_ =	shalt  }
0x4c: {  	_ =	shalt  }
0x4d: {  	_ =	shalt  }
0x4e: {  	_ =	shalt  }
0x4f: {  	_ =	shalt  }
0x50: {  	_ =	shalt  }
0x51: {  	_ =	shalt  }
0x52: {  	_ =	shalt  }
0x53: {  	_ =	shalt  }
0x54: {  	_ =	shalt  }
0x55: {  	_ =	shalt  }
0x56: {  	_ =	shalt  }
0x57: {  	_ =	shalt  }
0x58: {  	_ =	shalt  }
0x59: {  	_ =	shalt  }
0x5a: {  	_ =	shalt  }
0x5b: {  	_ =	shalt  }
0x5c: {  	_ =	shalt  }
0x5d: {  	_ =	shalt  }
0x5e: {  	_ =	shalt  }
0x5f: {  	_ =	shalt  }
0x60: {  	_ =	shalt  }
0x61: {  	_ =	shalt  }
0x62: {  	_ =	shalt  }
0x63: {  	_ =	shalt  }
0x64: {  	_ =	shalt  }
0x65: {  	_ =	shalt  }
0x66: {  	_ =	shalt  }
0x67: {  	_ =	shalt  }
0x68: {  	_ =	shalt  }
0x69: {  	_ =	shalt  }
0x6a: {  	_ =	shalt  }
0x6b: {  	_ =	shalt  }
0x6c: {  	_ =	shalt  }
0x6d: {  	_ =	shalt  }
0x6e: {  	_ =	shalt  }
0x6f: {  	_ =	shalt  }
0x70: {  	_ =	shalt  }
0x71: {  	_ =	shalt  }
0x72: {  	_ =	shalt  }
0x73: {  	_ =	shalt  }
0x74: {  	_ =	shalt  }
0x75: {  	_ =	shalt  }
0x76: {  	_ =	shalt  }
0x77: {  	_ =	shalt  }
0x78: {  	_ =	shalt  }
0x79: {  	_ =	shalt  }
0x7a: {  	_ =	shalt  }
0x7b: {  	_ =	shalt  }
0x7c: {  	_ =	shalt  }
0x7d: {  	_ =	shalt  }
0x7e: {  	_ =	shalt  }
0x7f: {  	_ =	shalt  }
0x80: {  	_ =	shalt  }
0x81: {  	_ =	shalt  }
0x82: {  	_ =	shalt  }
0x83: {  	_ =	shalt  }
0x84: {  	_ =	shalt  }
0x85: {  	_ =	shalt  }
0x86: {  	_ =	shalt  }
0x87: {  	_ =	shalt  }
.Lfunc_end0:
.L_simem_size_0:
called_computation_lowered:
.L_overlay_start_0:
0x88: {  	s2 =	sld [smem:$0x3FD9]  }
0x89: {  	s3 =	sld [smem:$0x3FFE];
	_ =	sdelay $0x1  }
0x8a: {  	s1 =	srdreg.scid  }
0x8b: {  	s0 =	sand.u32 $0x1, s1  }
0x8c: {  	s18 =	sshll.u32 s0, $0xA;
	s2 =	sadd.s32 s3, s2  }
0x8d: {  	s2 =	sadd.s32 s2, s18  }
0x8e: {  	[smem:$0x3FC3] =	sst s2  }
0x8f: {  	_ = 	snop  }
0x90: {  	s2 =	sld [smem:$0x3FC9]  }
0x91: {  	s19 =	sld [smem:$0x3FC8]  }
0x92: {  	s4 =	sld [smem:$0x3FD0];
	(tm) =	ssettm $0x1  }
0x93: {  	s5 =	sld [smem:$0x3FFB];
	_ =	sdelay $0x3  }
0x94: {  	_ =	strace s5  }
0x95: {  	s5 =	sld [smem:$0x3FFC];
	_ =	sdelay $0x3  }
0x96: {  	_ =	strace s5  }
0x97: {  	s5 =	sld [smem:$0x3FFD];
	_ =	sdelay $0x3  }
0x98: {  	_ =	strace s5  }
0x99: {  	_ =	strace $0x8FFFFFFF  }
0x9a: {  	s20 =	sld [smem:$0x3FDB];
	_ =	sdelay $0x1  }
0x9b: {  	s6 =	simm.s32 $_scs_section_size  }
0x9c: {  	s7 =	simm.s32 $_size__tile_overlayer_lowered;
	s8 =	simm.s32 $_tile_overlayer_lowered  }
0x9d: {  	s23 =	simm.s32 $0x1BFF;
	s22 =	sshll.u32 s8, $0x1;
	s5 =	sadd.s32 s6, s20  }
0x9e: {  	s9 =	simm.s32 $0x0;
	s21 =	sshll.u32 s7, $0x1;
	s7 =	sadd.s32 s22, s5  }
0x9f: {  	[timem:s9], [sflag:s23] =	dma.local [hbm:s7], s21  }
0xa0: {  	_ =	swait.ge [sflag:s23], s21  }
0xa1: {  	s6 =	ssub.s32 $0x0, s21;
	[sflag:s23] =	ssyncset.done $0x0  }
0xa2: {  	[sflag:s23] =	ssyncadd.s32 s6;
	_ =	sdelay $0x1  }
0xa3: {  	s24 =	simm.s32 $0x1B8B  }
0xa4: {  	_ =	swait.ge [sflag:s24], $0x1  }
0xa5: {  	[sflag:s24] =	ssyncset.done $0x0  }
0xa6: {  	s25 =	simm.s32 $0x1B8E;
	[sflag:s24] =	ssyncadd.s32 $0xFFFFFFFF  }
0xa7: {  	s26 =	simm.s32 $execute0_lowered;
	[smem:$0x3FD2] =	sst s25  }
0xa8: {  	s6 =	sshll.u32 s26, $0x1;
	_ =	strace $0x80000046;
	[dreg:$0x1] =	wrdreg $0xFFFFFFFF  }
0xa9: {  	s28 =	simm.s32 $_size_execute0_lowered;
	s5 =	sadd.s32 s5, s6;
	[dreg:$0x0] =	wrdreg $0x0  }
0xaa: {  	s6 =	sshll.u32 s28, $0x1;
	[dreg:$0x2] =	wrdreg s5  }
0xab: {  	[dreg:$0x3] =	wrdreg s6  }
0xac: {  	[dreg:$0x4] =	wrdreg $0xC0  }
0xad: {  	_ =	task [dreg:s9], $0x5FFFF  }
0xae: {  	[dreg:$0x1] =	wrdreg $0xFFFFFFFF  }
0xaf: {  	[dreg:$0x0] =	wrdreg $0x60  }
0xb0: {  	[dreg:$0x2] =	wrdreg s2  }
0xb1: {  	[dreg:$0x3] =	wrdreg s19  }
0xb2: {  	[dreg:$0x4] =	wrdreg s4  }
0xb3: {  	[dreg:$0x5] =	wrdreg $0x9  }
0xb4: {  	_ =	task.clear_ibuf [dreg:s9], $0x6FFFF;
	_ =	strace $0x90000046  }
0xb5: {  	s29 =	simm.s32 $0x9;
	_ =	strace $0x80000048  }
0xb6: {  	_ =	swait.ge [sflag:s29], $0x1  }
0xb7: {  	[sflag:s29] =	ssyncadd.s32 $0xFFFFFFFF  }
0xb8: {  	_ =	strace $0x90000048  }
0xb9: {  	_ =	sfence  }
0xba: {  	s30 =	sld [smem:$0x0];
	_ =	sdelay $0x2  }
0xbb: {  	s31 =	sshll.u32 s1, $0xD;
	s1 =	sshrl.u32 s1, $0x2  }
0xbc: {  	s3 =	sand.u32 $0x4000, s31;
	s1 =	sadd.s32 s1, s30  }
0xbd: {  	s0 =	sor.u32 s3, s0;
	s1 =	sshll.u32 s1, $0x11  }
0xbe: {  	s0 =	sor.u32 s1, s0  }
0xbf: {  	s0 =	sadd.s32 $0x8F2B, s0  }
0xc0: {  	[sflag:s0] =	ssyncadd.remote.s32 $0x1  }
0xc1: {  	_ =	sfence.sel $0xFFFF  }
0xc2: {  	[dreg:$0x0] =	wrdreg $0xFFFFFFFF;
	(pc) =	sbr.abs _section_cstart, $3  }
0xc3: {  	[dreg:$0x1] =	wrdreg $0xFFFFFFFF  }
0xc4: {  	_ =	task.clear_ibuf [dreg:s9], $0x2FFFF;
	_ =	strace $0x9FFFFFFF  }
0xc5: {  	(tm) =	ssettm $0x7FFFFFFF  }
tec
execute0_lowered:
.L_overlay_start_1:
0x0: {  	(tag) =	ssettag $0x1  }
0x1: {  	s0 =	rddreg [dreg:$0x0]  }
0x2: {  	s1 =	rddreg [dreg:$0x1]  }
0x3: {  	s2 =	rddreg [dreg:$0x2]  }
0x4: {  	s3 =	simm.s32 $0x0;
	s17 =	stileid.u32;
	s4 =	srdreg.scid  }
0x5: {  	s28 =	simm.s32 $0x15100;
	s29 =	simm.s32 $0x2;
	s31 =	simm.s32 $0x5  }
0x6: {  	s30 =	simm.s32 $0x17900;
	[smem:$0x7FF] =	sst s3;
	s5 =	sshll.u32 s17, $0x1  }
0x7: {  	s4 =	sand.u32 $0x1, s4;
	s18 =	sshrl.u32 s17, $0x2;
	s9 =	sadd.s32 $0x500, s1  }
0x8: {  	s10 =	sadd.s32 $0x600, s1;
	s11 =	sadd.s32 $0x700, s1;
	s12 =	sadd.s32 $0x800, s1  }
0x9: {  	s13 =	sadd.s32 $0x900, s1;
	s14 =	sadd.s32 $0xA00, s1;
	s15 =	sadd.s32 $0xB00, s1  }
0xa: {  	s16 =	sadd.s32 $0xC00, s1;
	s26 =	sand.u32 $0x3, s17;
	s17 =	sadd.s32 $0xD00, s1  }
0xb: {  	_ =	strace $0x80000047;
	s5 =	sand.u32 $0x6, s5;
	s6 =	ssub.s32 $0x2, s4  }
0xc: {  	s25 =	sshll.u32 s18, $0x4;
	s21 =	sshll.u32 s18, $0x17;
	s18 =	sadd.s32 $0xE00, s1  }
0xd: {  	s19 =	sor.u32 s4, s5;
	s7 =	sshrl.u32 s6, $0x1;
	s0 =	sadd.s32 s0, s25  }
0xe: {  	s5 =	sadd.s32 $0x100, s1;
	s4 =	sshll.u32 s4, $0x14;
	s8 =	sshll.u32 s19, $0x7  }
0xf: {  	s20 =	ssub.s32 s6, s7;
	s6 =	sadd.s32 $0x200, s1;
	s0 =	sadd.s32 s8, s0  }
0x10: {  	s19 =	sshll.u32 s19, $0x14;
	[dreg:$0x7] =	wrdreg s0;
	s0 =	sshll.u32 s26, $0x15  }
0x11: {  	s7 =	sadd.s32 $0x300, s1;
	s0 =	sor.u32 s0, s21;
	s21 =	sor.u32 s21, s19  }
0x12: {  	s8 =	sadd.s32 $0x400, s1;
	s0 =	sor.u32 s4, s0;
	s22 =	sshrl.u32 s21, $0x3  }
0x13: {  	s19 =	sadd.s32 $0xF00, s1;
	s23 =	sor.u32 $0x18000, s0;
	s22 =	sadd.s32 s2, s22  }
0x14: {  	s25 =	sor.u32 $0x10000, s0;
	s0 =	sor.u32 $0x8000, s0;
	s24 =	sshrl.u32 s23, $0x3  }
0x15: {  	s21 =	sshrl.u32 s25, $0x3;
	s1 =	sadd.s32 $0x1C000, s22;
	[dreg:$0x8] =	wrdreg s22  }
0x16: {  	s0 =	sshrl.u32 s0, $0x3;
	s23 =	sadd.s32 $0x1D000, s22;
	[dreg:$0x9] =	wrdreg s1  }
0x17: {  	s25 =	sadd.s32 $0x1F000, s22;
	s4 =	sadd.s32 s24, s2;
	[dreg:$0xa] =	wrdreg s23  }
0x18: {  	s26 =	sadd.s32 s21, s2;
	s0 =	sadd.s32 s0, s2;
	[dreg:$0xc] =	wrdreg s25  }
0x19: {  	s24 =	sadd.s32 $0x1E000, s22;
	s2 =	simm.s32 $0x8100;
	[dreg:$0x4] =	wrdreg s4  }
0x1a: {  	s21 =	simm.s32 $0x1;
	s22 =	simm.s32 $0x10100;
	[dreg:$0x5] =	wrdreg s26  }
0x1b: {  	v0 =	vlaneseq.u32;
	s25 =	simm.s32 $0x3;
	s23 =	simm.s32 $0x6;
	[dreg:$0xb] =	wrdreg s24  }
0x1c: {  	v1 =	vshrl.u32 v0, $0x3;
	s1 =	simm.s32 $0x0;
	[dreg:$0x6] =	wrdreg s0;
	s26 =	smax.u32 s20, $0x1  }
0x1d: {  	vm0 =	vmmov $0xffff;
	v0 =	vand.u32 $0x7, v0;
	v1 =	vmul.u32 $0x8, v1;
	s24 =	simm.s32 $0x12100;
	s4 =	simm.s32 $0x4;
	[dreg:$0xd] =	wrdreg s26  }
.LBB2_1:
0x1e: {  	s0 =	rddreg [dreg:$0x7];
	s20 =	simm.s32 $0x80;
	s26 =	simm.s32 $0x200  }
0x1f: {  	[tilespmem:s3], [sflag:$0x7] =	stream.strided.gather [hbm4b:s0+s20], $0x100, s26, s20, $0x38;
	[tilespmem:$0x18100] =	vst v63  }
0x20: {  	[dreg:$0xe] =	wrdreg s1;
	s20 =	simm.s32 $0x7  }
0x21: {  	_ =	swait.ge [sflag:s20], $0x100  }
0x22: {  	[sflag:s20] =	ssyncset.done $0x0  }
0x23: {  	[sflag:s20] =	ssyncadd.s32 $0xFFFFFF00  }
0x24: {  	v2 =	vld.msk [tilespmem:$0x0], $0xff;
	_ =	sdelay $0x4  }
0x25: {  	v3 =	vshll.u32 v2, $0x5  }
0x26: {  	v2 =	vand.u32 $0x7, v2;
	v3 =	vand.u32 $0xFFFFFF00, v3  }
0x27: {  	v2 =	vor.u32 v2, v3  }
0x28: {  	v2 =	vperm.xlane v2, v0;
	_ =	sdelay $0x1  }
0x29: {  	v2 =	vadd.s32 v1, v2;
	_ =	sdelay $0x3  }
0x2a: {  	s20 =	simm.s32 $0x100;
	s1 =	rddreg [dreg:$0x1]  }
0x2b: {  	[tilespmem:s20], [sflag:$0x1] =	stream.indirect_vreg.gather [hbm4b:s1+s3], $0x80, v2, vm0, $0xb8;
	[tilespmem:$0x18100] =	vst v63  }
0x2c: {  	s26 =	simm.s32 $0x900  }
0x2d: {  	[tilespmem:s26], [sflag:$0x1] =	stream.indirect_vreg.gather [hbm4b:s5+s3], $0x80, v2, vm0, $0xb8;
	[tilespmem:$0x18100] =	vst v63  }
0x2e: {  	s26 =	simm.s32 $0x1100  }
0x2f: {  	[tilespmem:s26], [sflag:$0x1] =	stream.indirect_vreg.gather [hbm4b:s6+s3], $0x80, v2, vm0, $0xb8;
	[tilespmem:$0x18100] =	vst v63  }
0x30: {  	s26 =	simm.s32 $0x1900  }
0x31: {  	[tilespmem:s26], [sflag:$0x1] =	stream.indirect_vreg.gather [hbm4b:s7+s3], $0x80, v2, vm0, $0xb8;
	[tilespmem:$0x18100] =	vst v63  }
0x32: {  	s26 =	simm.s32 $0x2100  }
0x33: {  	[tilespmem:s26], [sflag:$0x1] =	stream.indirect_vreg.gather [hbm4b:s8+s3], $0x80, v2, vm0, $0xb8;
	[tilespmem:$0x18100] =	vst v63  }
0x34: {  	s26 =	simm.s32 $0x2900  }
0x35: {  	[tilespmem:s26], [sflag:$0x1] =	stream.indirect_vreg.gather [hbm4b:s9+s3], $0x80, v2, vm0, $0xb8;
	[tilespmem:$0x18100] =	vst v63  }
0x36: {  	s26 =	simm.s32 $0x3100  }
0x37: {  	[tilespmem:s26], [sflag:$0x1] =	stream.indirect_vreg.gather [hbm4b:s10+s3], $0x80, v2, vm0, $0xb8;
	[tilespmem:$0x18100] =	vst v63  }
0x38: {  	s26 =	simm.s32 $0x3900  }
0x39: {  	[tilespmem:s26], [sflag:$0x1] =	stream.indirect_vreg.gather [hbm4b:s11+s3], $0x80, v2, vm0, $0xb8;
	[tilespmem:$0x18100] =	vst v63  }
0x3a: {  	s26 =	simm.s32 $0x4100  }
0x3b: {  	[tilespmem:s26], [sflag:$0x1] =	stream.indirect_vreg.gather [hbm4b:s12+s3], $0x80, v2, vm0, $0xb8;
	[tilespmem:$0x18100] =	vst v63  }
0x3c: {  	s26 =	simm.s32 $0x4900  }
0x3d: {  	[tilespmem:s26], [sflag:$0x1] =	stream.indirect_vreg.gather [hbm4b:s13+s3], $0x80, v2, vm0, $0xb8;
	[tilespmem:$0x18100] =	vst v63  }
0x3e: {  	s26 =	simm.s32 $0x5100  }
0x3f: {  	[tilespmem:s26], [sflag:$0x1] =	stream.indirect_vreg.gather [hbm4b:s14+s3], $0x80, v2, vm0, $0xb8;
	[tilespmem:$0x18100] =	vst v63  }
0x40: {  	s26 =	simm.s32 $0x5900  }
0x41: {  	[tilespmem:s26], [sflag:$0x1] =	stream.indirect_vreg.gather [hbm4b:s15+s3], $0x80, v2, vm0, $0xb8;
	[tilespmem:$0x18100] =	vst v63  }
0x42: {  	s26 =	simm.s32 $0x6100  }
0x43: {  	[tilespmem:s26], [sflag:$0x1] =	stream.indirect_vreg.gather [hbm4b:s16+s3], $0x80, v2, vm0, $0xb8;
	[tilespmem:$0x18100] =	vst v63  }
0x44: {  	s26 =	simm.s32 $0x6900  }
0x45: {  	[tilespmem:s26], [sflag:$0x1] =	stream.indirect_vreg.gather [hbm4b:s17+s3], $0x80, v2, vm0, $0xb8;
	[tilespmem:$0x18100] =	vst v63  }
0x46: {  	s26 =	simm.s32 $0x7100  }
0x47: {  	[tilespmem:s26], [sflag:$0x1] =	stream.indirect_vreg.gather [hbm4b:s18+s3], $0x80, v2, vm0, $0xb8;
	[tilespmem:$0x18100] =	vst v63  }
0x48: {  	s26 =	simm.s32 $0x7900  }
0x49: {  	[tilespmem:s26], [sflag:$0x1] =	stream.indirect_vreg.gather [hbm4b:s19+s3], $0x80, v2, vm0, $0xb8;
	[tilespmem:$0x18100] =	vst v63  }
0x4a: {  	v2 =	vld.msk [tilespmem:$0x8], $0xff;
	_ =	sdelay $0x4  }
0x4b: {  	v3 =	vshll.u32 v2, $0x5  }
0x4c: {  	v2 =	vand.u32 $0x7, v2;
	v3 =	vand.u32 $0xFFFFFF00, v3  }
0x4d: {  	v2 =	vor.u32 v2, v3  }
0x4e: {  	v2 =	vperm.xlane v2, v0;
	_ =	sdelay $0x1  }
0x4f: {  	v2 =	vadd.s32 v1, v2;
	_ =	sdelay $0x4  }
0x50: {  	[tilespmem:s2], [sflag:$0x2] =	stream.indirect_vreg.gather [hbm4b:s1+s3], $0x80, v2, vm0, $0xb8;
	[tilespmem:$0x18100] =	vst v63  }
0x51: {  	s2 =	simm.s32 $0x8900  }
0x52: {  	[tilespmem:s2], [sflag:$0x2] =	stream.indirect_vreg.gather [hbm4b:s5+s3], $0x80, v2, vm0, $0xb8;
	[tilespmem:$0x18100] =	vst v63  }
0x53: {  	s26 =	simm.s32 $0x9100  }
0x54: {  	[tilespmem:s26], [sflag:$0x2] =	stream.indirect_vreg.gather [hbm4b:s6+s3], $0x80, v2, vm0, $0xb8;
	[tilespmem:$0x18100] =	vst v63  }
0x55: {  	s2 =	simm.s32 $0x9900  }
0x56: {  	[tilespmem:s2], [sflag:$0x2] =	stream.indirect_vreg.gather [hbm4b:s7+s3], $0x80, v2, vm0, $0xb8;
	[tilespmem:$0x18100] =	vst v63  }
0x57: {  	s26 =	simm.s32 $0xA100  }
0x58: {  	[tilespmem:s26], [sflag:$0x2] =	stream.indirect_vreg.gather [hbm4b:s8+s3], $0x80, v2, vm0, $0xb8;
	[tilespmem:$0x18100] =	vst v63  }
0x59: {  	s2 =	simm.s32 $0xA900  }
0x5a: {  	[tilespmem:s2], [sflag:$0x2] =	stream.indirect_vreg.gather [hbm4b:s9+s3], $0x80, v2, vm0, $0xb8;
	[tilespmem:$0x18100] =	vst v63  }
0x5b: {  	s26 =	simm.s32 $0xB100  }
0x5c: {  	[tilespmem:s26], [sflag:$0x2] =	stream.indirect_vreg.gather [hbm4b:s10+s3], $0x80, v2, vm0, $0xb8;
	[tilespmem:$0x18100] =	vst v63  }
0x5d: {  	s2 =	simm.s32 $0xB900  }
0x5e: {  	[tilespmem:s2], [sflag:$0x2] =	stream.indirect_vreg.gather [hbm4b:s11+s3], $0x80, v2, vm0, $0xb8;
	[tilespmem:$0x18100] =	vst v63  }
0x5f: {  	s26 =	simm.s32 $0xC100  }
0x60: {  	[tilespmem:s26], [sflag:$0x2] =	stream.indirect_vreg.gather [hbm4b:s12+s3], $0x80, v2, vm0, $0xb8;
	[tilespmem:$0x18100] =	vst v63  }
0x61: {  	s2 =	simm.s32 $0xC900  }
0x62: {  	[tilespmem:s2], [sflag:$0x2] =	stream.indirect_vreg.gather [hbm4b:s13+s3], $0x80, v2, vm0, $0xb8;
	[tilespmem:$0x18100] =	vst v63  }
0x63: {  	s26 =	simm.s32 $0xD100  }
0x64: {  	[tilespmem:s26], [sflag:$0x2] =	stream.indirect_vreg.gather [hbm4b:s14+s3], $0x80, v2, vm0, $0xb8;
	[tilespmem:$0x18100] =	vst v63  }
0x65: {  	s2 =	simm.s32 $0xD900  }
0x66: {  	[tilespmem:s2], [sflag:$0x2] =	stream.indirect_vreg.gather [hbm4b:s15+s3], $0x80, v2, vm0, $0xb8;
	[tilespmem:$0x18100] =	vst v63  }
0x67: {  	s26 =	simm.s32 $0xE100  }
0x68: {  	[tilespmem:s26], [sflag:$0x2] =	stream.indirect_vreg.gather [hbm4b:s16+s3], $0x80, v2, vm0, $0xb8;
	[tilespmem:$0x18100] =	vst v63  }
0x69: {  	s2 =	simm.s32 $0xE900  }
0x6a: {  	[tilespmem:s2], [sflag:$0x2] =	stream.indirect_vreg.gather [hbm4b:s17+s3], $0x80, v2, vm0, $0xb8;
	[tilespmem:$0x18100] =	vst v63  }
0x6b: {  	s26 =	simm.s32 $0xF100  }
0x6c: {  	[tilespmem:s26], [sflag:$0x2] =	stream.indirect_vreg.gather [hbm4b:s18+s3], $0x80, v2, vm0, $0xb8;
	[tilespmem:$0x18100] =	vst v63  }
0x6d: {  	s2 =	simm.s32 $0xF900  }
0x6e: {  	[tilespmem:s2], [sflag:$0x2] =	stream.indirect_vreg.gather [hbm4b:s19+s3], $0x80, v2, vm0, $0xb8;
	[tilespmem:$0x18100] =	vst v63  }
0x6f: {  	_ =	swait.ge [sflag:s21], $0x8000  }
0x70: {  	[sflag:s21] =	ssyncset.done $0x0  }
0x71: {  	s26 =	rddreg [dreg:$0x8];
	[sflag:s21] =	ssyncadd.s32 $0xFFFF8000  }
0x72: {  	[hbm4b:s26+s3] =	stream.linear.scatter [tilespmem:s20], [sflag:$0x4], $0x8000, $0x38;
	[tilespmem:$0x18100] =	vst v63  }
0x73: {  	v2 =	vld.msk [tilespmem:$0x10], $0xff;
	_ =	sdelay $0x4  }
0x74: {  	v3 =	vshll.u32 v2, $0x5  }
0x75: {  	v2 =	vand.u32 $0x7, v2;
	v3 =	vand.u32 $0xFFFFFF00, v3  }
0x76: {  	v2 =	vor.u32 v2, v3  }
0x77: {  	v2 =	vperm.xlane v2, v0;
	_ =	sdelay $0x1  }
0x78: {  	v2 =	vadd.s32 v1, v2;
	_ =	sdelay $0x4  }
0x79: {  	[tilespmem:s22], [sflag:$0x3] =	stream.indirect_vreg.gather [hbm4b:s1+s3], $0x80, v2, vm0, $0xb8;
	[tilespmem:$0x18100] =	vst v63  }
0x7a: {  	s2 =	simm.s32 $0x10900  }
0x7b: {  	[tilespmem:s2], [sflag:$0x3] =	stream.indirect_vreg.gather [hbm4b:s5+s3], $0x80, v2, vm0, $0xb8;
	[tilespmem:$0x18100] =	vst v63  }
0x7c: {  	s20 =	simm.s32 $0x11100  }
0x7d: {  	[tilespmem:s20], [sflag:$0x3] =	stream.indirect_vreg.gather [hbm4b:s6+s3], $0x80, v2, vm0, $0xb8;
	[tilespmem:$0x18100] =	vst v63  }
0x7e: {  	s22 =	simm.s32 $0x11900  }
0x7f: {  	[tilespmem:s22], [sflag:$0x3] =	stream.indirect_vreg.gather [hbm4b:s7+s3], $0x80, v2, vm0, $0xb8;
	[tilespmem:$0x18100] =	vst v63  }
0x80: {  	_ = 	snop  }
0x81: {  	[tilespmem:s24], [sflag:$0x3] =	stream.indirect_vreg.gather [hbm4b:s8+s3], $0x80, v2, vm0, $0xb8;
	[tilespmem:$0x18100] =	vst v63  }
0x82: {  	s26 =	simm.s32 $0x12900  }
0x83: {  	[tilespmem:s26], [sflag:$0x3] =	stream.indirect_vreg.gather [hbm4b:s9+s3], $0x80, v2, vm0, $0xb8;
	[tilespmem:$0x18100] =	vst v63  }
0x84: {  	s1 =	simm.s32 $0x13100  }
0x85: {  	[tilespmem:s1], [sflag:$0x3] =	stream.indirect_vreg.gather [hbm4b:s10+s3], $0x80, v2, vm0, $0xb8;
	[tilespmem:$0x18100] =	vst v63  }
0x86: {  	s2 =	simm.s32 $0x13900  }
0x87: {  	[tilespmem:s2], [sflag:$0x3] =	stream.indirect_vreg.gather [hbm4b:s11+s3], $0x80, v2, vm0, $0xb8;
	[tilespmem:$0x18100] =	vst v63  }
0x88: {  	s20 =	simm.s32 $0x14100  }
0x89: {  	[tilespmem:s20], [sflag:$0x3] =	stream.indirect_vreg.gather [hbm4b:s12+s3], $0x80, v2, vm0, $0xb8;
	[tilespmem:$0x18100] =	vst v63  }
0x8a: {  	s22 =	simm.s32 $0x14900  }
0x8b: {  	[tilespmem:s22], [sflag:$0x3] =	stream.indirect_vreg.gather [hbm4b:s13+s3], $0x80, v2, vm0, $0xb8;
	[tilespmem:$0x18100] =	vst v63  }
0x8c: {  	_ = 	snop  }
0x8d: {  	[tilespmem:s28], [sflag:$0x3] =	stream.indirect_vreg.gather [hbm4b:s14+s3], $0x80, v2, vm0, $0xb8;
	[tilespmem:$0x18100] =	vst v63  }
0x8e: {  	s24 =	simm.s32 $0x15900  }
0x8f: {  	[tilespmem:s24], [sflag:$0x3] =	stream.indirect_vreg.gather [hbm4b:s15+s3], $0x80, v2, vm0, $0xb8;
	[tilespmem:$0x18100] =	vst v63  }
0x90: {  	s26 =	simm.s32 $0x16100  }
0x91: {  	[tilespmem:s26], [sflag:$0x3] =	stream.indirect_vreg.gather [hbm4b:s16+s3], $0x80, v2, vm0, $0xb8;
	[tilespmem:$0x18100] =	vst v63  }
0x92: {  	s28 =	simm.s32 $0x16900  }
0x93: {  	[tilespmem:s28], [sflag:$0x3] =	stream.indirect_vreg.gather [hbm4b:s17+s3], $0x80, v2, vm0, $0xb8;
	[tilespmem:$0x18100] =	vst v63  }
0x94: {  	s1 =	simm.s32 $0x17100  }
0x95: {  	[tilespmem:s1], [sflag:$0x3] =	stream.indirect_vreg.gather [hbm4b:s18+s3], $0x80, v2, vm0, $0xb8;
	[tilespmem:$0x18100] =	vst v63  }
0x96: {  	s0 =	simm.s32 $0x28;
	s20 =	simm.s32 $0x0  }
0x97: {  	[tilespmem:s30], [sflag:$0x3] =	stream.indirect_vreg.gather [hbm4b:s19+s3], $0x80, v2, vm0, $0xb8;
	[tilespmem:$0x18100] =	vst v63  }
.LBB2_2:
0x98: {  	_ =	swait.ge [sflag:s29], $0x8000  }
0x99: {  	s26 =	rddreg [dreg:$0x6];
	[sflag:s29] =	ssyncset.done $0x0  }
0x9a: {  	s22 =	simm.s32 $0x8100;
	[sflag:s29] =	ssyncadd.s32 $0xFFFF8000;
	s26 =	sadd.s32 s20, s26  }
0x9b: {  	[hbm4b:s26+s3] =	stream.linear.scatter [tilespmem:s22], [sflag:$0x5], $0x8000, $0x38;
	[tilespmem:$0x18100] =	vst v63  }
0x9c: {  	_ =	swait.ge [sflag:s4], $0x8000  }
0x9d: {  	[sflag:s4] =	ssyncset.done $0x0  }
0x9e: {  	[sflag:s4] =	ssyncadd.s32 $0xFFFF8000  }
0x9f: {  	v2 =	vld.msk [tilespmem:s0+$0xFFFFFFF0], $0xff;
	_ =	sdelay $0x4  }
0xa0: {  	v3 =	vshll.u32 v2, $0x5  }
0xa1: {  	v2 =	vand.u32 $0x7, v2;
	v3 =	vand.u32 $0xFFFFFF00, v3  }
0xa2: {  	v2 =	vor.u32 v2, v3  }
0xa3: {  	v2 =	vperm.xlane v2, v0;
	_ =	sdelay $0x1  }
0xa4: {  	v2 =	vadd.s32 v1, v2;
	_ =	sdelay $0x3  }
0xa5: {  	s2 =	simm.s32 $0x100;
	s28 =	rddreg [dreg:$0x1]  }
0xa6: {  	[tilespmem:s2], [sflag:$0x1] =	stream.indirect_vreg.gather [hbm4b:s28+s3], $0x80, v2, vm0, $0xb8;
	[tilespmem:$0x18100] =	vst v63  }
0xa7: {  	s24 =	simm.s32 $0x900  }
0xa8: {  	[tilespmem:s24], [sflag:$0x1] =	stream.indirect_vreg.gather [hbm4b:s5+s3], $0x80, v2, vm0, $0xb8;
	[tilespmem:$0x18100] =	vst v63  }
0xa9: {  	s24 =	simm.s32 $0x1100  }
0xaa: {  	[tilespmem:s24], [sflag:$0x1] =	stream.indirect_vreg.gather [hbm4b:s6+s3], $0x80, v2, vm0, $0xb8;
	[tilespmem:$0x18100] =	vst v63  }
0xab: {  	s24 =	simm.s32 $0x1900  }
0xac: {  	[tilespmem:s24], [sflag:$0x1] =	stream.indirect_vreg.gather [hbm4b:s7+s3], $0x80, v2, vm0, $0xb8;
	[tilespmem:$0x18100] =	vst v63  }
0xad: {  	s24 =	simm.s32 $0x2100  }
0xae: {  	[tilespmem:s24], [sflag:$0x1] =	stream.indirect_vreg.gather [hbm4b:s8+s3], $0x80, v2, vm0, $0xb8;
	[tilespmem:$0x18100] =	vst v63  }
0xaf: {  	s24 =	simm.s32 $0x2900  }
0xb0: {  	[tilespmem:s24], [sflag:$0x1] =	stream.indirect_vreg.gather [hbm4b:s9+s3], $0x80, v2, vm0, $0xb8;
	[tilespmem:$0x18100] =	vst v63  }
0xb1: {  	s24 =	simm.s32 $0x3100  }
0xb2: {  	[tilespmem:s24], [sflag:$0x1] =	stream.indirect_vreg.gather [hbm4b:s10+s3], $0x80, v2, vm0, $0xb8;
	[tilespmem:$0x18100] =	vst v63  }
0xb3: {  	s24 =	simm.s32 $0x3900  }
0xb4: {  	[tilespmem:s24], [sflag:$0x1] =	stream.indirect_vreg.gather [hbm4b:s11+s3], $0x80, v2, vm0, $0xb8;
	[tilespmem:$0x18100] =	vst v63  }
0xb5: {  	s24 =	simm.s32 $0x4100  }
0xb6: {  	[tilespmem:s24], [sflag:$0x1] =	stream.indirect_vreg.gather [hbm4b:s12+s3], $0x80, v2, vm0, $0xb8;
	[tilespmem:$0x18100] =	vst v63  }
0xb7: {  	s24 =	simm.s32 $0x4900  }
0xb8: {  	[tilespmem:s24], [sflag:$0x1] =	stream.indirect_vreg.gather [hbm4b:s13+s3], $0x80, v2, vm0, $0xb8;
	[tilespmem:$0x18100] =	vst v63  }
0xb9: {  	s24 =	simm.s32 $0x5100  }
0xba: {  	[tilespmem:s24], [sflag:$0x1] =	stream.indirect_vreg.gather [hbm4b:s14+s3], $0x80, v2, vm0, $0xb8;
	[tilespmem:$0x18100] =	vst v63  }
0xbb: {  	s24 =	simm.s32 $0x5900  }
0xbc: {  	[tilespmem:s24], [sflag:$0x1] =	stream.indirect_vreg.gather [hbm4b:s15+s3], $0x80, v2, vm0, $0xb8;
	[tilespmem:$0x18100] =	vst v63  }
0xbd: {  	s24 =	simm.s32 $0x6100  }
0xbe: {  	[tilespmem:s24], [sflag:$0x1] =	stream.indirect_vreg.gather [hbm4b:s16+s3], $0x80, v2, vm0, $0xb8;
	[tilespmem:$0x18100] =	vst v63  }
0xbf: {  	s24 =	simm.s32 $0x6900  }
0xc0: {  	[tilespmem:s24], [sflag:$0x1] =	stream.indirect_vreg.gather [hbm4b:s17+s3], $0x80, v2, vm0, $0xb8;
	[tilespmem:$0x18100] =	vst v63  }
0xc1: {  	s24 =	simm.s32 $0x7100  }
0xc2: {  	[tilespmem:s24], [sflag:$0x1] =	stream.indirect_vreg.gather [hbm4b:s18+s3], $0x80, v2, vm0, $0xb8;
	[tilespmem:$0x18100] =	vst v63  }
0xc3: {  	s24 =	simm.s32 $0x7900  }
0xc4: {  	[tilespmem:s24], [sflag:$0x1] =	stream.indirect_vreg.gather [hbm4b:s19+s3], $0x80, v2, vm0, $0xb8;
	[tilespmem:$0x18100] =	vst v63  }
0xc5: {  	_ =	swait.ge [sflag:s25], $0x8000  }
0xc6: {  	s24 =	rddreg [dreg:$0x5];
	[sflag:s25] =	ssyncset.done $0x0  }
0xc7: {  	[sflag:s25] =	ssyncadd.s32 $0xFFFF8000;
	s26 =	sadd.s32 s20, s24;
	s24 =	simm.s32 $0x10100  }
0xc8: {  	[hbm4b:s26+s3] =	stream.linear.scatter [tilespmem:s24], [sflag:$0x6], $0x8000, $0x38;
	[tilespmem:$0x18100] =	vst v63  }
0xc9: {  	_ =	swait.ge [sflag:s31], $0x8000  }
0xca: {  	[sflag:s31] =	ssyncset.done $0x0  }
0xcb: {  	[sflag:s31] =	ssyncadd.s32 $0xFFFF8000  }
0xcc: {  	v2 =	vld.msk [tilespmem:s0+$0xFFFFFFF8], $0xff;
	_ =	sdelay $0x4  }
0xcd: {  	v3 =	vshll.u32 v2, $0x5  }
0xce: {  	v2 =	vand.u32 $0x7, v2;
	v3 =	vand.u32 $0xFFFFFF00, v3  }
0xcf: {  	v2 =	vor.u32 v2, v3  }
0xd0: {  	v2 =	vperm.xlane v2, v0;
	_ =	sdelay $0x1  }
0xd1: {  	v2 =	vadd.s32 v1, v2;
	_ =	sdelay $0x4  }
0xd2: {  	[tilespmem:s22], [sflag:$0x2] =	stream.indirect_vreg.gather [hbm4b:s28+s3], $0x80, v2, vm0, $0xb8;
	[tilespmem:$0x18100] =	vst v63  }
0xd3: {  	s22 =	simm.s32 $0x8900  }
0xd4: {  	[tilespmem:s22], [sflag:$0x2] =	stream.indirect_vreg.gather [hbm4b:s5+s3], $0x80, v2, vm0, $0xb8;
	[tilespmem:$0x18100] =	vst v63  }
0xd5: {  	s22 =	simm.s32 $0x9100  }
0xd6: {  	[tilespmem:s22], [sflag:$0x2] =	stream.indirect_vreg.gather [hbm4b:s6+s3], $0x80, v2, vm0, $0xb8;
	[tilespmem:$0x18100] =	vst v63  }
0xd7: {  	s22 =	simm.s32 $0x9900  }
0xd8: {  	[tilespmem:s22], [sflag:$0x2] =	stream.indirect_vreg.gather [hbm4b:s7+s3], $0x80, v2, vm0, $0xb8;
	[tilespmem:$0x18100] =	vst v63  }
0xd9: {  	s22 =	simm.s32 $0xA100  }
0xda: {  	[tilespmem:s22], [sflag:$0x2] =	stream.indirect_vreg.gather [hbm4b:s8+s3], $0x80, v2, vm0, $0xb8;
	[tilespmem:$0x18100] =	vst v63  }
0xdb: {  	s22 =	simm.s32 $0xA900  }
0xdc: {  	[tilespmem:s22], [sflag:$0x2] =	stream.indirect_vreg.gather [hbm4b:s9+s3], $0x80, v2, vm0, $0xb8;
	[tilespmem:$0x18100] =	vst v63  }
0xdd: {  	s22 =	simm.s32 $0xB100  }
0xde: {  	[tilespmem:s22], [sflag:$0x2] =	stream.indirect_vreg.gather [hbm4b:s10+s3], $0x80, v2, vm0, $0xb8;
	[tilespmem:$0x18100] =	vst v63  }
0xdf: {  	s22 =	simm.s32 $0xB900  }
0xe0: {  	[tilespmem:s22], [sflag:$0x2] =	stream.indirect_vreg.gather [hbm4b:s11+s3], $0x80, v2, vm0, $0xb8;
	[tilespmem:$0x18100] =	vst v63  }
0xe1: {  	s22 =	simm.s32 $0xC100  }
0xe2: {  	[tilespmem:s22], [sflag:$0x2] =	stream.indirect_vreg.gather [hbm4b:s12+s3], $0x80, v2, vm0, $0xb8;
	[tilespmem:$0x18100] =	vst v63  }
0xe3: {  	s22 =	simm.s32 $0xC900  }
0xe4: {  	[tilespmem:s22], [sflag:$0x2] =	stream.indirect_vreg.gather [hbm4b:s13+s3], $0x80, v2, vm0, $0xb8;
	[tilespmem:$0x18100] =	vst v63  }
0xe5: {  	s22 =	simm.s32 $0xD100  }
0xe6: {  	[tilespmem:s22], [sflag:$0x2] =	stream.indirect_vreg.gather [hbm4b:s14+s3], $0x80, v2, vm0, $0xb8;
	[tilespmem:$0x18100] =	vst v63  }
0xe7: {  	s22 =	simm.s32 $0xD900  }
0xe8: {  	[tilespmem:s22], [sflag:$0x2] =	stream.indirect_vreg.gather [hbm4b:s15+s3], $0x80, v2, vm0, $0xb8;
	[tilespmem:$0x18100] =	vst v63  }
0xe9: {  	s22 =	simm.s32 $0xE100  }
0xea: {  	[tilespmem:s22], [sflag:$0x2] =	stream.indirect_vreg.gather [hbm4b:s16+s3], $0x80, v2, vm0, $0xb8;
	[tilespmem:$0x18100] =	vst v63  }
0xeb: {  	s22 =	simm.s32 $0xE900  }
0xec: {  	[tilespmem:s22], [sflag:$0x2] =	stream.indirect_vreg.gather [hbm4b:s17+s3], $0x80, v2, vm0, $0xb8;
	[tilespmem:$0x18100] =	vst v63  }
0xed: {  	s22 =	simm.s32 $0xF100  }
0xee: {  	[tilespmem:s22], [sflag:$0x2] =	stream.indirect_vreg.gather [hbm4b:s18+s3], $0x80, v2, vm0, $0xb8;
	[tilespmem:$0x18100] =	vst v63  }
0xef: {  	s22 =	simm.s32 $0xF900  }
0xf0: {  	[tilespmem:s22], [sflag:$0x2] =	stream.indirect_vreg.gather [hbm4b:s19+s3], $0x80, v2, vm0, $0xb8;
	[tilespmem:$0x18100] =	vst v63  }
0xf1: {  	_ =	swait.ge [sflag:s21], $0x8000  }
0xf2: {  	s22 =	rddreg [dreg:$0x4];
	[sflag:s21] =	ssyncset.done $0x0  }
0xf3: {  	[sflag:s21] =	ssyncadd.s32 $0xFFFF8000;
	s26 =	sadd.s32 s20, s22  }
0xf4: {  	[hbm4b:s26+s3] =	stream.linear.scatter [tilespmem:s2], [sflag:$0x4], $0x8000, $0x38;
	[tilespmem:$0x18100] =	vst v63  }
0xf5: {  	_ =	swait.ge [sflag:s23], $0x8000  }
0xf6: {  	[sflag:s23] =	ssyncset.done $0x0  }
0xf7: {  	[sflag:s23] =	ssyncadd.s32 $0xFFFF8000  }
0xf8: {  	v2 =	vld.msk [tilespmem:s0+$0x0], $0xff;
	_ =	sdelay $0x4  }
0xf9: {  	v3 =	vshll.u32 v2, $0x5  }
0xfa: {  	v2 =	vand.u32 $0x7, v2;
	v3 =	vand.u32 $0xFFFFFF00, v3  }
0xfb: {  	v2 =	vor.u32 v2, v3  }
0xfc: {  	v2 =	vperm.xlane v2, v0;
	_ =	sdelay $0x1  }
0xfd: {  	v2 =	vadd.s32 v1, v2;
	_ =	sdelay $0x4  }
0xfe: {  	[tilespmem:s24], [sflag:$0x3] =	stream.indirect_vreg.gather [hbm4b:s28+s3], $0x80, v2, vm0, $0xb8;
	[tilespmem:$0x18100] =	vst v63  }
0xff: {  	s26 =	simm.s32 $0x10900  }
0x100: {  	[tilespmem:s26], [sflag:$0x3] =	stream.indirect_vreg.gather [hbm4b:s5+s3], $0x80, v2, vm0, $0xb8;
	[tilespmem:$0x18100] =	vst v63  }
0x101: {  	s26 =	simm.s32 $0x11100  }
0x102: {  	[tilespmem:s26], [sflag:$0x3] =	stream.indirect_vreg.gather [hbm4b:s6+s3], $0x80, v2, vm0, $0xb8;
	[tilespmem:$0x18100] =	vst v63  }
0x103: {  	s26 =	simm.s32 $0x11900  }
0x104: {  	[tilespmem:s26], [sflag:$0x3] =	stream.indirect_vreg.gather [hbm4b:s7+s3], $0x80, v2, vm0, $0xb8;
	[tilespmem:$0x18100] =	vst v63  }
0x105: {  	s24 =	simm.s32 $0x12100  }
0x106: {  	[tilespmem:s24], [sflag:$0x3] =	stream.indirect_vreg.gather [hbm4b:s8+s3], $0x80, v2, vm0, $0xb8;
	[tilespmem:$0x18100] =	vst v63  }
0x107: {  	s26 =	simm.s32 $0x12900  }
0x108: {  	[tilespmem:s26], [sflag:$0x3] =	stream.indirect_vreg.gather [hbm4b:s9+s3], $0x80, v2, vm0, $0xb8;
	[tilespmem:$0x18100] =	vst v63  }
0x109: {  	s26 =	simm.s32 $0x13100  }
0x10a: {  	[tilespmem:s26], [sflag:$0x3] =	stream.indirect_vreg.gather [hbm4b:s10+s3], $0x80, v2, vm0, $0xb8;
	[tilespmem:$0x18100] =	vst v63  }
0x10b: {  	s26 =	simm.s32 $0x13900  }
0x10c: {  	[tilespmem:s26], [sflag:$0x3] =	stream.indirect_vreg.gather [hbm4b:s11+s3], $0x80, v2, vm0, $0xb8;
	[tilespmem:$0x18100] =	vst v63  }
0x10d: {  	s26 =	simm.s32 $0x14100  }
0x10e: {  	[tilespmem:s26], [sflag:$0x3] =	stream.indirect_vreg.gather [hbm4b:s12+s3], $0x80, v2, vm0, $0xb8;
	[tilespmem:$0x18100] =	vst v63  }
0x10f: {  	s26 =	simm.s32 $0x14900  }
0x110: {  	[tilespmem:s26], [sflag:$0x3] =	stream.indirect_vreg.gather [hbm4b:s13+s3], $0x80, v2, vm0, $0xb8;
	[tilespmem:$0x18100] =	vst v63  }
0x111: {  	s28 =	simm.s32 $0x15100  }
0x112: {  	[tilespmem:s28], [sflag:$0x3] =	stream.indirect_vreg.gather [hbm4b:s14+s3], $0x80, v2, vm0, $0xb8;
	[tilespmem:$0x18100] =	vst v63  }
0x113: {  	s26 =	simm.s32 $0x15900  }
0x114: {  	[tilespmem:s26], [sflag:$0x3] =	stream.indirect_vreg.gather [hbm4b:s15+s3], $0x80, v2, vm0, $0xb8;
	[tilespmem:$0x18100] =	vst v63  }
0x115: {  	s26 =	simm.s32 $0x16100  }
0x116: {  	[tilespmem:s26], [sflag:$0x3] =	stream.indirect_vreg.gather [hbm4b:s16+s3], $0x80, v2, vm0, $0xb8;
	[tilespmem:$0x18100] =	vst v63  }
0x117: {  	p0 =	sne.s32 s20, $0x18000;
	s26 =	simm.s32 $0x16900  }
0x118: {  	[tilespmem:s26], [sflag:$0x3] =	stream.indirect_vreg.gather [hbm4b:s17+s3], $0x80, v2, vm0, $0xb8;
	[tilespmem:$0x18100] =	vst v63  }
.Ltmp0:
0x119: {  	_ = 	snop;
	(pc) =	sbr.rel @p0 .LBB2_2-.Ltmp0, $4  }
0x11a: {  	_ = 	snop  }
0x11b: {  	[tilespmem:s1], [sflag:$0x3] =	stream.indirect_vreg.gather [hbm4b:s18+s3], $0x80, v2, vm0, $0xb8;
	[tilespmem:$0x18100] =	vst v63  }
0x11c: {  	s22 =	simm.s32 $0x10100;
	s20 =	sadd.s32 $0x3000, s20;
	s0 =	sadd.s32 $0x18, s0  }
0x11d: {  	[tilespmem:s30], [sflag:$0x3] =	stream.indirect_vreg.gather [hbm4b:s19+s3], $0x80, v2, vm0, $0xb8;
	[tilespmem:$0x18100] =	vst v63  }
0x11e: {  	_ =	swait.ge [sflag:s29], $0x8000  }
0x11f: {  	[sflag:s29] =	ssyncset.done $0x0  }
0x120: {  	s20 =	simm.s32 $0x8100;
	s0 =	rddreg [dreg:$0x9];
	[sflag:s29] =	ssyncadd.s32 $0xFFFF8000  }
0x121: {  	[hbm4b:s0+s3] =	stream.linear.scatter [tilespmem:s20], [sflag:$0x5], $0x8000, $0x38;
	[tilespmem:$0x18100] =	vst v63  }
0x122: {  	_ =	swait.ge [sflag:s4], $0x8000  }
0x123: {  	[sflag:s4] =	ssyncset.done $0x0  }
0x124: {  	[sflag:s4] =	ssyncadd.s32 $0xFFFF8000  }
0x125: {  	v2 =	vld.msk [tilespmem:$0xF0], $0xff;
	_ =	sdelay $0x4  }
0x126: {  	v3 =	vshll.u32 v2, $0x5  }
0x127: {  	v2 =	vand.u32 $0x7, v2;
	v3 =	vand.u32 $0xFFFFFF00, v3  }
0x128: {  	v2 =	vor.u32 v2, v3  }
0x129: {  	v2 =	vperm.xlane v2, v0;
	_ =	sdelay $0x1  }
0x12a: {  	v2 =	vadd.s32 v1, v2;
	_ =	sdelay $0x3  }
0x12b: {  	s2 =	simm.s32 $0x100;
	s1 =	rddreg [dreg:$0x1]  }
0x12c: {  	[tilespmem:s2], [sflag:$0x1] =	stream.indirect_vreg.gather [hbm4b:s1+s3], $0x80, v2, vm0, $0xb8;
	[tilespmem:$0x18100] =	vst v63  }
0x12d: {  	s26 =	simm.s32 $0x900  }
0x12e: {  	[tilespmem:s26], [sflag:$0x1] =	stream.indirect_vreg.gather [hbm4b:s5+s3], $0x80, v2, vm0, $0xb8;
	[tilespmem:$0x18100] =	vst v63  }
0x12f: {  	s26 =	simm.s32 $0x1100  }
0x130: {  	[tilespmem:s26], [sflag:$0x1] =	stream.indirect_vreg.gather [hbm4b:s6+s3], $0x80, v2, vm0, $0xb8;
	[tilespmem:$0x18100] =	vst v63  }
0x131: {  	s26 =	simm.s32 $0x1900  }
0x132: {  	[tilespmem:s26], [sflag:$0x1] =	stream.indirect_vreg.gather [hbm4b:s7+s3], $0x80, v2, vm0, $0xb8;
	[tilespmem:$0x18100] =	vst v63  }
0x133: {  	s26 =	simm.s32 $0x2100  }
0x134: {  	[tilespmem:s26], [sflag:$0x1] =	stream.indirect_vreg.gather [hbm4b:s8+s3], $0x80, v2, vm0, $0xb8;
	[tilespmem:$0x18100] =	vst v63  }
0x135: {  	s26 =	simm.s32 $0x2900  }
0x136: {  	[tilespmem:s26], [sflag:$0x1] =	stream.indirect_vreg.gather [hbm4b:s9+s3], $0x80, v2, vm0, $0xb8;
	[tilespmem:$0x18100] =	vst v63  }
0x137: {  	s26 =	simm.s32 $0x3100  }
0x138: {  	[tilespmem:s26], [sflag:$0x1] =	stream.indirect_vreg.gather [hbm4b:s10+s3], $0x80, v2, vm0, $0xb8;
	[tilespmem:$0x18100] =	vst v63  }
0x139: {  	s26 =	simm.s32 $0x3900  }
0x13a: {  	[tilespmem:s26], [sflag:$0x1] =	stream.indirect_vreg.gather [hbm4b:s11+s3], $0x80, v2, vm0, $0xb8;
	[tilespmem:$0x18100] =	vst v63  }
0x13b: {  	s26 =	simm.s32 $0x4100  }
0x13c: {  	[tilespmem:s26], [sflag:$0x1] =	stream.indirect_vreg.gather [hbm4b:s12+s3], $0x80, v2, vm0, $0xb8;
	[tilespmem:$0x18100] =	vst v63  }
0x13d: {  	s26 =	simm.s32 $0x4900  }
0x13e: {  	[tilespmem:s26], [sflag:$0x1] =	stream.indirect_vreg.gather [hbm4b:s13+s3], $0x80, v2, vm0, $0xb8;
	[tilespmem:$0x18100] =	vst v63  }
0x13f: {  	s26 =	simm.s32 $0x5100  }
0x140: {  	[tilespmem:s26], [sflag:$0x1] =	stream.indirect_vreg.gather [hbm4b:s14+s3], $0x80, v2, vm0, $0xb8;
	[tilespmem:$0x18100] =	vst v63  }
0x141: {  	s26 =	simm.s32 $0x5900  }
0x142: {  	[tilespmem:s26], [sflag:$0x1] =	stream.indirect_vreg.gather [hbm4b:s15+s3], $0x80, v2, vm0, $0xb8;
	[tilespmem:$0x18100] =	vst v63  }
0x143: {  	s26 =	simm.s32 $0x6100  }
0x144: {  	[tilespmem:s26], [sflag:$0x1] =	stream.indirect_vreg.gather [hbm4b:s16+s3], $0x80, v2, vm0, $0xb8;
	[tilespmem:$0x18100] =	vst v63  }
0x145: {  	s26 =	simm.s32 $0x6900  }
0x146: {  	[tilespmem:s26], [sflag:$0x1] =	stream.indirect_vreg.gather [hbm4b:s17+s3], $0x80, v2, vm0, $0xb8;
	[tilespmem:$0x18100] =	vst v63  }
0x147: {  	s26 =	simm.s32 $0x7100  }
0x148: {  	[tilespmem:s26], [sflag:$0x1] =	stream.indirect_vreg.gather [hbm4b:s18+s3], $0x80, v2, vm0, $0xb8;
	[tilespmem:$0x18100] =	vst v63  }
0x149: {  	s26 =	simm.s32 $0x7900  }
0x14a: {  	[tilespmem:s26], [sflag:$0x1] =	stream.indirect_vreg.gather [hbm4b:s19+s3], $0x80, v2, vm0, $0xb8;
	[tilespmem:$0x18100] =	vst v63  }
0x14b: {  	_ =	swait.ge [sflag:s25], $0x8000  }
0x14c: {  	[sflag:s25] =	ssyncset.done $0x0  }
0x14d: {  	s26 =	rddreg [dreg:$0xa];
	[sflag:s25] =	ssyncadd.s32 $0xFFFF8000  }
0x14e: {  	[hbm4b:s26+s3] =	stream.linear.scatter [tilespmem:s22], [sflag:$0x6], $0x8000, $0x38;
	[tilespmem:$0x18100] =	vst v63  }
0x14f: {  	_ =	swait.ge [sflag:s31], $0x8000  }
0x150: {  	[sflag:s31] =	ssyncset.done $0x0  }
0x151: {  	[sflag:s31] =	ssyncadd.s32 $0xFFFF8000  }
0x152: {  	v2 =	vld.msk [tilespmem:$0xF8], $0xff;
	_ =	sdelay $0x4  }
0x153: {  	v3 =	vshll.u32 v2, $0x5  }
0x154: {  	v2 =	vand.u32 $0x7, v2;
	v3 =	vand.u32 $0xFFFFFF00, v3  }
0x155: {  	v2 =	vor.u32 v2, v3  }
0x156: {  	v2 =	vperm.xlane v2, v0;
	_ =	sdelay $0x1  }
0x157: {  	v2 =	vadd.s32 v1, v2;
	_ =	sdelay $0x4  }
0x158: {  	[tilespmem:s20], [sflag:$0x2] =	stream.indirect_vreg.gather [hbm4b:s1+s3], $0x80, v2, vm0, $0xb8;
	[tilespmem:$0x18100] =	vst v63  }
0x159: {  	s1 =	simm.s32 $0x8900  }
0x15a: {  	[tilespmem:s1], [sflag:$0x2] =	stream.indirect_vreg.gather [hbm4b:s5+s3], $0x80, v2, vm0, $0xb8;
	[tilespmem:$0x18100] =	vst v63  }
0x15b: {  	s26 =	simm.s32 $0x9100  }
0x15c: {  	[tilespmem:s26], [sflag:$0x2] =	stream.indirect_vreg.gather [hbm4b:s6+s3], $0x80, v2, vm0, $0xb8;
	[tilespmem:$0x18100] =	vst v63  }
0x15d: {  	s1 =	simm.s32 $0x9900  }
0x15e: {  	[tilespmem:s1], [sflag:$0x2] =	stream.indirect_vreg.gather [hbm4b:s7+s3], $0x80, v2, vm0, $0xb8;
	[tilespmem:$0x18100] =	vst v63  }
0x15f: {  	s26 =	simm.s32 $0xA100  }
0x160: {  	[tilespmem:s26], [sflag:$0x2] =	stream.indirect_vreg.gather [hbm4b:s8+s3], $0x80, v2, vm0, $0xb8;
	[tilespmem:$0x18100] =	vst v63  }
0x161: {  	s1 =	simm.s32 $0xA900  }
0x162: {  	[tilespmem:s1], [sflag:$0x2] =	stream.indirect_vreg.gather [hbm4b:s9+s3], $0x80, v2, vm0, $0xb8;
	[tilespmem:$0x18100] =	vst v63  }
0x163: {  	s26 =	simm.s32 $0xB100  }
0x164: {  	[tilespmem:s26], [sflag:$0x2] =	stream.indirect_vreg.gather [hbm4b:s10+s3], $0x80, v2, vm0, $0xb8;
	[tilespmem:$0x18100] =	vst v63  }
0x165: {  	s1 =	simm.s32 $0xB900  }
0x166: {  	[tilespmem:s1], [sflag:$0x2] =	stream.indirect_vreg.gather [hbm4b:s11+s3], $0x80, v2, vm0, $0xb8;
	[tilespmem:$0x18100] =	vst v63  }
0x167: {  	s26 =	simm.s32 $0xC100  }
0x168: {  	[tilespmem:s26], [sflag:$0x2] =	stream.indirect_vreg.gather [hbm4b:s12+s3], $0x80, v2, vm0, $0xb8;
	[tilespmem:$0x18100] =	vst v63  }
0x169: {  	s1 =	simm.s32 $0xC900  }
0x16a: {  	[tilespmem:s1], [sflag:$0x2] =	stream.indirect_vreg.gather [hbm4b:s13+s3], $0x80, v2, vm0, $0xb8;
	[tilespmem:$0x18100] =	vst v63  }
0x16b: {  	s26 =	simm.s32 $0xD100  }
0x16c: {  	[tilespmem:s26], [sflag:$0x2] =	stream.indirect_vreg.gather [hbm4b:s14+s3], $0x80, v2, vm0, $0xb8;
	[tilespmem:$0x18100] =	vst v63  }
0x16d: {  	s1 =	simm.s32 $0xD900  }
0x16e: {  	[tilespmem:s1], [sflag:$0x2] =	stream.indirect_vreg.gather [hbm4b:s15+s3], $0x80, v2, vm0, $0xb8;
	[tilespmem:$0x18100] =	vst v63  }
0x16f: {  	s26 =	simm.s32 $0xE100  }
0x170: {  	[tilespmem:s26], [sflag:$0x2] =	stream.indirect_vreg.gather [hbm4b:s16+s3], $0x80, v2, vm0, $0xb8;
	[tilespmem:$0x18100] =	vst v63  }
0x171: {  	s1 =	simm.s32 $0xE900  }
0x172: {  	[tilespmem:s1], [sflag:$0x2] =	stream.indirect_vreg.gather [hbm4b:s17+s3], $0x80, v2, vm0, $0xb8;
	[tilespmem:$0x18100] =	vst v63  }
0x173: {  	s26 =	simm.s32 $0xF100  }
0x174: {  	[tilespmem:s26], [sflag:$0x2] =	stream.indirect_vreg.gather [hbm4b:s18+s3], $0x80, v2, vm0, $0xb8;
	[tilespmem:$0x18100] =	vst v63  }
0x175: {  	s1 =	simm.s32 $0xF900  }
0x176: {  	[tilespmem:s1], [sflag:$0x2] =	stream.indirect_vreg.gather [hbm4b:s19+s3], $0x80, v2, vm0, $0xb8;
	[tilespmem:$0x18100] =	vst v63  }
0x177: {  	_ =	swait.ge [sflag:s21], $0x8000  }
0x178: {  	[sflag:s21] =	ssyncset.done $0x0  }
0x179: {  	s26 =	rddreg [dreg:$0xb];
	[sflag:s21] =	ssyncadd.s32 $0xFFFF8000  }
0x17a: {  	[hbm4b:s26+s3] =	stream.linear.scatter [tilespmem:s2], [sflag:$0x4], $0x8000, $0x38;
	[tilespmem:$0x18100] =	vst v63  }
0x17b: {  	_ =	swait.ge [sflag:s23], $0x8000  }
0x17c: {  	[sflag:s23] =	ssyncset.done $0x0  }
0x17d: {  	[sflag:s23] =	ssyncadd.s32 $0xFFFF8000  }
0x17e: {  	_ =	swait.ge [sflag:s29], $0x8000  }
0x17f: {  	[sflag:s29] =	ssyncset.done $0x0  }
0x180: {  	s1 =	rddreg [dreg:$0xc];
	[sflag:s29] =	ssyncadd.s32 $0xFFFF8000  }
0x181: {  	[hbm4b:s1+s3] =	stream.linear.scatter [tilespmem:s20], [sflag:$0x5], $0x8000, $0x38;
	[tilespmem:$0x18100] =	vst v63  }
0x182: {  	_ =	swait.ge [sflag:s4], $0x8000  }
0x183: {  	[sflag:s4] =	ssyncset.done $0x0  }
0x184: {  	[sflag:s4] =	ssyncadd.s32 $0xFFFF8000  }
0x185: {  	_ =	swait.ge [sflag:s31], $0x8000  }
0x186: {  	s20 =	rddreg [dreg:$0xe]  }
0x187: {  	s26 =	rddreg [dreg:$0xd];
	s1 =	sadd.s32 $0x1, s20  }
0x188: {  	p0 =	sne.s32 s1, s26  }
.Ltmp1:
0x189: {  	_ = 	snop;
	(pc) =	sbr.rel @p0 .LBB2_1-.Ltmp1, $3  }
0x18a: {  	_ =	sdelay $0x1  }
0x18b: {  	[sflag:s31] =	ssyncset.done $0x0  }
0x18c: {  	s2 =	simm.s32 $0x8100;
	[sflag:s31] =	ssyncadd.s32 $0xFFFF8000  }
0x18d: {  	_ =	sfence.sel $0x180000  }
0x18e: {  	[bflag:$0x0] =	sbarrier.arrive $0xFFFF  }
0x18f: {  	_ =	strace $0x90000047  }
0x190: {  	s0 =	stileid.u32;
	[bflag:$0x2] =	sbarrier.arrive $0xFFFF  }
0x191: {  	p0 =	sne.s32 s0, $0x0;
	s0 =	rddreg [dreg:$0x3]  }
0x192: {  	s0 =	sadd.s32 @!p0 $0x100000, s0  }
0x193: {  	[sflag:s0] =	ssyncadd.tile.s32 @!p0 $0x1;
	_ =	shalt  }
.Lfunc_end2:
_tile_overlayer_lowered:
.L_overlay_start_2:
0x194: {  	(tag) =	ssettag $0x2  }
0x195: {  	s0 =	rddreg [dreg:$0x0];
	s2 =	stileid.u32  }
0x196: {  	s1 =	rddreg [dreg:$0x1];
	p0 =	sne.s32 s2, $0x0  }
0x197: {  	s3 =	rddreg [dreg:$0x2];
	[bflag:$0x3] =	sbarrier.arrive $0xFFFF;
	s2 =	simm.s32 @!p0 $0x1C07  }
0x198: {  	[timem:s3], [sflag:s2] =	dma.local @!p0 [hbm:s0], s1  }
0x199: {  	s0 =	simm.s32 @!p0 $0x7  }
0x19a: {  	_ =	swait.ge @!p0 [sflag:s0], s1  }
0x19b: {  	s1 =	ssub.s32 @!p0 $0x0, s1;
	[sflag:s0] =	ssyncset.done @!p0 $0x0  }
0x19c: {  	[sflag:s0] =	ssyncadd.s32 @!p0 s1  }
0x19d: {  	[bflag:$0x3] =	sbarrier.arrive $0xFFFF  }
0x19e: {  	_ =	shalt  }

</sc_bundles>
